<compile_context>
chip_gen: v7x
topology: tpu7x:2x2x1
jax: 0.10.2.dev20260603
libtpu: 0.0.44.dev20260713+nightly
codegen_flags: <defaults>
</compile_context>

<pallas_src>
import jax
import jax.numpy as jnp
from jax import lax
from jax.experimental import pallas as pl
from jax.experimental.pallas import tpu as pltpu
from jax.experimental.pallas import tpu_sc as plsc

ROWS, COLS = 16384, 200
TABLE = 1_000_000
N = ROWS * COLS
NC, NS, LANES = 2, 16, 16
NW = NC * NS
NPW = N // NW
CHUNK = 12800
NCHUNK = NPW // CHUNK
TCHUNK = 10_000
NTCHUNK = TABLE // TCHUNK
NJ = (NTCHUNK + NS - 1) // NS


def _sc_body(idx_hbm, lam_hbm, out_hbm,
             idx_a, idx_b, val_a, val_b, tab_sh,
             isem_a, isem_b, gsem_a, gsem_b, osem_a, osem_b):
    sid = lax.axis_index("s")
    cid = lax.axis_index("c")
    wid = sid * NC + cid

    idx_v = [idx_a, idx_b]
    val_v = [val_a, val_b]
    isem = [isem_a, isem_b]
    gsem = [gsem_a, gsem_b]
    osem = [osem_a, osem_b]
    base = wid * NPW

    def start_idx(c, b):
        off = base + c * CHUNK
        pltpu.async_copy(idx_hbm.at[pl.ds(off, CHUNK)], idx_v[b], isem[b])

    def wait_idx(b):
        pltpu.make_async_copy(
            idx_hbm.at[pl.ds(base, CHUNK)], idx_v[b], isem[b]
        ).wait()

    start_idx(0, 0)
    start_idx(1, 1)

    def tstage(b):
        return val_v[b].at[pl.ds(0, TCHUNK)]

    def tstart(j, b):
        o = (j * NS + sid) * TCHUNK

        @pl.when(j * NS + sid < NTCHUNK)
        def _():
            pltpu.async_copy(lam_hbm.at[pl.ds(o, TCHUNK)], tstage(b), gsem[b])

    def twait(j, b):
        @pl.when(j * NS + sid < NTCHUNK)
        def _():
            pltpu.make_async_copy(
                lam_hbm.at[pl.ds(0, TCHUNK)], tstage(b), gsem[b]
            ).wait()

    tstart(0, 0)
    for j in range(NJ):
        cur = j & 1
        nxt = 1 - cur
        if j + 1 < NJ:
            tstart(j + 1, nxt)
        twait(j, cur)

        @pl.when(j * NS + sid < NTCHUNK)
        def _():
            stage = tstage(cur)

            def fa(i, _):
                v = stage[pl.ds(i * LANES, LANES)]
                stage[pl.ds(i * LANES, LANES)] = jnp.where(
                    v >= 1.0, v, jnp.exp(v - 1.0)
                )
                return 0

            lax.fori_loop(0, TCHUNK // LANES, fa, 0, unroll=8)
            o = (j * NS + sid) * TCHUNK
            pltpu.sync_copy(stage, tab_sh.at[pl.ds(o, TCHUNK)])

    plsc.subcore_barrier()

    def start_gather(b):
        pltpu.async_copy(tab_sh.at[idx_v[b]], val_v[b], gsem[b])

    def finish_gather(b):
        pltpu.make_async_copy(tab_sh.at[idx_v[b]], val_v[b], gsem[b]).wait()

    def wait_out(b):
        pltpu.make_async_copy(
            val_v[b], out_hbm.at[pl.ds(base, CHUNK)], osem[b]
        ).wait()

    wait_idx(0)
    start_gather(0)

    for c in range(NCHUNK):
        cur = c & 1
        nxt = 1 - cur
        if c + 1 < NCHUNK:
            if c + 1 >= 2:
                start_idx(c + 1, nxt)
            wait_idx(nxt)
            if c + 1 >= 2:
                wait_out(nxt)
            start_gather(nxt)
        finish_gather(cur)
        off = base + c * CHUNK
        pltpu.async_copy(val_v[cur], out_hbm.at[pl.ds(off, CHUNK)], osem[cur])

    wait_out(0)
    wait_out(1)


def kernel(t_idx, lam):
    idx_flat = t_idx.reshape(N)
    mesh = plsc.VectorSubcoreMesh(core_axis_name="c", subcore_axis_name="s")
    out = pl.kernel(
        _sc_body,
        out_type=jax.ShapeDtypeStruct((N,), jnp.float32),
        mesh=mesh,
        scratch_types=[
            pltpu.VMEM((CHUNK,), jnp.int32),
            pltpu.VMEM((CHUNK,), jnp.int32),
            pltpu.VMEM((CHUNK,), jnp.float32),
            pltpu.VMEM((CHUNK,), jnp.float32),
            pltpu.MemorySpace.VMEM_SHARED((TABLE,), jnp.float32),
            pltpu.SemaphoreType.DMA,
            pltpu.SemaphoreType.DMA,
            pltpu.SemaphoreType.DMA,
            pltpu.SemaphoreType.DMA,
            pltpu.SemaphoreType.DMA,
            pltpu.SemaphoreType.DMA,
        ],
    )(idx_flat, lam)
    return out.reshape(ROWS, COLS)

# --- scband reference (transcript-rebuilt; emitter-appended) ---
"""Pipeline reference for scband-self-adaptive-3418793968219 (READ-ONLY COPY).

The authoritative reference and input builder live on the scoring server;
editing this copy changes nothing except your own understanding.
"""

import jax, jax.numpy as jnp
import numpy as np

LAMBDA_SHAPE = 1000000
A = 1.0  # polynomial mask, smooth, non-learnable


def setup_inputs(seed: int = 0) -> dict:
    key = jax.random.key(seed)
    t_idx = jax.random.randint(key, (16384, 200), 0, LAMBDA_SHAPE, dtype=jnp.int32)
    # learned parameter: self-adaptive weights lambda, initialized to ones per __init__
    lam = jnp.ones((LAMBDA_SHAPE,), dtype=jnp.float32)
    return {"t_idx": t_idx, "lam": lam}


def reference(t_idx, lam):
    # __call__: lambda_mask(jnp.take(lam, t_idx)) with polynomial mask
    a = jnp.abs(jnp.asarray(A, dtype=jnp.float32))
    v = jnp.take(lam, t_idx)
    return jnp.where(v >= 1, v ** a, jnp.exp(a * (v - 1)))

if __name__ == "__main__":
    import jax
    _d = setup_inputs()
    print(jax.jit(kernel)(*tuple(_d.values())))

</pallas_src>

<mosaic_0001>
#map = affine_map<(d0, d1) -> (0)>
module attributes {stable_mosaic.version = 14 : i64} {
  func.func @_sc_body(%arg0: i32, %arg1: i32, %arg2: memref<3276800xi32, #tpu.memory_space<hbm>>, %arg3: memref<1000000xf32, #tpu.memory_space<hbm>>, %arg4: memref<3276800xf32, #tpu.memory_space<hbm>>, %arg5: memref<12800xi32, #tpu.memory_space<vmem>>, %arg6: memref<12800xi32, #tpu.memory_space<vmem>>, %arg7: memref<12800xf32, #tpu.memory_space<vmem>>, %arg8: memref<12800xf32, #tpu.memory_space<vmem>>, %arg9: memref<1000000xf32, #tpu.memory_space<vmem_shared>>, %arg10: memref<!tpu.dma_semaphore, #tpu.memory_space<semaphore_mem>>, %arg11: memref<!tpu.dma_semaphore, #tpu.memory_space<semaphore_mem>>, %arg12: memref<!tpu.dma_semaphore, #tpu.memory_space<semaphore_mem>>, %arg13: memref<!tpu.dma_semaphore, #tpu.memory_space<semaphore_mem>>, %arg14: memref<!tpu.dma_semaphore, #tpu.memory_space<semaphore_mem>>, %arg15: memref<!tpu.dma_semaphore, #tpu.memory_space<semaphore_mem>>) attributes {dimension_semantics = [#tpu.dimension_semantics<core_parallel>, #tpu.dimension_semantics<subcore_parallel>], iteration_bounds = array<i64: 2, 16>, scalar_prefetch = 0 : i64, scratch_operands = 11 : i64, tpu.core_type = #tpu.core_type<sc_vector_subcore>, window_params = [{transform_indices = #map}, {transform_indices = #map}, {transform_indices = #map}]} {
    %mul3A = arith.constant 2 : i32
    %mul3A_0 = arith.muli %arg1, %mul3A : i32
    %add3A = arith.addi %mul3A_0, %arg0 : i32
    %mul3A_1 = arith.constant 102400 : i32
    %mul3A_2 = arith.muli %add3A, %mul3A_1 : i32
    %add3A_3 = arith.constant 0 : i32
    %add3A_4 = arith.addi %mul3A_2, %add3A_3 : i32
    %dma_start3A = tpu.memref_slice %arg2[%add3A_4] : memref<3276800xi32, #tpu.memory_space<hbm>> -> memref<12800xi32, #tpu.memory_space<hbm>>
    %dma_start3A_5 = tpu.memref_slice %arg2[%add3A_4] : memref<3276800xi32, #tpu.memory_space<hbm>> -> memref<12800xi32, #tpu.memory_space<hbm>>
    tpu.enqueue_dma source(%dma_start3A_5 : memref<12800xi32, #tpu.memory_space<hbm>>) target(%arg5 : memref<12800xi32, #tpu.memory_space<vmem>>) target_semaphore(%arg10 : memref<!tpu.dma_semaphore, #tpu.memory_space<semaphore_mem>>)
    %add3A_6 = arith.constant 12800 : i32
    %add3A_7 = arith.addi %mul3A_2, %add3A_6 : i32
    %dma_start3A_8 = tpu.memref_slice %arg2[%add3A_7] : memref<3276800xi32, #tpu.memory_space<hbm>> -> memref<12800xi32, #tpu.memory_space<hbm>>
    %dma_start3A_9 = tpu.memref_slice %arg2[%add3A_7] : memref<3276800xi32, #tpu.memory_space<hbm>> -> memref<12800xi32, #tpu.memory_space<hbm>>
    tpu.enqueue_dma source(%dma_start3A_9 : memref<12800xi32, #tpu.memory_space<hbm>>) target(%arg6 : memref<12800xi32, #tpu.memory_space<vmem>>) target_semaphore(%arg11 : memref<!tpu.dma_semaphore, #tpu.memory_space<semaphore_mem>>)
    %add3A_10 = arith.constant 0 : i32
    %add3A_11 = arith.addi %add3A_10, %arg1 : i32
    %mul3A_12 = arith.constant 10000 : i32
    %mul3A_13 = arith.muli %add3A_11, %mul3A_12 : i32
    %add3A_14 = arith.constant 0 : i32
    %add3A_15 = arith.addi %add3A_14, %arg1 : i32
    %lt3A = arith.constant 100 : i32
    %lt3A_16 = arith.cmpi slt, %add3A_15, %lt3A : i32
    %convert_element_type3A = arith.extui %lt3A_16 : i1 to i32
    %cond3A = arith.constant 0 : i32
    %cond3A_17 = arith.cmpi ne, %convert_element_type3A, %cond3A : i32
    scf.if %cond3A_17 {
      %dma_start3A_301 = arith.constant 0 : i32
      %dma_start3A_302 = tpu.memref_slice %arg7[%dma_start3A_301] : memref<12800xf32, #tpu.memory_space<vmem>> -> memref<10000xf32, #tpu.memory_space<vmem>>
      %dma_start3A_303 = tpu.memref_slice %arg3[%mul3A_13] : memref<1000000xf32, #tpu.memory_space<hbm>> -> memref<10000xf32, #tpu.memory_space<hbm>>
      %dma_start3A_304 = arith.constant 0 : i32
      %dma_start3A_305 = tpu.memref_slice %arg7[%dma_start3A_304] : memref<12800xf32, #tpu.memory_space<vmem>> -> memref<10000xf32, #tpu.memory_space<vmem>>
      %dma_start3A_306 = tpu.memref_slice %arg3[%mul3A_13] : memref<1000000xf32, #tpu.memory_space<hbm>> -> memref<10000xf32, #tpu.memory_space<hbm>>
      tpu.enqueue_dma source(%dma_start3A_306 : memref<10000xf32, #tpu.memory_space<hbm>>) target(%dma_start3A_305 : memref<10000xf32, #tpu.memory_space<vmem>>) target_semaphore(%arg12 : memref<!tpu.dma_semaphore, #tpu.memory_space<semaphore_mem>>)
    } else {
    }
    %add3A_18 = arith.constant 16 : i32
    %add3A_19 = arith.addi %add3A_18, %arg1 : i32
    %mul3A_20 = arith.constant 10000 : i32
    %mul3A_21 = arith.muli %add3A_19, %mul3A_20 : i32
    %add3A_22 = arith.constant 16 : i32
    %add3A_23 = arith.addi %add3A_22, %arg1 : i32
    %lt3A_24 = arith.constant 100 : i32
    %lt3A_25 = arith.cmpi slt, %add3A_23, %lt3A_24 : i32
    %convert_element_type3A_26 = arith.extui %lt3A_25 : i1 to i32
    %cond3A_27 = arith.constant 0 : i32
    %cond3A_28 = arith.cmpi ne, %convert_element_type3A_26, %cond3A_27 : i32
    scf.if %cond3A_28 {
      %dma_start3A_301 = arith.constant 0 : i32
      %dma_start3A_302 = tpu.memref_slice %arg8[%dma_start3A_301] : memref<12800xf32, #tpu.memory_space<vmem>> -> memref<10000xf32, #tpu.memory_space<vmem>>
      %dma_start3A_303 = tpu.memref_slice %arg3[%mul3A_21] : memref<1000000xf32, #tpu.memory_space<hbm>> -> memref<10000xf32, #tpu.memory_space<hbm>>
      %dma_start3A_304 = arith.constant 0 : i32
      %dma_start3A_305 = tpu.memref_slice %arg8[%dma_start3A_304] : memref<12800xf32, #tpu.memory_space<vmem>> -> memref<10000xf32, #tpu.memory_space<vmem>>
      %dma_start3A_306 = tpu.memref_slice %arg3[%mul3A_21] : memref<1000000xf32, #tpu.memory_space<hbm>> -> memref<10000xf32, #tpu.memory_space<hbm>>
      tpu.enqueue_dma source(%dma_start3A_306 : memref<10000xf32, #tpu.memory_space<hbm>>) target(%dma_start3A_305 : memref<10000xf32, #tpu.memory_space<vmem>>) target_semaphore(%arg13 : memref<!tpu.dma_semaphore, #tpu.memory_space<semaphore_mem>>)
    } else {
    }
    %add3A_29 = arith.constant 0 : i32
    %add3A_30 = arith.addi %add3A_29, %arg1 : i32
    %lt3A_31 = arith.constant 100 : i32
    %lt3A_32 = arith.cmpi slt, %add3A_30, %lt3A_31 : i32
    %convert_element_type3A_33 = arith.extui %lt3A_32 : i1 to i32
    %cond3A_34 = arith.constant 0 : i32
    %cond3A_35 = arith.cmpi ne, %convert_element_type3A_33, %cond3A_34 : i32
    scf.if %cond3A_35 {
      %dma_wait3A_301 = arith.constant 0 : i32
      %dma_wait3A_302 = tpu.memref_slice %arg7[%dma_wait3A_301] : memref<12800xf32, #tpu.memory_space<vmem>> -> memref<10000xf32, #tpu.memory_space<vmem>>
      %dma_wait3A_303 = arith.constant 0 : i32
      %dma_wait3A_304 = tpu.memref_slice %arg3[%dma_wait3A_303] : memref<1000000xf32, #tpu.memory_space<hbm>> -> memref<10000xf32, #tpu.memory_space<hbm>>
      %dma_wait3A_305 = arith.constant 0 : i32
      %dma_wait3A_306 = tpu.memref_slice %arg7[%dma_wait3A_305] : memref<12800xf32, #tpu.memory_space<vmem>> -> memref<10000xf32, #tpu.memory_space<vmem>>
      %dma_wait3A_307 = arith.constant 0 : i32
      %dma_wait3A_308 = tpu.memref_slice %arg3[%dma_wait3A_307] : memref<1000000xf32, #tpu.memory_space<hbm>> -> memref<10000xf32, #tpu.memory_space<hbm>>
      tpu.wait_dma2 semaphore(%arg12 : memref<!tpu.dma_semaphore, #tpu.memory_space<semaphore_mem>>) src(%dma_wait3A_308 : memref<10000xf32, #tpu.memory_space<hbm>>) dst(%dma_wait3A_306 : memref<10000xf32, #tpu.memory_space<vmem>>)
    } else {
    }
    %add3A_36 = arith.constant 0 : i32
    %add3A_37 = arith.addi %add3A_36, %arg1 : i32
    %lt3A_38 = arith.constant 100 : i32
    %lt3A_39 = arith.cmpi slt, %add3A_37, %lt3A_38 : i32
    %convert_element_type3A_40 = arith.extui %lt3A_39 : i1 to i32
    %cond3A_41 = arith.constant 0 : i32
    %cond3A_42 = arith.cmpi ne, %convert_element_type3A_40, %cond3A_41 : i32
    scf.if %cond3A_42 {
      %scan3A = arith.constant 0 : i32
      %scan3A_301 = arith.constant 0 : i32
      %scan3A_302 = arith.constant 624 : i32
      %scan3A_303 = arith.addi %scan3A_301, %scan3A_302 : i32
      %scan3A_304 = arith.constant 8 : i32
      %scan3A_305 = scf.for %scan3A_331 = %scan3A_301 to %scan3A_303 step %scan3A_304 iter_args(%scan3A_332 = %scan3A) -> (i32)  : i32 {
        %mul3A_333 = arith.constant 16 : i32
        %mul3A_334 = arith.muli %scan3A_331, %mul3A_333 : i32
        %get3A_335 = arith.constant 0 : i32
        %get3A_336 = tpu.memref_slice %arg7[%get3A_335] : memref<12800xf32, #tpu.memory_space<vmem>> -> memref<10000xf32, #tpu.memory_space<vmem>>
        %get3A_337 = arith.index_cast %mul3A_334 : i32 to index
        %get3A_338 = tpu.vector_load %get3A_336[%get3A_337] {strides = array<i32>} : memref<10000xf32, #tpu.memory_space<vmem>>, vector<16xf32>,
        %get3A_339 = vector.shape_cast %get3A_338 : vector<16xf32> to vector<16xf32>
        %ge3A_340 = arith.constant 1.000000e+00 : f32
        %ge3A_341 = vector.broadcast %ge3A_340 : f32 to vector<16xf32>
        %ge3A_342 = arith.cmpf oge, %get3A_339, %ge3A_341 : vector<16xf32>
        %sub3A_343 = arith.constant 1.000000e+00 : f32
        %sub3A_344 = vector.broadcast %sub3A_343 : f32 to vector<16xf32>
        %sub3A_345 = arith.subf %get3A_339, %sub3A_344 : vector<16xf32>
        %exp3A_346 = math.exp %sub3A_345 : vector<16xf32>
        %select_n3A_347 = arith.select %ge3A_342, %get3A_339, %exp3A_346 : vector<16xi1>, vector<16xf32>
        %mul3A_348 = arith.constant 16 : i32
        %mul3A_349 = arith.muli %scan3A_331, %mul3A_348 : i32
        %swap3A_350 = arith.constant 0 : i32
        %swap3A_351 = tpu.memref_slice %arg7[%swap3A_350] : memref<12800xf32, #tpu.memory_space<vmem>> -> memref<10000xf32, #tpu.memory_space<vmem>>
        %swap3A_352 = arith.index_cast %mul3A_349 : i32 to index
        %swap3A_353 = tpu.vector_load %swap3A_351[%swap3A_352] {strides = array<i32>} : memref<10000xf32, #tpu.memory_space<vmem>>, vector<16xf32>,
        %swap3A_354 = vector.shape_cast %swap3A_353 : vector<16xf32> to vector<16xf32>
        %swap3A_355 = vector.shape_cast %select_n3A_347 : vector<16xf32> to vector<16xf32>
        tpu.vector_store %swap3A_351[%swap3A_352], %swap3A_355 {strides = array<i32>} : memref<10000xf32, #tpu.memory_space<vmem>>, vector<16xf32>,
        %scan3A_356 = arith.constant 0 : i32
        %scan3A_357 = arith.constant 1 : i32
        %scan3A_358 = arith.addi %scan3A_331, %scan3A_357 : i32
        %mul3A_359 = arith.constant 16 : i32
        %mul3A_360 = arith.muli %scan3A_358, %mul3A_359 : i32
        %get3A_361 = arith.constant 0 : i32
        %get3A_362 = tpu.memref_slice %arg7[%get3A_361] : memref<12800xf32, #tpu.memory_space<vmem>> -> memref<10000xf32, #tpu.memory_space<vmem>>
        %get3A_363 = arith.index_cast %mul3A_360 : i32 to index
        %get3A_364 = tpu.vector_load %get3A_362[%get3A_363] {strides = array<i32>} : memref<10000xf32, #tpu.memory_space<vmem>>, vector<16xf32>,
        %get3A_365 = vector.shape_cast %get3A_364 : vector<16xf32> to vector<16xf32>
        %ge3A_366 = arith.constant 1.000000e+00 : f32
        %ge3A_367 = vector.broadcast %ge3A_366 : f32 to vector<16xf32>
        %ge3A_368 = arith.cmpf oge, %get3A_365, %ge3A_367 : vector<16xf32>
        %sub3A_369 = arith.constant 1.000000e+00 : f32
        %sub3A_370 = vector.broadcast %sub3A_369 : f32 to vector<16xf32>
        %sub3A_371 = arith.subf %get3A_365, %sub3A_370 : vector<16xf32>
        %exp3A_372 = math.exp %sub3A_371 : vector<16xf32>
        %select_n3A_373 = arith.select %ge3A_368, %get3A_365, %exp3A_372 : vector<16xi1>, vector<16xf32>
        %mul3A_374 = arith.constant 16 : i32
        %mul3A_375 = arith.muli %scan3A_358, %mul3A_374 : i32
        %swap3A_376 = arith.constant 0 : i32
        %swap3A_377 = tpu.memref_slice %arg7[%swap3A_376] : memref<12800xf32, #tpu.memory_space<vmem>> -> memref<10000xf32, #tpu.memory_space<vmem>>
        %swap3A_378 = arith.index_cast %mul3A_375 : i32 to index
        %swap3A_379 = tpu.vector_load %swap3A_377[%swap3A_378] {strides = array<i32>} : memref<10000xf32, #tpu.memory_space<vmem>>, vector<16xf32>,
        %swap3A_380 = vector.shape_cast %swap3A_379 : vector<16xf32> to vector<16xf32>
        %swap3A_381 = vector.shape_cast %select_n3A_373 : vector<16xf32> to vector<16xf32>
        tpu.vector_store %swap3A_377[%swap3A_378], %swap3A_381 {strides = array<i32>} : memref<10000xf32, #tpu.memory_space<vmem>>, vector<16xf32>,
        %scan3A_382 = arith.constant 0 : i32
        %scan3A_383 = arith.constant 2 : i32
        %scan3A_384 = arith.addi %scan3A_331, %scan3A_383 : i32
        %mul3A_385 = arith.constant 16 : i32
        %mul3A_386 = arith.muli %scan3A_384, %mul3A_385 : i32
        %get3A_387 = arith.constant 0 : i32
        %get3A_388 = tpu.memref_slice %arg7[%get3A_387] : memref<12800xf32, #tpu.memory_space<vmem>> -> memref<10000xf32, #tpu.memory_space<vmem>>
        %get3A_389 = arith.index_cast %mul3A_386 : i32 to index
        %get3A_390 = tpu.vector_load %get3A_388[%get3A_389] {strides = array<i32>} : memref<10000xf32, #tpu.memory_space<vmem>>, vector<16xf32>,
        %get3A_391 = vector.shape_cast %get3A_390 : vector<16xf32> to vector<16xf32>
        %ge3A_392 = arith.constant 1.000000e+00 : f32
        %ge3A_393 = vector.broadcast %ge3A_392 : f32 to vector<16xf32>
        %ge3A_394 = arith.cmpf oge, %get3A_391, %ge3A_393 : vector<16xf32>
        %sub3A_395 = arith.constant 1.000000e+00 : f32
        %sub3A_396 = vector.broadcast %sub3A_395 : f32 to vector<16xf32>
        %sub3A_397 = arith.subf %get3A_391, %sub3A_396 : vector<16xf32>
        %exp3A_398 = math.exp %sub3A_397 : vector<16xf32>
        %select_n3A_399 = arith.select %ge3A_394, %get3A_391, %exp3A_398 : vector<16xi1>, vector<16xf32>
        %mul3A_400 = arith.constant 16 : i32
        %mul3A_401 = arith.muli %scan3A_384, %mul3A_400 : i32
        %swap3A_402 = arith.constant 0 : i32
        %swap3A_403 = tpu.memref_slice %arg7[%swap3A_402] : memref<12800xf32, #tpu.memory_space<vmem>> -> memref<10000xf32, #tpu.memory_space<vmem>>
        %swap3A_404 = arith.index_cast %mul3A_401 : i32 to index
        %swap3A_405 = tpu.vector_load %swap3A_403[%swap3A_404] {strides = array<i32>} : memref<10000xf32, #tpu.memory_space<vmem>>, vector<16xf32>,
        %swap3A_406 = vector.shape_cast %swap3A_405 : vector<16xf32> to vector<16xf32>
        %swap3A_407 = vector.shape_cast %select_n3A_399 : vector<16xf32> to vector<16xf32>
        tpu.vector_store %swap3A_403[%swap3A_404], %swap3A_407 {strides = array<i32>} : memref<10000xf32, #tpu.memory_space<vmem>>, vector<16xf32>,
        %scan3A_408 = arith.constant 0 : i32
        %scan3A_409 = arith.constant 3 : i32
        %scan3A_410 = arith.addi %scan3A_331, %scan3A_409 : i32
        %mul3A_411 = arith.constant 16 : i32
        %mul3A_412 = arith.muli %scan3A_410, %mul3A_411 : i32
        %get3A_413 = arith.constant 0 : i32
        %get3A_414 = tpu.memref_slice %arg7[%get3A_413] : memref<12800xf32, #tpu.memory_space<vmem>> -> memref<10000xf32, #tpu.memory_space<vmem>>
        %get3A_415 = arith.index_cast %mul3A_412 : i32 to index
        %get3A_416 = tpu.vector_load %get3A_414[%get3A_415] {strides = array<i32>} : memref<10000xf32, #tpu.memory_space<vmem>>, vector<16xf32>,
        %get3A_417 = vector.shape_cast %get3A_416 : vector<16xf32> to vector<16xf32>
        %ge3A_418 = arith.constant 1.000000e+00 : f32
        %ge3A_419 = vector.broadcast %ge3A_418 : f32 to vector<16xf32>
        %ge3A_420 = arith.cmpf oge, %get3A_417, %ge3A_419 : vector<16xf32>
        %sub3A_421 = arith.constant 1.000000e+00 : f32
        %sub3A_422 = vector.broadcast %sub3A_421 : f32 to vector<16xf32>
        %sub3A_423 = arith.subf %get3A_417, %sub3A_422 : vector<16xf32>
        %exp3A_424 = math.exp %sub3A_423 : vector<16xf32>
        %select_n3A_425 = arith.select %ge3A_420, %get3A_417, %exp3A_424 : vector<16xi1>, vector<16xf32>
        %mul3A_426 = arith.constant 16 : i32
        %mul3A_427 = arith.muli %scan3A_410, %mul3A_426 : i32
        %swap3A_428 = arith.constant 0 : i32
        %swap3A_429 = tpu.memref_slice %arg7[%swap3A_428] : memref<12800xf32, #tpu.memory_space<vmem>> -> memref<10000xf32, #tpu.memory_space<vmem>>
        %swap3A_430 = arith.index_cast %mul3A_427 : i32 to index
        %swap3A_431 = tpu.vector_load %swap3A_429[%swap3A_430] {strides = array<i32>} : memref<10000xf32, #tpu.memory_space<vmem>>, vector<16xf32>,
        %swap3A_432 = vector.shape_cast %swap3A_431 : vector<16xf32> to vector<16xf32>
        %swap3A_433 = vector.shape_cast %select_n3A_425 : vector<16xf32> to vector<16xf32>
        tpu.vector_store %swap3A_429[%swap3A_430], %swap3A_433 {strides = array<i32>} : memref<10000xf32, #tpu.memory_space<vmem>>, vector<16xf32>,
        %scan3A_434 = arith.constant 0 : i32
        %scan3A_435 = arith.constant 4 : i32
        %scan3A_436 = arith.addi %scan3A_331, %scan3A_435 : i32
        %mul3A_437 = arith.constant 16 : i32
        %mul3A_438 = arith.muli %scan3A_436, %mul3A_437 : i32
        %get3A_439 = arith.constant 0 : i32
        %get3A_440 = tpu.memref_slice %arg7[%get3A_439] : memref<12800xf32, #tpu.memory_space<vmem>> -> memref<10000xf32, #tpu.memory_space<vmem>>
        %get3A_441 = arith.index_cast %mul3A_438 : i32 to index
        %get3A_442 = tpu.vector_load %get3A_440[%get3A_441] {strides = array<i32>} : memref<10000xf32, #tpu.memory_space<vmem>>, vector<16xf32>,
        %get3A_443 = vector.shape_cast %get3A_442 : vector<16xf32> to vector<16xf32>
        %ge3A_444 = arith.constant 1.000000e+00 : f32
        %ge3A_445 = vector.broadcast %ge3A_444 : f32 to vector<16xf32>
        %ge3A_446 = arith.cmpf oge, %get3A_443, %ge3A_445 : vector<16xf32>
        %sub3A_447 = arith.constant 1.000000e+00 : f32
        %sub3A_448 = vector.broadcast %sub3A_447 : f32 to vector<16xf32>
        %sub3A_449 = arith.subf %get3A_443, %sub3A_448 : vector<16xf32>
        %exp3A_450 = math.exp %sub3A_449 : vector<16xf32>
        %select_n3A_451 = arith.select %ge3A_446, %get3A_443, %exp3A_450 : vector<16xi1>, vector<16xf32>
        %mul3A_452 = arith.constant 16 : i32
        %mul3A_453 = arith.muli %scan3A_436, %mul3A_452 : i32
        %swap3A_454 = arith.constant 0 : i32
        %swap3A_455 = tpu.memref_slice %arg7[%swap3A_454] : memref<12800xf32, #tpu.memory_space<vmem>> -> memref<10000xf32, #tpu.memory_space<vmem>>
        %swap3A_456 = arith.index_cast %mul3A_453 : i32 to index
        %swap3A_457 = tpu.vector_load %swap3A_455[%swap3A_456] {strides = array<i32>} : memref<10000xf32, #tpu.memory_space<vmem>>, vector<16xf32>,
        %swap3A_458 = vector.shape_cast %swap3A_457 : vector<16xf32> to vector<16xf32>
        %swap3A_459 = vector.shape_cast %select_n3A_451 : vector<16xf32> to vector<16xf32>
        tpu.vector_store %swap3A_455[%swap3A_456], %swap3A_459 {strides = array<i32>} : memref<10000xf32, #tpu.memory_space<vmem>>, vector<16xf32>,
        %scan3A_460 = arith.constant 0 : i32
        %scan3A_461 = arith.constant 5 : i32
        %scan3A_462 = arith.addi %scan3A_331, %scan3A_461 : i32
        %mul3A_463 = arith.constant 16 : i32
        %mul3A_464 = arith.muli %scan3A_462, %mul3A_463 : i32
        %get3A_465 = arith.constant 0 : i32
        %get3A_466 = tpu.memref_slice %arg7[%get3A_465] : memref<12800xf32, #tpu.memory_space<vmem>> -> memref<10000xf32, #tpu.memory_space<vmem>>
        %get3A_467 = arith.index_cast %mul3A_464 : i32 to index
        %get3A_468 = tpu.vector_load %get3A_466[%get3A_467] {strides = array<i32>} : memref<10000xf32, #tpu.memory_space<vmem>>, vector<16xf32>,
        %get3A_469 = vector.shape_cast %get3A_468 : vector<16xf32> to vector<16xf32>
        %ge3A_470 = arith.constant 1.000000e+00 : f32
        %ge3A_471 = vector.broadcast %ge3A_470 : f32 to vector<16xf32>
        %ge3A_472 = arith.cmpf oge, %get3A_469, %ge3A_471 : vector<16xf32>
        %sub3A_473 = arith.constant 1.000000e+00 : f32
        %sub3A_474 = vector.broadcast %sub3A_473 : f32 to vector<16xf32>
        %sub3A_475 = arith.subf %get3A_469, %sub3A_474 : vector<16xf32>
        %exp3A_476 = math.exp %sub3A_475 : vector<16xf32>
        %select_n3A_477 = arith.select %ge3A_472, %get3A_469, %exp3A_476 : vector<16xi1>, vector<16xf32>
        %mul3A_478 = arith.constant 16 : i32
        %mul3A_479 = arith.muli %scan3A_462, %mul3A_478 : i32
        %swap3A_480 = arith.constant 0 : i32
        %swap3A_481 = tpu.memref_slice %arg7[%swap3A_480] : memref<12800xf32, #tpu.memory_space<vmem>> -> memref<10000xf32, #tpu.memory_space<vmem>>
        %swap3A_482 = arith.index_cast %mul3A_479 : i32 to index
        %swap3A_483 = tpu.vector_load %swap3A_481[%swap3A_482] {strides = array<i32>} : memref<10000xf32, #tpu.memory_space<vmem>>, vector<16xf32>,
        %swap3A_484 = vector.shape_cast %swap3A_483 : vector<16xf32> to vector<16xf32>
        %swap3A_485 = vector.shape_cast %select_n3A_477 : vector<16xf32> to vector<16xf32>
        tpu.vector_store %swap3A_481[%swap3A_482], %swap3A_485 {strides = array<i32>} : memref<10000xf32, #tpu.memory_space<vmem>>, vector<16xf32>,
        %scan3A_486 = arith.constant 0 : i32
        %scan3A_487 = arith.constant 6 : i32
        %scan3A_488 = arith.addi %scan3A_331, %scan3A_487 : i32
        %mul3A_489 = arith.constant 16 : i32
        %mul3A_490 = arith.muli %scan3A_488, %mul3A_489 : i32
        %get3A_491 = arith.constant 0 : i32
        %get3A_492 = tpu.memref_slice %arg7[%get3A_491] : memref<12800xf32, #tpu.memory_space<vmem>> -> memref<10000xf32, #tpu.memory_space<vmem>>
        %get3A_493 = arith.index_cast %mul3A_490 : i32 to index
        %get3A_494 = tpu.vector_load %get3A_492[%get3A_493] {strides = array<i32>} : memref<10000xf32, #tpu.memory_space<vmem>>, vector<16xf32>,
        %get3A_495 = vector.shape_cast %get3A_494 : vector<16xf32> to vector<16xf32>
        %ge3A_496 = arith.constant 1.000000e+00 : f32
        %ge3A_497 = vector.broadcast %ge3A_496 : f32 to vector<16xf32>
        %ge3A_498 = arith.cmpf oge, %get3A_495, %ge3A_497 : vector<16xf32>
        %sub3A_499 = arith.constant 1.000000e+00 : f32
        %sub3A_500 = vector.broadcast %sub3A_499 : f32 to vector<16xf32>
        %sub3A_501 = arith.subf %get3A_495, %sub3A_500 : vector<16xf32>
        %exp3A_502 = math.exp %sub3A_501 : vector<16xf32>
        %select_n3A_503 = arith.select %ge3A_498, %get3A_495, %exp3A_502 : vector<16xi1>, vector<16xf32>
        %mul3A_504 = arith.constant 16 : i32
        %mul3A_505 = arith.muli %scan3A_488, %mul3A_504 : i32
        %swap3A_506 = arith.constant 0 : i32
        %swap3A_507 = tpu.memref_slice %arg7[%swap3A_506] : memref<12800xf32, #tpu.memory_space<vmem>> -> memref<10000xf32, #tpu.memory_space<vmem>>
        %swap3A_508 = arith.index_cast %mul3A_505 : i32 to index
        %swap3A_509 = tpu.vector_load %swap3A_507[%swap3A_508] {strides = array<i32>} : memref<10000xf32, #tpu.memory_space<vmem>>, vector<16xf32>,
        %swap3A_510 = vector.shape_cast %swap3A_509 : vector<16xf32> to vector<16xf32>
        %swap3A_511 = vector.shape_cast %select_n3A_503 : vector<16xf32> to vector<16xf32>
        tpu.vector_store %swap3A_507[%swap3A_508], %swap3A_511 {strides = array<i32>} : memref<10000xf32, #tpu.memory_space<vmem>>, vector<16xf32>,
        %scan3A_512 = arith.constant 0 : i32
        %scan3A_513 = arith.constant 7 : i32
        %scan3A_514 = arith.addi %scan3A_331, %scan3A_513 : i32
        %mul3A_515 = arith.constant 16 : i32
        %mul3A_516 = arith.muli %scan3A_514, %mul3A_515 : i32
        %get3A_517 = arith.constant 0 : i32
        %get3A_518 = tpu.memref_slice %arg7[%get3A_517] : memref<12800xf32, #tpu.memory_space<vmem>> -> memref<10000xf32, #tpu.memory_space<vmem>>
        %get3A_519 = arith.index_cast %mul3A_516 : i32 to index
        %get3A_520 = tpu.vector_load %get3A_518[%get3A_519] {strides = array<i32>} : memref<10000xf32, #tpu.memory_space<vmem>>, vector<16xf32>,
        %get3A_521 = vector.shape_cast %get3A_520 : vector<16xf32> to vector<16xf32>
        %ge3A_522 = arith.constant 1.000000e+00 : f32
        %ge3A_523 = vector.broadcast %ge3A_522 : f32 to vector<16xf32>
        %ge3A_524 = arith.cmpf oge, %get3A_521, %ge3A_523 : vector<16xf32>
        %sub3A_525 = arith.constant 1.000000e+00 : f32
        %sub3A_526 = vector.broadcast %sub3A_525 : f32 to vector<16xf32>
        %sub3A_527 = arith.subf %get3A_521, %sub3A_526 : vector<16xf32>
        %exp3A_528 = math.exp %sub3A_527 : vector<16xf32>
        %select_n3A_529 = arith.select %ge3A_524, %get3A_521, %exp3A_528 : vector<16xi1>, vector<16xf32>
        %mul3A_530 = arith.constant 16 : i32
        %mul3A_531 = arith.muli %scan3A_514, %mul3A_530 : i32
        %swap3A_532 = arith.constant 0 : i32
        %swap3A_533 = tpu.memref_slice %arg7[%swap3A_532] : memref<12800xf32, #tpu.memory_space<vmem>> -> memref<10000xf32, #tpu.memory_space<vmem>>
        %swap3A_534 = arith.index_cast %mul3A_531 : i32 to index
        %swap3A_535 = tpu.vector_load %swap3A_533[%swap3A_534] {strides = array<i32>} : memref<10000xf32, #tpu.memory_space<vmem>>, vector<16xf32>,
        %swap3A_536 = vector.shape_cast %swap3A_535 : vector<16xf32> to vector<16xf32>
        %swap3A_537 = vector.shape_cast %select_n3A_529 : vector<16xf32> to vector<16xf32>
        tpu.vector_store %swap3A_533[%swap3A_534], %swap3A_537 {strides = array<i32>} : memref<10000xf32, #tpu.memory_space<vmem>>, vector<16xf32>,
        %scan3A_538 = arith.constant 0 : i32
        scf.yield %scan3A_538 : i32
      }
      %scan3A_306 = arith.constant 624 : i32
      %scan3A_307 = arith.addi %scan3A_301, %scan3A_306 : i32
      %mul3A_308 = arith.constant 16 : i32
      %mul3A_309 = arith.muli %scan3A_307, %mul3A_308 : i32
      %get3A = arith.constant 0 : i32
      %get3A_310 = tpu.memref_slice %arg7[%get3A] : memref<12800xf32, #tpu.memory_space<vmem>> -> memref<10000xf32, #tpu.memory_space<vmem>>
      %get3A_311 = arith.index_cast %mul3A_309 : i32 to index
      %get3A_312 = tpu.vector_load %get3A_310[%get3A_311] {strides = array<i32>} : memref<10000xf32, #tpu.memory_space<vmem>>, vector<16xf32>,
      %get3A_313 = vector.shape_cast %get3A_312 : vector<16xf32> to vector<16xf32>
      %ge3A = arith.constant 1.000000e+00 : f32
      %ge3A_314 = vector.broadcast %ge3A : f32 to vector<16xf32>
      %ge3A_315 = arith.cmpf oge, %get3A_313, %ge3A_314 : vector<16xf32>
      %sub3A = arith.constant 1.000000e+00 : f32
      %sub3A_316 = vector.broadcast %sub3A : f32 to vector<16xf32>
      %sub3A_317 = arith.subf %get3A_313, %sub3A_316 : vector<16xf32>
      %exp3A = math.exp %sub3A_317 : vector<16xf32>
      %select_n3A = arith.select %ge3A_315, %get3A_313, %exp3A : vector<16xi1>, vector<16xf32>
      %mul3A_318 = arith.constant 16 : i32
      %mul3A_319 = arith.muli %scan3A_307, %mul3A_318 : i32
      %swap3A = arith.constant 0 : i32
      %swap3A_320 = tpu.memref_slice %arg7[%swap3A] : memref<12800xf32, #tpu.memory_space<vmem>> -> memref<10000xf32, #tpu.memory_space<vmem>>
      %swap3A_321 = arith.index_cast %mul3A_319 : i32 to index
      %swap3A_322 = tpu.vector_load %swap3A_320[%swap3A_321] {strides = array<i32>} : memref<10000xf32, #tpu.memory_space<vmem>>, vector<16xf32>,
      %swap3A_323 = vector.shape_cast %swap3A_322 : vector<16xf32> to vector<16xf32>
      %swap3A_324 = vector.shape_cast %select_n3A : vector<16xf32> to vector<16xf32>
      tpu.vector_store %swap3A_320[%swap3A_321], %swap3A_324 {strides = array<i32>} : memref<10000xf32, #tpu.memory_space<vmem>>, vector<16xf32>,
      %scan3A_325 = arith.constant 0 : i32
      %scan3A_326 = arith.constant 625 : i32
      %add3A_327 = arith.constant 0 : i32
      %add3A_328 = arith.addi %add3A_327, %arg1 : i32
      %mul3A_329 = arith.constant 10000 : i32
      %mul3A_330 = arith.muli %add3A_328, %mul3A_329 : i32
      "tpu.region"() ({
        %run_scoped3A = tpu.sem_alloc : memref<!tpu.dma_semaphore, #tpu.memory_space<semaphore_mem>>
        %dma_start3A_331 = arith.constant 0 : i32
        %dma_start3A_332 = tpu.memref_slice %arg7[%dma_start3A_331] : memref<12800xf32, #tpu.memory_space<vmem>> -> memref<10000xf32, #tpu.memory_space<vmem>>
        %dma_start3A_333 = tpu.memref_slice %arg9[%mul3A_330] : memref<1000000xf32, #tpu.memory_space<vmem_shared>> -> memref<10000xf32, #tpu.memory_space<vmem_shared>>
        %dma_start3A_334 = tpu.memref_slice %arg9[%mul3A_330] : memref<1000000xf32, #tpu.memory_space<vmem_shared>> -> memref<10000xf32, #tpu.memory_space<vmem_shared>>
        %dma_start3A_335 = arith.constant 0 : i32
        %dma_start3A_336 = tpu.memref_slice %arg7[%dma_start3A_335] : memref<12800xf32, #tpu.memory_space<vmem>> -> memref<10000xf32, #tpu.memory_space<vmem>>
        tpu.enqueue_dma source(%dma_start3A_336 : memref<10000xf32, #tpu.memory_space<vmem>>) target(%dma_start3A_334 : memref<10000xf32, #tpu.memory_space<vmem_shared>>) target_semaphore(%run_scoped3A : memref<!tpu.dma_semaphore, #tpu.memory_space<semaphore_mem>>)
        %dma_wait3A_337 = arith.constant 0 : i32
        %dma_wait3A_338 = tpu.memref_slice %arg7[%dma_wait3A_337] : memref<12800xf32, #tpu.memory_space<vmem>> -> memref<10000xf32, #tpu.memory_space<vmem>>
        %dma_wait3A_339 = tpu.memref_slice %arg9[%mul3A_330] : memref<1000000xf32, #tpu.memory_space<vmem_shared>> -> memref<10000xf32, #tpu.memory_space<vmem_shared>>
        %dma_wait3A_340 = tpu.memref_slice %arg9[%mul3A_330] : memref<1000000xf32, #tpu.memory_space<vmem_shared>> -> memref<10000xf32, #tpu.memory_space<vmem_shared>>
        %dma_wait3A_341 = arith.constant 0 : i32
        %dma_wait3A_342 = tpu.memref_slice %arg7[%dma_wait3A_341] : memref<12800xf32, #tpu.memory_space<vmem>> -> memref<10000xf32, #tpu.memory_space<vmem>>
        tpu.wait_dma2 semaphore(%run_scoped3A : memref<!tpu.dma_semaphore, #tpu.memory_space<semaphore_mem>>) src(%dma_wait3A_342 : memref<10000xf32, #tpu.memory_space<vmem>>) dst(%dma_wait3A_340 : memref<10000xf32, #tpu.memory_space<vmem_shared>>)
        tpu.yield
      }) : () -> ()
    } else {
    }
    %add3A_43 = arith.constant 32 : i32
    %add3A_44 = arith.addi %add3A_43, %arg1 : i32
    %mul3A_45 = arith.constant 10000 : i32
    %mul3A_46 = arith.muli %add3A_44, %mul3A_45 : i32
    %add3A_47 = arith.constant 32 : i32
    %add3A_48 = arith.addi %add3A_47, %arg1 : i32
    %lt3A_49 = arith.constant 100 : i32
    %lt3A_50 = arith.cmpi slt, %add3A_48, %lt3A_49 : i32
    %convert_element_type3A_51 = arith.extui %lt3A_50 : i1 to i32
    %cond3A_52 = arith.constant 0 : i32
    %cond3A_53 = arith.cmpi ne, %convert_element_type3A_51, %cond3A_52 : i32
    scf.if %cond3A_53 {
      %dma_start3A_301 = arith.constant 0 : i32
      %dma_start3A_302 = tpu.memref_slice %arg7[%dma_start3A_301] : memref<12800xf32, #tpu.memory_space<vmem>> -> memref<10000xf32, #tpu.memory_space<vmem>>
      %dma_start3A_303 = tpu.memref_slice %arg3[%mul3A_46] : memref<1000000xf32, #tpu.memory_space<hbm>> -> memref<10000xf32, #tpu.memory_space<hbm>>
      %dma_start3A_304 = arith.constant 0 : i32
      %dma_start3A_305 = tpu.memref_slice %arg7[%dma_start3A_304] : memref<12800xf32, #tpu.memory_space<vmem>> -> memref<10000xf32, #tpu.memory_space<vmem>>
      %dma_start3A_306 = tpu.memref_slice %arg3[%mul3A_46] : memref<1000000xf32, #tpu.memory_space<hbm>> -> memref<10000xf32, #tpu.memory_space<hbm>>
      tpu.enqueue_dma source(%dma_start3A_306 : memref<10000xf32, #tpu.memory_space<hbm>>) target(%dma_start3A_305 : memref<10000xf32, #tpu.memory_space<vmem>>) target_semaphore(%arg12 : memref<!tpu.dma_semaphore, #tpu.memory_space<semaphore_mem>>)
    } else {
    }
    %add3A_54 = arith.constant 16 : i32
    %add3A_55 = arith.addi %add3A_54, %arg1 : i32
    %lt3A_56 = arith.constant 100 : i32
    %lt3A_57 = arith.cmpi slt, %add3A_55, %lt3A_56 : i32
    %convert_element_type3A_58 = arith.extui %lt3A_57 : i1 to i32
    %cond3A_59 = arith.constant 0 : i32
    %cond3A_60 = arith.cmpi ne, %convert_element_type3A_58, %cond3A_59 : i32
    scf.if %cond3A_60 {
      %dma_wait3A_301 = arith.constant 0 : i32
      %dma_wait3A_302 = tpu.memref_slice %arg8[%dma_wait3A_301] : memref<12800xf32, #tpu.memory_space<vmem>> -> memref<10000xf32, #tpu.memory_space<vmem>>
      %dma_wait3A_303 = arith.constant 0 : i32
      %dma_wait3A_304 = tpu.memref_slice %arg3[%dma_wait3A_303] : memref<1000000xf32, #tpu.memory_space<hbm>> -> memref<10000xf32, #tpu.memory_space<hbm>>
      %dma_wait3A_305 = arith.constant 0 : i32
      %dma_wait3A_306 = tpu.memref_slice %arg8[%dma_wait3A_305] : memref<12800xf32, #tpu.memory_space<vmem>> -> memref<10000xf32, #tpu.memory_space<vmem>>
      %dma_wait3A_307 = arith.constant 0 : i32
      %dma_wait3A_308 = tpu.memref_slice %arg3[%dma_wait3A_307] : memref<1000000xf32, #tpu.memory_space<hbm>> -> memref<10000xf32, #tpu.memory_space<hbm>>
      tpu.wait_dma2 semaphore(%arg13 : memref<!tpu.dma_semaphore, #tpu.memory_space<semaphore_mem>>) src(%dma_wait3A_308 : memref<10000xf32, #tpu.memory_space<hbm>>) dst(%dma_wait3A_306 : memref<10000xf32, #tpu.memory_space<vmem>>)
    } else {
    }
    %add3A_61 = arith.constant 16 : i32
    %add3A_62 = arith.addi %add3A_61, %arg1 : i32
    %lt3A_63 = arith.constant 100 : i32
    %lt3A_64 = arith.cmpi slt, %add3A_62, %lt3A_63 : i32
    %convert_element_type3A_65 = arith.extui %lt3A_64 : i1 to i32
    %cond3A_66 = arith.constant 0 : i32
    %cond3A_67 = arith.cmpi ne, %convert_element_type3A_65, %cond3A_66 : i32
    scf.if %cond3A_67 {
      %scan3A = arith.constant 0 : i32
      %scan3A_301 = arith.constant 0 : i32
      %scan3A_302 = arith.constant 624 : i32
      %scan3A_303 = arith.addi %scan3A_301, %scan3A_302 : i32
      %scan3A_304 = arith.constant 8 : i32
      %scan3A_305 = scf.for %scan3A_331 = %scan3A_301 to %scan3A_303 step %scan3A_304 iter_args(%scan3A_332 = %scan3A) -> (i32)  : i32 {
        %mul3A_333 = arith.constant 16 : i32
        %mul3A_334 = arith.muli %scan3A_331, %mul3A_333 : i32
        %get3A_335 = arith.constant 0 : i32
        %get3A_336 = tpu.memref_slice %arg8[%get3A_335] : memref<12800xf32, #tpu.memory_space<vmem>> -> memref<10000xf32, #tpu.memory_space<vmem>>
        %get3A_337 = arith.index_cast %mul3A_334 : i32 to index
        %get3A_338 = tpu.vector_load %get3A_336[%get3A_337] {strides = array<i32>} : memref<10000xf32, #tpu.memory_space<vmem>>, vector<16xf32>,
        %get3A_339 = vector.shape_cast %get3A_338 : vector<16xf32> to vector<16xf32>
        %ge3A_340 = arith.constant 1.000000e+00 : f32
        %ge3A_341 = vector.broadcast %ge3A_340 : f32 to vector<16xf32>
        %ge3A_342 = arith.cmpf oge, %get3A_339, %ge3A_341 : vector<16xf32>
        %sub3A_343 = arith.constant 1.000000e+00 : f32
        %sub3A_344 = vector.broadcast %sub3A_343 : f32 to vector<16xf32>
        %sub3A_345 = arith.subf %get3A_339, %sub3A_344 : vector<16xf32>
        %exp3A_346 = math.exp %sub3A_345 : vector<16xf32>
        %select_n3A_347 = arith.select %ge3A_342, %get3A_339, %exp3A_346 : vector<16xi1>, vector<16xf32>
        %mul3A_348 = arith.constant 16 : i32
        %mul3A_349 = arith.muli %scan3A_331, %mul3A_348 : i32
        %swap3A_350 = arith.constant 0 : i32
        %swap3A_351 = tpu.memref_slice %arg8[%swap3A_350] : memref<12800xf32, #tpu.memory_space<vmem>> -> memref<10000xf32, #tpu.memory_space<vmem>>
        %swap3A_352 = arith.index_cast %mul3A_349 : i32 to index
        %swap3A_353 = tpu.vector_load %swap3A_351[%swap3A_352] {strides = array<i32>} : memref<10000xf32, #tpu.memory_space<vmem>>, vector<16xf32>,
        %swap3A_354 = vector.shape_cast %swap3A_353 : vector<16xf32> to vector<16xf32>
        %swap3A_355 = vector.shape_cast %select_n3A_347 : vector<16xf32> to vector<16xf32>
        tpu.vector_store %swap3A_351[%swap3A_352], %swap3A_355 {strides = array<i32>} : memref<10000xf32, #tpu.memory_space<vmem>>, vector<16xf32>,
        %scan3A_356 = arith.constant 0 : i32
        %scan3A_357 = arith.constant 1 : i32
        %scan3A_358 = arith.addi %scan3A_331, %scan3A_357 : i32
        %mul3A_359 = arith.constant 16 : i32
        %mul3A_360 = arith.muli %scan3A_358, %mul3A_359 : i32
        %get3A_361 = arith.constant 0 : i32
        %get3A_362 = tpu.memref_slice %arg8[%get3A_361] : memref<12800xf32, #tpu.memory_space<vmem>> -> memref<10000xf32, #tpu.memory_space<vmem>>
        %get3A_363 = arith.index_cast %mul3A_360 : i32 to index
        %get3A_364 = tpu.vector_load %get3A_362[%get3A_363] {strides = array<i32>} : memref<10000xf32, #tpu.memory_space<vmem>>, vector<16xf32>,
        %get3A_365 = vector.shape_cast %get3A_364 : vector<16xf32> to vector<16xf32>
        %ge3A_366 = arith.constant 1.000000e+00 : f32
        %ge3A_367 = vector.broadcast %ge3A_366 : f32 to vector<16xf32>
        %ge3A_368 = arith.cmpf oge, %get3A_365, %ge3A_367 : vector<16xf32>
        %sub3A_369 = arith.constant 1.000000e+00 : f32
        %sub3A_370 = vector.broadcast %sub3A_369 : f32 to vector<16xf32>
        %sub3A_371 = arith.subf %get3A_365, %sub3A_370 : vector<16xf32>
        %exp3A_372 = math.exp %sub3A_371 : vector<16xf32>
        %select_n3A_373 = arith.select %ge3A_368, %get3A_365, %exp3A_372 : vector<16xi1>, vector<16xf32>
        %mul3A_374 = arith.constant 16 : i32
        %mul3A_375 = arith.muli %scan3A_358, %mul3A_374 : i32
        %swap3A_376 = arith.constant 0 : i32
        %swap3A_377 = tpu.memref_slice %arg8[%swap3A_376] : memref<12800xf32, #tpu.memory_space<vmem>> -> memref<10000xf32, #tpu.memory_space<vmem>>
        %swap3A_378 = arith.index_cast %mul3A_375 : i32 to index
        %swap3A_379 = tpu.vector_load %swap3A_377[%swap3A_378] {strides = array<i32>} : memref<10000xf32, #tpu.memory_space<vmem>>, vector<16xf32>,
        %swap3A_380 = vector.shape_cast %swap3A_379 : vector<16xf32> to vector<16xf32>
        %swap3A_381 = vector.shape_cast %select_n3A_373 : vector<16xf32> to vector<16xf32>
        tpu.vector_store %swap3A_377[%swap3A_378], %swap3A_381 {strides = array<i32>} : memref<10000xf32, #tpu.memory_space<vmem>>, vector<16xf32>,
        %scan3A_382 = arith.constant 0 : i32
        %scan3A_383 = arith.constant 2 : i32
        %scan3A_384 = arith.addi %scan3A_331, %scan3A_383 : i32
        %mul3A_385 = arith.constant 16 : i32
        %mul3A_386 = arith.muli %scan3A_384, %mul3A_385 : i32
        %get3A_387 = arith.constant 0 : i32
        %get3A_388 = tpu.memref_slice %arg8[%get3A_387] : memref<12800xf32, #tpu.memory_space<vmem>> -> memref<10000xf32, #tpu.memory_space<vmem>>
        %get3A_389 = arith.index_cast %mul3A_386 : i32 to index
        %get3A_390 = tpu.vector_load %get3A_388[%get3A_389] {strides = array<i32>} : memref<10000xf32, #tpu.memory_space<vmem>>, vector<16xf32>,
        %get3A_391 = vector.shape_cast %get3A_390 : vector<16xf32> to vector<16xf32>
        %ge3A_392 = arith.constant 1.000000e+00 : f32
        %ge3A_393 = vector.broadcast %ge3A_392 : f32 to vector<16xf32>
        %ge3A_394 = arith.cmpf oge, %get3A_391, %ge3A_393 : vector<16xf32>
        %sub3A_395 = arith.constant 1.000000e+00 : f32
        %sub3A_396 = vector.broadcast %sub3A_395 : f32 to vector<16xf32>
        %sub3A_397 = arith.subf %get3A_391, %sub3A_396 : vector<16xf32>
        %exp3A_398 = math.exp %sub3A_397 : vector<16xf32>
        %select_n3A_399 = arith.select %ge3A_394, %get3A_391, %exp3A_398 : vector<16xi1>, vector<16xf32>
        %mul3A_400 = arith.constant 16 : i32
        %mul3A_401 = arith.muli %scan3A_384, %mul3A_400 : i32
        %swap3A_402 = arith.constant 0 : i32
        %swap3A_403 = tpu.memref_slice %arg8[%swap3A_402] : memref<12800xf32, #tpu.memory_space<vmem>> -> memref<10000xf32, #tpu.memory_space<vmem>>
        %swap3A_404 = arith.index_cast %mul3A_401 : i32 to index
        %swap3A_405 = tpu.vector_load %swap3A_403[%swap3A_404] {strides = array<i32>} : memref<10000xf32, #tpu.memory_space<vmem>>, vector<16xf32>,
        %swap3A_406 = vector.shape_cast %swap3A_405 : vector<16xf32> to vector<16xf32>
        %swap3A_407 = vector.shape_cast %select_n3A_399 : vector<16xf32> to vector<16xf32>
        tpu.vector_store %swap3A_403[%swap3A_404], %swap3A_407 {strides = array<i32>} : memref<10000xf32, #tpu.memory_space<vmem>>, vector<16xf32>,
        %scan3A_408 = arith.constant 0 : i32
        %scan3A_409 = arith.constant 3 : i32
        %scan3A_410 = arith.addi %scan3A_331, %scan3A_409 : i32
        %mul3A_411 = arith.constant 16 : i32
        %mul3A_412 = arith.muli %scan3A_410, %mul3A_411 : i32
        %get3A_413 = arith.constant 0 : i32
        %get3A_414 = tpu.memref_slice %arg8[%get3A_413] : memref<12800xf32, #tpu.memory_space<vmem>> -> memref<10000xf32, #tpu.memory_space<vmem>>
        %get3A_415 = arith.index_cast %mul3A_412 : i32 to index
        %get3A_416 = tpu.vector_load %get3A_414[%get3A_415] {strides = array<i32>} : memref<10000xf32, #tpu.memory_space<vmem>>, vector<16xf32>,
        %get3A_417 = vector.shape_cast %get3A_416 : vector<16xf32> to vector<16xf32>
        %ge3A_418 = arith.constant 1.000000e+00 : f32
        %ge3A_419 = vector.broadcast %ge3A_418 : f32 to vector<16xf32>
        %ge3A_420 = arith.cmpf oge, %get3A_417, %ge3A_419 : vector<16xf32>
        %sub3A_421 = arith.constant 1.000000e+00 : f32
        %sub3A_422 = vector.broadcast %sub3A_421 : f32 to vector<16xf32>
        %sub3A_423 = arith.subf %get3A_417, %sub3A_422 : vector<16xf32>
        %exp3A_424 = math.exp %sub3A_423 : vector<16xf32>
        %select_n3A_425 = arith.select %ge3A_420, %get3A_417, %exp3A_424 : vector<16xi1>, vector<16xf32>
        %mul3A_426 = arith.constant 16 : i32
        %mul3A_427 = arith.muli %scan3A_410, %mul3A_426 : i32
        %swap3A_428 = arith.constant 0 : i32
        %swap3A_429 = tpu.memref_slice %arg8[%swap3A_428] : memref<12800xf32, #tpu.memory_space<vmem>> -> memref<10000xf32, #tpu.memory_space<vmem>>
        %swap3A_430 = arith.index_cast %mul3A_427 : i32 to index
        %swap3A_431 = tpu.vector_load %swap3A_429[%swap3A_430] {strides = array<i32>} : memref<10000xf32, #tpu.memory_space<vmem>>, vector<16xf32>,
        %swap3A_432 = vector.shape_cast %swap3A_431 : vector<16xf32> to vector<16xf32>
        %swap3A_433 = vector.shape_cast %select_n3A_425 : vector<16xf32> to vector<16xf32>
        tpu.vector_store %swap3A_429[%swap3A_430], %swap3A_433 {strides = array<i32>} : memref<10000xf32, #tpu.memory_space<vmem>>, vector<16xf32>,
        %scan3A_434 = arith.constant 0 : i32
        %scan3A_435 = arith.constant 4 : i32
        %scan3A_436 = arith.addi %scan3A_331, %scan3A_435 : i32
        %mul3A_437 = arith.constant 16 : i32
        %mul3A_438 = arith.muli %scan3A_436, %mul3A_437 : i32
        %get3A_439 = arith.constant 0 : i32
        %get3A_440 = tpu.memref_slice %arg8[%get3A_439] : memref<12800xf32, #tpu.memory_space<vmem>> -> memref<10000xf32, #tpu.memory_space<vmem>>
        %get3A_441 = arith.index_cast %mul3A_438 : i32 to index
        %get3A_442 = tpu.vector_load %get3A_440[%get3A_441] {strides = array<i32>} : memref<10000xf32, #tpu.memory_space<vmem>>, vector<16xf32>,
        %get3A_443 = vector.shape_cast %get3A_442 : vector<16xf32> to vector<16xf32>
        %ge3A_444 = arith.constant 1.000000e+00 : f32
        %ge3A_445 = vector.broadcast %ge3A_444 : f32 to vector<16xf32>
        %ge3A_446 = arith.cmpf oge, %get3A_443, %ge3A_445 : vector<16xf32>
        %sub3A_447 = arith.constant 1.000000e+00 : f32
        %sub3A_448 = vector.broadcast %sub3A_447 : f32 to vector<16xf32>
        %sub3A_449 = arith.subf %get3A_443, %sub3A_448 : vector<16xf32>
        %exp3A_450 = math.exp %sub3A_449 : vector<16xf32>
        %select_n3A_451 = arith.select %ge3A_446, %get3A_443, %exp3A_450 : vector<16xi1>, vector<16xf32>
        %mul3A_452 = arith.constant 16 : i32
        %mul3A_453 = arith.muli %scan3A_436, %mul3A_452 : i32
        %swap3A_454 = arith.constant 0 : i32
        %swap3A_455 = tpu.memref_slice %arg8[%swap3A_454] : memref<12800xf32, #tpu.memory_space<vmem>> -> memref<10000xf32, #tpu.memory_space<vmem>>
        %swap3A_456 = arith.index_cast %mul3A_453 : i32 to index
        %swap3A_457 = tpu.vector_load %swap3A_455[%swap3A_456] {strides = array<i32>} : memref<10000xf32, #tpu.memory_space<vmem>>, vector<16xf32>,
        %swap3A_458 = vector.shape_cast %swap3A_457 : vector<16xf32> to vector<16xf32>
        %swap3A_459 = vector.shape_cast %select_n3A_451 : vector<16xf32> to vector<16xf32>
        tpu.vector_store %swap3A_455[%swap3A_456], %swap3A_459 {strides = array<i32>} : memref<10000xf32, #tpu.memory_space<vmem>>, vector<16xf32>,
        %scan3A_460 = arith.constant 0 : i32
        %scan3A_461 = arith.constant 5 : i32
        %scan3A_462 = arith.addi %scan3A_331, %scan3A_461 : i32
        %mul3A_463 = arith.constant 16 : i32
        %mul3A_464 = arith.muli %scan3A_462, %mul3A_463 : i32
        %get3A_465 = arith.constant 0 : i32
        %get3A_466 = tpu.memref_slice %arg8[%get3A_465] : memref<12800xf32, #tpu.memory_space<vmem>> -> memref<10000xf32, #tpu.memory_space<vmem>>
        %get3A_467 = arith.index_cast %mul3A_464 : i32 to index
        %get3A_468 = tpu.vector_load %get3A_466[%get3A_467] {strides = array<i32>} : memref<10000xf32, #tpu.memory_space<vmem>>, vector<16xf32>,
        %get3A_469 = vector.shape_cast %get3A_468 : vector<16xf32> to vector<16xf32>
        %ge3A_470 = arith.constant 1.000000e+00 : f32
        %ge3A_471 = vector.broadcast %ge3A_470 : f32 to vector<16xf32>
        %ge3A_472 = arith.cmpf oge, %get3A_469, %ge3A_471 : vector<16xf32>
        %sub3A_473 = arith.constant 1.000000e+00 : f32
        %sub3A_474 = vector.broadcast %sub3A_473 : f32 to vector<16xf32>
        %sub3A_475 = arith.subf %get3A_469, %sub3A_474 : vector<16xf32>
        %exp3A_476 = math.exp %sub3A_475 : vector<16xf32>
        %select_n3A_477 = arith.select %ge3A_472, %get3A_469, %exp3A_476 : vector<16xi1>, vector<16xf32>
        %mul3A_478 = arith.constant 16 : i32
        %mul3A_479 = arith.muli %scan3A_462, %mul3A_478 : i32
        %swap3A_480 = arith.constant 0 : i32
        %swap3A_481 = tpu.memref_slice %arg8[%swap3A_480] : memref<12800xf32, #tpu.memory_space<vmem>> -> memref<10000xf32, #tpu.memory_space<vmem>>
        %swap3A_482 = arith.index_cast %mul3A_479 : i32 to index
        %swap3A_483 = tpu.vector_load %swap3A_481[%swap3A_482] {strides = array<i32>} : memref<10000xf32, #tpu.memory_space<vmem>>, vector<16xf32>,
        %swap3A_484 = vector.shape_cast %swap3A_483 : vector<16xf32> to vector<16xf32>
        %swap3A_485 = vector.shape_cast %select_n3A_477 : vector<16xf32> to vector<16xf32>
        tpu.vector_store %swap3A_481[%swap3A_482], %swap3A_485 {strides = array<i32>} : memref<10000xf32, #tpu.memory_space<vmem>>, vector<16xf32>,
        %scan3A_486 = arith.constant 0 : i32
        %scan3A_487 = arith.constant 6 : i32
        %scan3A_488 = arith.addi %scan3A_331, %scan3A_487 : i32
        %mul3A_489 = arith.constant 16 : i32
        %mul3A_490 = arith.muli %scan3A_488, %mul3A_489 : i32
        %get3A_491 = arith.constant 0 : i32
        %get3A_492 = tpu.memref_slice %arg8[%get3A_491] : memref<12800xf32, #tpu.memory_space<vmem>> -> memref<10000xf32, #tpu.memory_space<vmem>>
        %get3A_493 = arith.index_cast %mul3A_490 : i32 to index
        %get3A_494 = tpu.vector_load %get3A_492[%get3A_493] {strides = array<i32>} : memref<10000xf32, #tpu.memory_space<vmem>>, vector<16xf32>,
        %get3A_495 = vector.shape_cast %get3A_494 : vector<16xf32> to vector<16xf32>
        %ge3A_496 = arith.constant 1.000000e+00 : f32
        %ge3A_497 = vector.broadcast %ge3A_496 : f32 to vector<16xf32>
        %ge3A_498 = arith.cmpf oge, %get3A_495, %ge3A_497 : vector<16xf32>
        %sub3A_499 = arith.constant 1.000000e+00 : f32
        %sub3A_500 = vector.broadcast %sub3A_499 : f32 to vector<16xf32>
        %sub3A_501 = arith.subf %get3A_495, %sub3A_500 : vector<16xf32>
        %exp3A_502 = math.exp %sub3A_501 : vector<16xf32>
        %select_n3A_503 = arith.select %ge3A_498, %get3A_495, %exp3A_502 : vector<16xi1>, vector<16xf32>
        %mul3A_504 = arith.constant 16 : i32
        %mul3A_505 = arith.muli %scan3A_488, %mul3A_504 : i32
        %swap3A_506 = arith.constant 0 : i32
        %swap3A_507 = tpu.memref_slice %arg8[%swap3A_506] : memref<12800xf32, #tpu.memory_space<vmem>> -> memref<10000xf32, #tpu.memory_space<vmem>>
        %swap3A_508 = arith.index_cast %mul3A_505 : i32 to index
        %swap3A_509 = tpu.vector_load %swap3A_507[%swap3A_508] {strides = array<i32>} : memref<10000xf32, #tpu.memory_space<vmem>>, vector<16xf32>,
        %swap3A_510 = vector.shape_cast %swap3A_509 : vector<16xf32> to vector<16xf32>
        %swap3A_511 = vector.shape_cast %select_n3A_503 : vector<16xf32> to vector<16xf32>
        tpu.vector_store %swap3A_507[%swap3A_508], %swap3A_511 {strides = array<i32>} : memref<10000xf32, #tpu.memory_space<vmem>>, vector<16xf32>,
        %scan3A_512 = arith.constant 0 : i32
        %scan3A_513 = arith.constant 7 : i32
        %scan3A_514 = arith.addi %scan3A_331, %scan3A_513 : i32
        %mul3A_515 = arith.constant 16 : i32
        %mul3A_516 = arith.muli %scan3A_514, %mul3A_515 : i32
        %get3A_517 = arith.constant 0 : i32
        %get3A_518 = tpu.memref_slice %arg8[%get3A_517] : memref<12800xf32, #tpu.memory_space<vmem>> -> memref<10000xf32, #tpu.memory_space<vmem>>
        %get3A_519 = arith.index_cast %mul3A_516 : i32 to index
        %get3A_520 = tpu.vector_load %get3A_518[%get3A_519] {strides = array<i32>} : memref<10000xf32, #tpu.memory_space<vmem>>, vector<16xf32>,
        %get3A_521 = vector.shape_cast %get3A_520 : vector<16xf32> to vector<16xf32>
        %ge3A_522 = arith.constant 1.000000e+00 : f32
        %ge3A_523 = vector.broadcast %ge3A_522 : f32 to vector<16xf32>
        %ge3A_524 = arith.cmpf oge, %get3A_521, %ge3A_523 : vector<16xf32>
        %sub3A_525 = arith.constant 1.000000e+00 : f32
        %sub3A_526 = vector.broadcast %sub3A_525 : f32 to vector<16xf32>
        %sub3A_527 = arith.subf %get3A_521, %sub3A_526 : vector<16xf32>
        %exp3A_528 = math.exp %sub3A_527 : vector<16xf32>
        %select_n3A_529 = arith.select %ge3A_524, %get3A_521, %exp3A_528 : vector<16xi1>, vector<16xf32>
        %mul3A_530 = arith.constant 16 : i32
        %mul3A_531 = arith.muli %scan3A_514, %mul3A_530 : i32
        %swap3A_532 = arith.constant 0 : i32
        %swap3A_533 = tpu.memref_slice %arg8[%swap3A_532] : memref<12800xf32, #tpu.memory_space<vmem>> -> memref<10000xf32, #tpu.memory_space<vmem>>
        %swap3A_534 = arith.index_cast %mul3A_531 : i32 to index
        %swap3A_535 = tpu.vector_load %swap3A_533[%swap3A_534] {strides = array<i32>} : memref<10000xf32, #tpu.memory_space<vmem>>, vector<16xf32>,
        %swap3A_536 = vector.shape_cast %swap3A_535 : vector<16xf32> to vector<16xf32>
        %swap3A_537 = vector.shape_cast %select_n3A_529 : vector<16xf32> to vector<16xf32>
        tpu.vector_store %swap3A_533[%swap3A_534], %swap3A_537 {strides = array<i32>} : memref<10000xf32, #tpu.memory_space<vmem>>, vector<16xf32>,
        %scan3A_538 = arith.constant 0 : i32
        scf.yield %scan3A_538 : i32
      }
      %scan3A_306 = arith.constant 624 : i32
      %scan3A_307 = arith.addi %scan3A_301, %scan3A_306 : i32
      %mul3A_308 = arith.constant 16 : i32
      %mul3A_309 = arith.muli %scan3A_307, %mul3A_308 : i32
      %get3A = arith.constant 0 : i32
      %get3A_310 = tpu.memref_slice %arg8[%get3A] : memref<12800xf32, #tpu.memory_space<vmem>> -> memref<10000xf32, #tpu.memory_space<vmem>>
      %get3A_311 = arith.index_cast %mul3A_309 : i32 to index
      %get3A_312 = tpu.vector_load %get3A_310[%get3A_311] {strides = array<i32>} : memref<10000xf32, #tpu.memory_space<vmem>>, vector<16xf32>,
      %get3A_313 = vector.shape_cast %get3A_312 : vector<16xf32> to vector<16xf32>
      %ge3A = arith.constant 1.000000e+00 : f32
      %ge3A_314 = vector.broadcast %ge3A : f32 to vector<16xf32>
      %ge3A_315 = arith.cmpf oge, %get3A_313, %ge3A_314 : vector<16xf32>
      %sub3A = arith.constant 1.000000e+00 : f32
      %sub3A_316 = vector.broadcast %sub3A : f32 to vector<16xf32>
      %sub3A_317 = arith.subf %get3A_313, %sub3A_316 : vector<16xf32>
      %exp3A = math.exp %sub3A_317 : vector<16xf32>
      %select_n3A = arith.select %ge3A_315, %get3A_313, %exp3A : vector<16xi1>, vector<16xf32>
      %mul3A_318 = arith.constant 16 : i32
      %mul3A_319 = arith.muli %scan3A_307, %mul3A_318 : i32
      %swap3A = arith.constant 0 : i32
      %swap3A_320 = tpu.memref_slice %arg8[%swap3A] : memref<12800xf32, #tpu.memory_space<vmem>> -> memref<10000xf32, #tpu.memory_space<vmem>>
      %swap3A_321 = arith.index_cast %mul3A_319 : i32 to index
      %swap3A_322 = tpu.vector_load %swap3A_320[%swap3A_321] {strides = array<i32>} : memref<10000xf32, #tpu.memory_space<vmem>>, vector<16xf32>,
      %swap3A_323 = vector.shape_cast %swap3A_322 : vector<16xf32> to vector<16xf32>
      %swap3A_324 = vector.shape_cast %select_n3A : vector<16xf32> to vector<16xf32>
      tpu.vector_store %swap3A_320[%swap3A_321], %swap3A_324 {strides = array<i32>} : memref<10000xf32, #tpu.memory_space<vmem>>, vector<16xf32>,
      %scan3A_325 = arith.constant 0 : i32
      %scan3A_326 = arith.constant 625 : i32
      %add3A_327 = arith.constant 16 : i32
      %add3A_328 = arith.addi %add3A_327, %arg1 : i32
      %mul3A_329 = arith.constant 10000 : i32
      %mul3A_330 = arith.muli %add3A_328, %mul3A_329 : i32
      "tpu.region"() ({
        %run_scoped3A = tpu.sem_alloc : memref<!tpu.dma_semaphore, #tpu.memory_space<semaphore_mem>>
        %dma_start3A_331 = arith.constant 0 : i32
        %dma_start3A_332 = tpu.memref_slice %arg8[%dma_start3A_331] : memref<12800xf32, #tpu.memory_space<vmem>> -> memref<10000xf32, #tpu.memory_space<vmem>>
        %dma_start3A_333 = tpu.memref_slice %arg9[%mul3A_330] : memref<1000000xf32, #tpu.memory_space<vmem_shared>> -> memref<10000xf32, #tpu.memory_space<vmem_shared>>
        %dma_start3A_334 = tpu.memref_slice %arg9[%mul3A_330] : memref<1000000xf32, #tpu.memory_space<vmem_shared>> -> memref<10000xf32, #tpu.memory_space<vmem_shared>>
        %dma_start3A_335 = arith.constant 0 : i32
        %dma_start3A_336 = tpu.memref_slice %arg8[%dma_start3A_335] : memref<12800xf32, #tpu.memory_space<vmem>> -> memref<10000xf32, #tpu.memory_space<vmem>>
        tpu.enqueue_dma source(%dma_start3A_336 : memref<10000xf32, #tpu.memory_space<vmem>>) target(%dma_start3A_334 : memref<10000xf32, #tpu.memory_space<vmem_shared>>) target_semaphore(%run_scoped3A : memref<!tpu.dma_semaphore, #tpu.memory_space<semaphore_mem>>)
        %dma_wait3A_337 = arith.constant 0 : i32
        %dma_wait3A_338 = tpu.memref_slice %arg8[%dma_wait3A_337] : memref<12800xf32, #tpu.memory_space<vmem>> -> memref<10000xf32, #tpu.memory_space<vmem>>
        %dma_wait3A_339 = tpu.memref_slice %arg9[%mul3A_330] : memref<1000000xf32, #tpu.memory_space<vmem_shared>> -> memref<10000xf32, #tpu.memory_space<vmem_shared>>
        %dma_wait3A_340 = tpu.memref_slice %arg9[%mul3A_330] : memref<1000000xf32, #tpu.memory_space<vmem_shared>> -> memref<10000xf32, #tpu.memory_space<vmem_shared>>
        %dma_wait3A_341 = arith.constant 0 : i32
        %dma_wait3A_342 = tpu.memref_slice %arg8[%dma_wait3A_341] : memref<12800xf32, #tpu.memory_space<vmem>> -> memref<10000xf32, #tpu.memory_space<vmem>>
        tpu.wait_dma2 semaphore(%run_scoped3A : memref<!tpu.dma_semaphore, #tpu.memory_space<semaphore_mem>>) src(%dma_wait3A_342 : memref<10000xf32, #tpu.memory_space<vmem>>) dst(%dma_wait3A_340 : memref<10000xf32, #tpu.memory_space<vmem_shared>>)
        tpu.yield
      }) : () -> ()
    } else {
    }
    %add3A_68 = arith.constant 48 : i32
    %add3A_69 = arith.addi %add3A_68, %arg1 : i32
    %mul3A_70 = arith.constant 10000 : i32
    %mul3A_71 = arith.muli %add3A_69, %mul3A_70 : i32
    %add3A_72 = arith.constant 48 : i32
    %add3A_73 = arith.addi %add3A_72, %arg1 : i32
    %lt3A_74 = arith.constant 100 : i32
    %lt3A_75 = arith.cmpi slt, %add3A_73, %lt3A_74 : i32
    %convert_element_type3A_76 = arith.extui %lt3A_75 : i1 to i32
    %cond3A_77 = arith.constant 0 : i32
    %cond3A_78 = arith.cmpi ne, %convert_element_type3A_76, %cond3A_77 : i32
    scf.if %cond3A_78 {
      %dma_start3A_301 = arith.constant 0 : i32
      %dma_start3A_302 = tpu.memref_slice %arg8[%dma_start3A_301] : memref<12800xf32, #tpu.memory_space<vmem>> -> memref<10000xf32, #tpu.memory_space<vmem>>
      %dma_start3A_303 = tpu.memref_slice %arg3[%mul3A_71] : memref<1000000xf32, #tpu.memory_space<hbm>> -> memref<10000xf32, #tpu.memory_space<hbm>>
      %dma_start3A_304 = arith.constant 0 : i32
      %dma_start3A_305 = tpu.memref_slice %arg8[%dma_start3A_304] : memref<12800xf32, #tpu.memory_space<vmem>> -> memref<10000xf32, #tpu.memory_space<vmem>>
      %dma_start3A_306 = tpu.memref_slice %arg3[%mul3A_71] : memref<1000000xf32, #tpu.memory_space<hbm>> -> memref<10000xf32, #tpu.memory_space<hbm>>
      tpu.enqueue_dma source(%dma_start3A_306 : memref<10000xf32, #tpu.memory_space<hbm>>) target(%dma_start3A_305 : memref<10000xf32, #tpu.memory_space<vmem>>) target_semaphore(%arg13 : memref<!tpu.dma_semaphore, #tpu.memory_space<semaphore_mem>>)
    } else {
    }
    %add3A_79 = arith.constant 32 : i32
    %add3A_80 = arith.addi %add3A_79, %arg1 : i32
    %lt3A_81 = arith.constant 100 : i32
    %lt3A_82 = arith.cmpi slt, %add3A_80, %lt3A_81 : i32
    %convert_element_type3A_83 = arith.extui %lt3A_82 : i1 to i32
    %cond3A_84 = arith.constant 0 : i32
    %cond3A_85 = arith.cmpi ne, %convert_element_type3A_83, %cond3A_84 : i32
    scf.if %cond3A_85 {
      %dma_wait3A_301 = arith.constant 0 : i32
      %dma_wait3A_302 = tpu.memref_slice %arg7[%dma_wait3A_301] : memref<12800xf32, #tpu.memory_space<vmem>> -> memref<10000xf32, #tpu.memory_space<vmem>>
      %dma_wait3A_303 = arith.constant 0 : i32
      %dma_wait3A_304 = tpu.memref_slice %arg3[%dma_wait3A_303] : memref<1000000xf32, #tpu.memory_space<hbm>> -> memref<10000xf32, #tpu.memory_space<hbm>>
      %dma_wait3A_305 = arith.constant 0 : i32
      %dma_wait3A_306 = tpu.memref_slice %arg7[%dma_wait3A_305] : memref<12800xf32, #tpu.memory_space<vmem>> -> memref<10000xf32, #tpu.memory_space<vmem>>
      %dma_wait3A_307 = arith.constant 0 : i32
      %dma_wait3A_308 = tpu.memref_slice %arg3[%dma_wait3A_307] : memref<1000000xf32, #tpu.memory_space<hbm>> -> memref<10000xf32, #tpu.memory_space<hbm>>
      tpu.wait_dma2 semaphore(%arg12 : memref<!tpu.dma_semaphore, #tpu.memory_space<semaphore_mem>>) src(%dma_wait3A_308 : memref<10000xf32, #tpu.memory_space<hbm>>) dst(%dma_wait3A_306 : memref<10000xf32, #tpu.memory_space<vmem>>)
    } else {
    }
    %add3A_86 = arith.constant 32 : i32
    %add3A_87 = arith.addi %add3A_86, %arg1 : i32
    %lt3A_88 = arith.constant 100 : i32
    %lt3A_89 = arith.cmpi slt, %add3A_87, %lt3A_88 : i32
    %convert_element_type3A_90 = arith.extui %lt3A_89 : i1 to i32
    %cond3A_91 = arith.constant 0 : i32
    %cond3A_92 = arith.cmpi ne, %convert_element_type3A_90, %cond3A_91 : i32
    scf.if %cond3A_92 {
      %scan3A = arith.constant 0 : i32
      %scan3A_301 = arith.constant 0 : i32
      %scan3A_302 = arith.constant 624 : i32
      %scan3A_303 = arith.addi %scan3A_301, %scan3A_302 : i32
      %scan3A_304 = arith.constant 8 : i32
      %scan3A_305 = scf.for %scan3A_331 = %scan3A_301 to %scan3A_303 step %scan3A_304 iter_args(%scan3A_332 = %scan3A) -> (i32)  : i32 {
        %mul3A_333 = arith.constant 16 : i32
        %mul3A_334 = arith.muli %scan3A_331, %mul3A_333 : i32
        %get3A_335 = arith.constant 0 : i32
        %get3A_336 = tpu.memref_slice %arg7[%get3A_335] : memref<12800xf32, #tpu.memory_space<vmem>> -> memref<10000xf32, #tpu.memory_space<vmem>>
        %get3A_337 = arith.index_cast %mul3A_334 : i32 to index
        %get3A_338 = tpu.vector_load %get3A_336[%get3A_337] {strides = array<i32>} : memref<10000xf32, #tpu.memory_space<vmem>>, vector<16xf32>,
        %get3A_339 = vector.shape_cast %get3A_338 : vector<16xf32> to vector<16xf32>
        %ge3A_340 = arith.constant 1.000000e+00 : f32
        %ge3A_341 = vector.broadcast %ge3A_340 : f32 to vector<16xf32>
        %ge3A_342 = arith.cmpf oge, %get3A_339, %ge3A_341 : vector<16xf32>
        %sub3A_343 = arith.constant 1.000000e+00 : f32
        %sub3A_344 = vector.broadcast %sub3A_343 : f32 to vector<16xf32>
        %sub3A_345 = arith.subf %get3A_339, %sub3A_344 : vector<16xf32>
        %exp3A_346 = math.exp %sub3A_345 : vector<16xf32>
        %select_n3A_347 = arith.select %ge3A_342, %get3A_339, %exp3A_346 : vector<16xi1>, vector<16xf32>
        %mul3A_348 = arith.constant 16 : i32
        %mul3A_349 = arith.muli %scan3A_331, %mul3A_348 : i32
        %swap3A_350 = arith.constant 0 : i32
        %swap3A_351 = tpu.memref_slice %arg7[%swap3A_350] : memref<12800xf32, #tpu.memory_space<vmem>> -> memref<10000xf32, #tpu.memory_space<vmem>>
        %swap3A_352 = arith.index_cast %mul3A_349 : i32 to index
        %swap3A_353 = tpu.vector_load %swap3A_351[%swap3A_352] {strides = array<i32>} : memref<10000xf32, #tpu.memory_space<vmem>>, vector<16xf32>,
        %swap3A_354 = vector.shape_cast %swap3A_353 : vector<16xf32> to vector<16xf32>
        %swap3A_355 = vector.shape_cast %select_n3A_347 : vector<16xf32> to vector<16xf32>
        tpu.vector_store %swap3A_351[%swap3A_352], %swap3A_355 {strides = array<i32>} : memref<10000xf32, #tpu.memory_space<vmem>>, vector<16xf32>,
        %scan3A_356 = arith.constant 0 : i32
        %scan3A_357 = arith.constant 1 : i32
        %scan3A_358 = arith.addi %scan3A_331, %scan3A_357 : i32
        %mul3A_359 = arith.constant 16 : i32
        %mul3A_360 = arith.muli %scan3A_358, %mul3A_359 : i32
        %get3A_361 = arith.constant 0 : i32
        %get3A_362 = tpu.memref_slice %arg7[%get3A_361] : memref<12800xf32, #tpu.memory_space<vmem>> -> memref<10000xf32, #tpu.memory_space<vmem>>
        %get3A_363 = arith.index_cast %mul3A_360 : i32 to index
        %get3A_364 = tpu.vector_load %get3A_362[%get3A_363] {strides = array<i32>} : memref<10000xf32, #tpu.memory_space<vmem>>, vector<16xf32>,
        %get3A_365 = vector.shape_cast %get3A_364 : vector<16xf32> to vector<16xf32>
        %ge3A_366 = arith.constant 1.000000e+00 : f32
        %ge3A_367 = vector.broadcast %ge3A_366 : f32 to vector<16xf32>
        %ge3A_368 = arith.cmpf oge, %get3A_365, %ge3A_367 : vector<16xf32>
        %sub3A_369 = arith.constant 1.000000e+00 : f32
        %sub3A_370 = vector.broadcast %sub3A_369 : f32 to vector<16xf32>
        %sub3A_371 = arith.subf %get3A_365, %sub3A_370 : vector<16xf32>
        %exp3A_372 = math.exp %sub3A_371 : vector<16xf32>
        %select_n3A_373 = arith.select %ge3A_368, %get3A_365, %exp3A_372 : vector<16xi1>, vector<16xf32>
        %mul3A_374 = arith.constant 16 : i32
        %mul3A_375 = arith.muli %scan3A_358, %mul3A_374 : i32
        %swap3A_376 = arith.constant 0 : i32
        %swap3A_377 = tpu.memref_slice %arg7[%swap3A_376] : memref<12800xf32, #tpu.memory_space<vmem>> -> memref<10000xf32, #tpu.memory_space<vmem>>
        %swap3A_378 = arith.index_cast %mul3A_375 : i32 to index
        %swap3A_379 = tpu.vector_load %swap3A_377[%swap3A_378] {strides = array<i32>} : memref<10000xf32, #tpu.memory_space<vmem>>, vector<16xf32>,
        %swap3A_380 = vector.shape_cast %swap3A_379 : vector<16xf32> to vector<16xf32>
        %swap3A_381 = vector.shape_cast %select_n3A_373 : vector<16xf32> to vector<16xf32>
        tpu.vector_store %swap3A_377[%swap3A_378], %swap3A_381 {strides = array<i32>} : memref<10000xf32, #tpu.memory_space<vmem>>, vector<16xf32>,
        %scan3A_382 = arith.constant 0 : i32
        %scan3A_383 = arith.constant 2 : i32
        %scan3A_384 = arith.addi %scan3A_331, %scan3A_383 : i32
        %mul3A_385 = arith.constant 16 : i32
        %mul3A_386 = arith.muli %scan3A_384, %mul3A_385 : i32
        %get3A_387 = arith.constant 0 : i32
        %get3A_388 = tpu.memref_slice %arg7[%get3A_387] : memref<12800xf32, #tpu.memory_space<vmem>> -> memref<10000xf32, #tpu.memory_space<vmem>>
        %get3A_389 = arith.index_cast %mul3A_386 : i32 to index
        %get3A_390 = tpu.vector_load %get3A_388[%get3A_389] {strides = array<i32>} : memref<10000xf32, #tpu.memory_space<vmem>>, vector<16xf32>,
        %get3A_391 = vector.shape_cast %get3A_390 : vector<16xf32> to vector<16xf32>
        %ge3A_392 = arith.constant 1.000000e+00 : f32
        %ge3A_393 = vector.broadcast %ge3A_392 : f32 to vector<16xf32>
        %ge3A_394 = arith.cmpf oge, %get3A_391, %ge3A_393 : vector<16xf32>
        %sub3A_395 = arith.constant 1.000000e+00 : f32
        %sub3A_396 = vector.broadcast %sub3A_395 : f32 to vector<16xf32>
        %sub3A_397 = arith.subf %get3A_391, %sub3A_396 : vector<16xf32>
        %exp3A_398 = math.exp %sub3A_397 : vector<16xf32>
        %select_n3A_399 = arith.select %ge3A_394, %get3A_391, %exp3A_398 : vector<16xi1>, vector<16xf32>
        %mul3A_400 = arith.constant 16 : i32
        %mul3A_401 = arith.muli %scan3A_384, %mul3A_400 : i32
        %swap3A_402 = arith.constant 0 : i32
        %swap3A_403 = tpu.memref_slice %arg7[%swap3A_402] : memref<12800xf32, #tpu.memory_space<vmem>> -> memref<10000xf32, #tpu.memory_space<vmem>>
        %swap3A_404 = arith.index_cast %mul3A_401 : i32 to index
        %swap3A_405 = tpu.vector_load %swap3A_403[%swap3A_404] {strides = array<i32>} : memref<10000xf32, #tpu.memory_space<vmem>>, vector<16xf32>,
        %swap3A_406 = vector.shape_cast %swap3A_405 : vector<16xf32> to vector<16xf32>
        %swap3A_407 = vector.shape_cast %select_n3A_399 : vector<16xf32> to vector<16xf32>
        tpu.vector_store %swap3A_403[%swap3A_404], %swap3A_407 {strides = array<i32>} : memref<10000xf32, #tpu.memory_space<vmem>>, vector<16xf32>,
        %scan3A_408 = arith.constant 0 : i32
        %scan3A_409 = arith.constant 3 : i32
        %scan3A_410 = arith.addi %scan3A_331, %scan3A_409 : i32
        %mul3A_411 = arith.constant 16 : i32
        %mul3A_412 = arith.muli %scan3A_410, %mul3A_411 : i32
        %get3A_413 = arith.constant 0 : i32
        %get3A_414 = tpu.memref_slice %arg7[%get3A_413] : memref<12800xf32, #tpu.memory_space<vmem>> -> memref<10000xf32, #tpu.memory_space<vmem>>
        %get3A_415 = arith.index_cast %mul3A_412 : i32 to index
        %get3A_416 = tpu.vector_load %get3A_414[%get3A_415] {strides = array<i32>} : memref<10000xf32, #tpu.memory_space<vmem>>, vector<16xf32>,
        %get3A_417 = vector.shape_cast %get3A_416 : vector<16xf32> to vector<16xf32>
        %ge3A_418 = arith.constant 1.000000e+00 : f32
        %ge3A_419 = vector.broadcast %ge3A_418 : f32 to vector<16xf32>
        %ge3A_420 = arith.cmpf oge, %get3A_417, %ge3A_419 : vector<16xf32>
        %sub3A_421 = arith.constant 1.000000e+00 : f32
        %sub3A_422 = vector.broadcast %sub3A_421 : f32 to vector<16xf32>
        %sub3A_423 = arith.subf %get3A_417, %sub3A_422 : vector<16xf32>
        %exp3A_424 = math.exp %sub3A_423 : vector<16xf32>
        %select_n3A_425 = arith.select %ge3A_420, %get3A_417, %exp3A_424 : vector<16xi1>, vector<16xf32>
        %mul3A_426 = arith.constant 16 : i32
        %mul3A_427 = arith.muli %scan3A_410, %mul3A_426 : i32
        %swap3A_428 = arith.constant 0 : i32
        %swap3A_429 = tpu.memref_slice %arg7[%swap3A_428] : memref<12800xf32, #tpu.memory_space<vmem>> -> memref<10000xf32, #tpu.memory_space<vmem>>
        %swap3A_430 = arith.index_cast %mul3A_427 : i32 to index
        %swap3A_431 = tpu.vector_load %swap3A_429[%swap3A_430] {strides = array<i32>} : memref<10000xf32, #tpu.memory_space<vmem>>, vector<16xf32>,
        %swap3A_432 = vector.shape_cast %swap3A_431 : vector<16xf32> to vector<16xf32>
        %swap3A_433 = vector.shape_cast %select_n3A_425 : vector<16xf32> to vector<16xf32>
        tpu.vector_store %swap3A_429[%swap3A_430], %swap3A_433 {strides = array<i32>} : memref<10000xf32, #tpu.memory_space<vmem>>, vector<16xf32>,
        %scan3A_434 = arith.constant 0 : i32
        %scan3A_435 = arith.constant 4 : i32
        %scan3A_436 = arith.addi %scan3A_331, %scan3A_435 : i32
        %mul3A_437 = arith.constant 16 : i32
        %mul3A_438 = arith.muli %scan3A_436, %mul3A_437 : i32
        %get3A_439 = arith.constant 0 : i32
        %get3A_440 = tpu.memref_slice %arg7[%get3A_439] : memref<12800xf32, #tpu.memory_space<vmem>> -> memref<10000xf32, #tpu.memory_space<vmem>>
        %get3A_441 = arith.index_cast %mul3A_438 : i32 to index
        %get3A_442 = tpu.vector_load %get3A_440[%get3A_441] {strides = array<i32>} : memref<10000xf32, #tpu.memory_space<vmem>>, vector<16xf32>,
        %get3A_443 = vector.shape_cast %get3A_442 : vector<16xf32> to vector<16xf32>
        %ge3A_444 = arith.constant 1.000000e+00 : f32
        %ge3A_445 = vector.broadcast %ge3A_444 : f32 to vector<16xf32>
        %ge3A_446 = arith.cmpf oge, %get3A_443, %ge3A_445 : vector<16xf32>
        %sub3A_447 = arith.constant 1.000000e+00 : f32
        %sub3A_448 = vector.broadcast %sub3A_447 : f32 to vector<16xf32>
        %sub3A_449 = arith.subf %get3A_443, %sub3A_448 : vector<16xf32>
        %exp3A_450 = math.exp %sub3A_449 : vector<16xf32>
        %select_n3A_451 = arith.select %ge3A_446, %get3A_443, %exp3A_450 : vector<16xi1>, vector<16xf32>
        %mul3A_452 = arith.constant 16 : i32
        %mul3A_453 = arith.muli %scan3A_436, %mul3A_452 : i32
        %swap3A_454 = arith.constant 0 : i32
        %swap3A_455 = tpu.memref_slice %arg7[%swap3A_454] : memref<12800xf32, #tpu.memory_space<vmem>> -> memref<10000xf32, #tpu.memory_space<vmem>>
        %swap3A_456 = arith.index_cast %mul3A_453 : i32 to index
        %swap3A_457 = tpu.vector_load %swap3A_455[%swap3A_456] {strides = array<i32>} : memref<10000xf32, #tpu.memory_space<vmem>>, vector<16xf32>,
        %swap3A_458 = vector.shape_cast %swap3A_457 : vector<16xf32> to vector<16xf32>
        %swap3A_459 = vector.shape_cast %select_n3A_451 : vector<16xf32> to vector<16xf32>
        tpu.vector_store %swap3A_455[%swap3A_456], %swap3A_459 {strides = array<i32>} : memref<10000xf32, #tpu.memory_space<vmem>>, vector<16xf32>,
        %scan3A_460 = arith.constant 0 : i32
        %scan3A_461 = arith.constant 5 : i32
        %scan3A_462 = arith.addi %scan3A_331, %scan3A_461 : i32
        %mul3A_463 = arith.constant 16 : i32
        %mul3A_464 = arith.muli %scan3A_462, %mul3A_463 : i32
        %get3A_465 = arith.constant 0 : i32
        %get3A_466 = tpu.memref_slice %arg7[%get3A_465] : memref<12800xf32, #tpu.memory_space<vmem>> -> memref<10000xf32, #tpu.memory_space<vmem>>
        %get3A_467 = arith.index_cast %mul3A_464 : i32 to index
        %get3A_468 = tpu.vector_load %get3A_466[%get3A_467] {strides = array<i32>} : memref<10000xf32, #tpu.memory_space<vmem>>, vector<16xf32>,
        %get3A_469 = vector.shape_cast %get3A_468 : vector<16xf32> to vector<16xf32>
        %ge3A_470 = arith.constant 1.000000e+00 : f32
        %ge3A_471 = vector.broadcast %ge3A_470 : f32 to vector<16xf32>
        %ge3A_472 = arith.cmpf oge, %get3A_469, %ge3A_471 : vector<16xf32>
        %sub3A_473 = arith.constant 1.000000e+00 : f32
        %sub3A_474 = vector.broadcast %sub3A_473 : f32 to vector<16xf32>
        %sub3A_475 = arith.subf %get3A_469, %sub3A_474 : vector<16xf32>
        %exp3A_476 = math.exp %sub3A_475 : vector<16xf32>
        %select_n3A_477 = arith.select %ge3A_472, %get3A_469, %exp3A_476 : vector<16xi1>, vector<16xf32>
        %mul3A_478 = arith.constant 16 : i32
        %mul3A_479 = arith.muli %scan3A_462, %mul3A_478 : i32
        %swap3A_480 = arith.constant 0 : i32
        %swap3A_481 = tpu.memref_slice %arg7[%swap3A_480] : memref<12800xf32, #tpu.memory_space<vmem>> -> memref<10000xf32, #tpu.memory_space<vmem>>
        %swap3A_482 = arith.index_cast %mul3A_479 : i32 to index
        %swap3A_483 = tpu.vector_load %swap3A_481[%swap3A_482] {strides = array<i32>} : memref<10000xf32, #tpu.memory_space<vmem>>, vector<16xf32>,
        %swap3A_484 = vector.shape_cast %swap3A_483 : vector<16xf32> to vector<16xf32>
        %swap3A_485 = vector.shape_cast %select_n3A_477 : vector<16xf32> to vector<16xf32>
        tpu.vector_store %swap3A_481[%swap3A_482], %swap3A_485 {strides = array<i32>} : memref<10000xf32, #tpu.memory_space<vmem>>, vector<16xf32>,
        %scan3A_486 = arith.constant 0 : i32
        %scan3A_487 = arith.constant 6 : i32
        %scan3A_488 = arith.addi %scan3A_331, %scan3A_487 : i32
        %mul3A_489 = arith.constant 16 : i32
        %mul3A_490 = arith.muli %scan3A_488, %mul3A_489 : i32
        %get3A_491 = arith.constant 0 : i32
        %get3A_492 = tpu.memref_slice %arg7[%get3A_491] : memref<12800xf32, #tpu.memory_space<vmem>> -> memref<10000xf32, #tpu.memory_space<vmem>>
        %get3A_493 = arith.index_cast %mul3A_490 : i32 to index
        %get3A_494 = tpu.vector_load %get3A_492[%get3A_493] {strides = array<i32>} : memref<10000xf32, #tpu.memory_space<vmem>>, vector<16xf32>,
        %get3A_495 = vector.shape_cast %get3A_494 : vector<16xf32> to vector<16xf32>
        %ge3A_496 = arith.constant 1.000000e+00 : f32
        %ge3A_497 = vector.broadcast %ge3A_496 : f32 to vector<16xf32>
        %ge3A_498 = arith.cmpf oge, %get3A_495, %ge3A_497 : vector<16xf32>
        %sub3A_499 = arith.constant 1.000000e+00 : f32
        %sub3A_500 = vector.broadcast %sub3A_499 : f32 to vector<16xf32>
        %sub3A_501 = arith.subf %get3A_495, %sub3A_500 : vector<16xf32>
        %exp3A_502 = math.exp %sub3A_501 : vector<16xf32>
        %select_n3A_503 = arith.select %ge3A_498, %get3A_495, %exp3A_502 : vector<16xi1>, vector<16xf32>
        %mul3A_504 = arith.constant 16 : i32
        %mul3A_505 = arith.muli %scan3A_488, %mul3A_504 : i32
        %swap3A_506 = arith.constant 0 : i32
        %swap3A_507 = tpu.memref_slice %arg7[%swap3A_506] : memref<12800xf32, #tpu.memory_space<vmem>> -> memref<10000xf32, #tpu.memory_space<vmem>>
        %swap3A_508 = arith.index_cast %mul3A_505 : i32 to index
        %swap3A_509 = tpu.vector_load %swap3A_507[%swap3A_508] {strides = array<i32>} : memref<10000xf32, #tpu.memory_space<vmem>>, vector<16xf32>,
        %swap3A_510 = vector.shape_cast %swap3A_509 : vector<16xf32> to vector<16xf32>
        %swap3A_511 = vector.shape_cast %select_n3A_503 : vector<16xf32> to vector<16xf32>
        tpu.vector_store %swap3A_507[%swap3A_508], %swap3A_511 {strides = array<i32>} : memref<10000xf32, #tpu.memory_space<vmem>>, vector<16xf32>,
        %scan3A_512 = arith.constant 0 : i32
        %scan3A_513 = arith.constant 7 : i32
        %scan3A_514 = arith.addi %scan3A_331, %scan3A_513 : i32
        %mul3A_515 = arith.constant 16 : i32
        %mul3A_516 = arith.muli %scan3A_514, %mul3A_515 : i32
        %get3A_517 = arith.constant 0 : i32
        %get3A_518 = tpu.memref_slice %arg7[%get3A_517] : memref<12800xf32, #tpu.memory_space<vmem>> -> memref<10000xf32, #tpu.memory_space<vmem>>
        %get3A_519 = arith.index_cast %mul3A_516 : i32 to index
        %get3A_520 = tpu.vector_load %get3A_518[%get3A_519] {strides = array<i32>} : memref<10000xf32, #tpu.memory_space<vmem>>, vector<16xf32>,
        %get3A_521 = vector.shape_cast %get3A_520 : vector<16xf32> to vector<16xf32>
        %ge3A_522 = arith.constant 1.000000e+00 : f32
        %ge3A_523 = vector.broadcast %ge3A_522 : f32 to vector<16xf32>
        %ge3A_524 = arith.cmpf oge, %get3A_521, %ge3A_523 : vector<16xf32>
        %sub3A_525 = arith.constant 1.000000e+00 : f32
        %sub3A_526 = vector.broadcast %sub3A_525 : f32 to vector<16xf32>
        %sub3A_527 = arith.subf %get3A_521, %sub3A_526 : vector<16xf32>
        %exp3A_528 = math.exp %sub3A_527 : vector<16xf32>
        %select_n3A_529 = arith.select %ge3A_524, %get3A_521, %exp3A_528 : vector<16xi1>, vector<16xf32>
        %mul3A_530 = arith.constant 16 : i32
        %mul3A_531 = arith.muli %scan3A_514, %mul3A_530 : i32
        %swap3A_532 = arith.constant 0 : i32
        %swap3A_533 = tpu.memref_slice %arg7[%swap3A_532] : memref<12800xf32, #tpu.memory_space<vmem>> -> memref<10000xf32, #tpu.memory_space<vmem>>
        %swap3A_534 = arith.index_cast %mul3A_531 : i32 to index
        %swap3A_535 = tpu.vector_load %swap3A_533[%swap3A_534] {strides = array<i32>} : memref<10000xf32, #tpu.memory_space<vmem>>, vector<16xf32>,
        %swap3A_536 = vector.shape_cast %swap3A_535 : vector<16xf32> to vector<16xf32>
        %swap3A_537 = vector.shape_cast %select_n3A_529 : vector<16xf32> to vector<16xf32>
        tpu.vector_store %swap3A_533[%swap3A_534], %swap3A_537 {strides = array<i32>} : memref<10000xf32, #tpu.memory_space<vmem>>, vector<16xf32>,
        %scan3A_538 = arith.constant 0 : i32
        scf.yield %scan3A_538 : i32
      }
      %scan3A_306 = arith.constant 624 : i32
      %scan3A_307 = arith.addi %scan3A_301, %scan3A_306 : i32
      %mul3A_308 = arith.constant 16 : i32
      %mul3A_309 = arith.muli %scan3A_307, %mul3A_308 : i32
      %get3A = arith.constant 0 : i32
      %get3A_310 = tpu.memref_slice %arg7[%get3A] : memref<12800xf32, #tpu.memory_space<vmem>> -> memref<10000xf32, #tpu.memory_space<vmem>>
      %get3A_311 = arith.index_cast %mul3A_309 : i32 to index
      %get3A_312 = tpu.vector_load %get3A_310[%get3A_311] {strides = array<i32>} : memref<10000xf32, #tpu.memory_space<vmem>>, vector<16xf32>,
      %get3A_313 = vector.shape_cast %get3A_312 : vector<16xf32> to vector<16xf32>
      %ge3A = arith.constant 1.000000e+00 : f32
      %ge3A_314 = vector.broadcast %ge3A : f32 to vector<16xf32>
      %ge3A_315 = arith.cmpf oge, %get3A_313, %ge3A_314 : vector<16xf32>
      %sub3A = arith.constant 1.000000e+00 : f32
      %sub3A_316 = vector.broadcast %sub3A : f32 to vector<16xf32>
      %sub3A_317 = arith.subf %get3A_313, %sub3A_316 : vector<16xf32>
      %exp3A = math.exp %sub3A_317 : vector<16xf32>
      %select_n3A = arith.select %ge3A_315, %get3A_313, %exp3A : vector<16xi1>, vector<16xf32>
      %mul3A_318 = arith.constant 16 : i32
      %mul3A_319 = arith.muli %scan3A_307, %mul3A_318 : i32
      %swap3A = arith.constant 0 : i32
      %swap3A_320 = tpu.memref_slice %arg7[%swap3A] : memref<12800xf32, #tpu.memory_space<vmem>> -> memref<10000xf32, #tpu.memory_space<vmem>>
      %swap3A_321 = arith.index_cast %mul3A_319 : i32 to index
      %swap3A_322 = tpu.vector_load %swap3A_320[%swap3A_321] {strides = array<i32>} : memref<10000xf32, #tpu.memory_space<vmem>>, vector<16xf32>,
      %swap3A_323 = vector.shape_cast %swap3A_322 : vector<16xf32> to vector<16xf32>
      %swap3A_324 = vector.shape_cast %select_n3A : vector<16xf32> to vector<16xf32>
      tpu.vector_store %swap3A_320[%swap3A_321], %swap3A_324 {strides = array<i32>} : memref<10000xf32, #tpu.memory_space<vmem>>, vector<16xf32>,
      %scan3A_325 = arith.constant 0 : i32
      %scan3A_326 = arith.constant 625 : i32
      %add3A_327 = arith.constant 32 : i32
      %add3A_328 = arith.addi %add3A_327, %arg1 : i32
      %mul3A_329 = arith.constant 10000 : i32
      %mul3A_330 = arith.muli %add3A_328, %mul3A_329 : i32
      "tpu.region"() ({
        %run_scoped3A = tpu.sem_alloc : memref<!tpu.dma_semaphore, #tpu.memory_space<semaphore_mem>>
        %dma_start3A_331 = arith.constant 0 : i32
        %dma_start3A_332 = tpu.memref_slice %arg7[%dma_start3A_331] : memref<12800xf32, #tpu.memory_space<vmem>> -> memref<10000xf32, #tpu.memory_space<vmem>>
        %dma_start3A_333 = tpu.memref_slice %arg9[%mul3A_330] : memref<1000000xf32, #tpu.memory_space<vmem_shared>> -> memref<10000xf32, #tpu.memory_space<vmem_shared>>
        %dma_start3A_334 = tpu.memref_slice %arg9[%mul3A_330] : memref<1000000xf32, #tpu.memory_space<vmem_shared>> -> memref<10000xf32, #tpu.memory_space<vmem_shared>>
        %dma_start3A_335 = arith.constant 0 : i32
        %dma_start3A_336 = tpu.memref_slice %arg7[%dma_start3A_335] : memref<12800xf32, #tpu.memory_space<vmem>> -> memref<10000xf32, #tpu.memory_space<vmem>>
        tpu.enqueue_dma source(%dma_start3A_336 : memref<10000xf32, #tpu.memory_space<vmem>>) target(%dma_start3A_334 : memref<10000xf32, #tpu.memory_space<vmem_shared>>) target_semaphore(%run_scoped3A : memref<!tpu.dma_semaphore, #tpu.memory_space<semaphore_mem>>)
        %dma_wait3A_337 = arith.constant 0 : i32
        %dma_wait3A_338 = tpu.memref_slice %arg7[%dma_wait3A_337] : memref<12800xf32, #tpu.memory_space<vmem>> -> memref<10000xf32, #tpu.memory_space<vmem>>
        %dma_wait3A_339 = tpu.memref_slice %arg9[%mul3A_330] : memref<1000000xf32, #tpu.memory_space<vmem_shared>> -> memref<10000xf32, #tpu.memory_space<vmem_shared>>
        %dma_wait3A_340 = tpu.memref_slice %arg9[%mul3A_330] : memref<1000000xf32, #tpu.memory_space<vmem_shared>> -> memref<10000xf32, #tpu.memory_space<vmem_shared>>
        %dma_wait3A_341 = arith.constant 0 : i32
        %dma_wait3A_342 = tpu.memref_slice %arg7[%dma_wait3A_341] : memref<12800xf32, #tpu.memory_space<vmem>> -> memref<10000xf32, #tpu.memory_space<vmem>>
        tpu.wait_dma2 semaphore(%run_scoped3A : memref<!tpu.dma_semaphore, #tpu.memory_space<semaphore_mem>>) src(%dma_wait3A_342 : memref<10000xf32, #tpu.memory_space<vmem>>) dst(%dma_wait3A_340 : memref<10000xf32, #tpu.memory_space<vmem_shared>>)
        tpu.yield
      }) : () -> ()
    } else {
    }
    %add3A_93 = arith.constant 64 : i32
    %add3A_94 = arith.addi %add3A_93, %arg1 : i32
    %mul3A_95 = arith.constant 10000 : i32
    %mul3A_96 = arith.muli %add3A_94, %mul3A_95 : i32
    %add3A_97 = arith.constant 64 : i32
    %add3A_98 = arith.addi %add3A_97, %arg1 : i32
    %lt3A_99 = arith.constant 100 : i32
    %lt3A_100 = arith.cmpi slt, %add3A_98, %lt3A_99 : i32
    %convert_element_type3A_101 = arith.extui %lt3A_100 : i1 to i32
    %cond3A_102 = arith.constant 0 : i32
    %cond3A_103 = arith.cmpi ne, %convert_element_type3A_101, %cond3A_102 : i32
    scf.if %cond3A_103 {
      %dma_start3A_301 = arith.constant 0 : i32
      %dma_start3A_302 = tpu.memref_slice %arg7[%dma_start3A_301] : memref<12800xf32, #tpu.memory_space<vmem>> -> memref<10000xf32, #tpu.memory_space<vmem>>
      %dma_start3A_303 = tpu.memref_slice %arg3[%mul3A_96] : memref<1000000xf32, #tpu.memory_space<hbm>> -> memref<10000xf32, #tpu.memory_space<hbm>>
      %dma_start3A_304 = arith.constant 0 : i32
      %dma_start3A_305 = tpu.memref_slice %arg7[%dma_start3A_304] : memref<12800xf32, #tpu.memory_space<vmem>> -> memref<10000xf32, #tpu.memory_space<vmem>>
      %dma_start3A_306 = tpu.memref_slice %arg3[%mul3A_96] : memref<1000000xf32, #tpu.memory_space<hbm>> -> memref<10000xf32, #tpu.memory_space<hbm>>
      tpu.enqueue_dma source(%dma_start3A_306 : memref<10000xf32, #tpu.memory_space<hbm>>) target(%dma_start3A_305 : memref<10000xf32, #tpu.memory_space<vmem>>) target_semaphore(%arg12 : memref<!tpu.dma_semaphore, #tpu.memory_space<semaphore_mem>>)
    } else {
    }
    %add3A_104 = arith.constant 48 : i32
    %add3A_105 = arith.addi %add3A_104, %arg1 : i32
    %lt3A_106 = arith.constant 100 : i32
    %lt3A_107 = arith.cmpi slt, %add3A_105, %lt3A_106 : i32
    %convert_element_type3A_108 = arith.extui %lt3A_107 : i1 to i32
    %cond3A_109 = arith.constant 0 : i32
    %cond3A_110 = arith.cmpi ne, %convert_element_type3A_108, %cond3A_109 : i32
    scf.if %cond3A_110 {
      %dma_wait3A_301 = arith.constant 0 : i32
      %dma_wait3A_302 = tpu.memref_slice %arg8[%dma_wait3A_301] : memref<12800xf32, #tpu.memory_space<vmem>> -> memref<10000xf32, #tpu.memory_space<vmem>>
      %dma_wait3A_303 = arith.constant 0 : i32
      %dma_wait3A_304 = tpu.memref_slice %arg3[%dma_wait3A_303] : memref<1000000xf32, #tpu.memory_space<hbm>> -> memref<10000xf32, #tpu.memory_space<hbm>>
      %dma_wait3A_305 = arith.constant 0 : i32
      %dma_wait3A_306 = tpu.memref_slice %arg8[%dma_wait3A_305] : memref<12800xf32, #tpu.memory_space<vmem>> -> memref<10000xf32, #tpu.memory_space<vmem>>
      %dma_wait3A_307 = arith.constant 0 : i32
      %dma_wait3A_308 = tpu.memref_slice %arg3[%dma_wait3A_307] : memref<1000000xf32, #tpu.memory_space<hbm>> -> memref<10000xf32, #tpu.memory_space<hbm>>
      tpu.wait_dma2 semaphore(%arg13 : memref<!tpu.dma_semaphore, #tpu.memory_space<semaphore_mem>>) src(%dma_wait3A_308 : memref<10000xf32, #tpu.memory_space<hbm>>) dst(%dma_wait3A_306 : memref<10000xf32, #tpu.memory_space<vmem>>)
    } else {
    }
    %add3A_111 = arith.constant 48 : i32
    %add3A_112 = arith.addi %add3A_111, %arg1 : i32
    %lt3A_113 = arith.constant 100 : i32
    %lt3A_114 = arith.cmpi slt, %add3A_112, %lt3A_113 : i32
    %convert_element_type3A_115 = arith.extui %lt3A_114 : i1 to i32
    %cond3A_116 = arith.constant 0 : i32
    %cond3A_117 = arith.cmpi ne, %convert_element_type3A_115, %cond3A_116 : i32
    scf.if %cond3A_117 {
      %scan3A = arith.constant 0 : i32
      %scan3A_301 = arith.constant 0 : i32
      %scan3A_302 = arith.constant 624 : i32
      %scan3A_303 = arith.addi %scan3A_301, %scan3A_302 : i32
      %scan3A_304 = arith.constant 8 : i32
      %scan3A_305 = scf.for %scan3A_331 = %scan3A_301 to %scan3A_303 step %scan3A_304 iter_args(%scan3A_332 = %scan3A) -> (i32)  : i32 {
        %mul3A_333 = arith.constant 16 : i32
        %mul3A_334 = arith.muli %scan3A_331, %mul3A_333 : i32
        %get3A_335 = arith.constant 0 : i32
        %get3A_336 = tpu.memref_slice %arg8[%get3A_335] : memref<12800xf32, #tpu.memory_space<vmem>> -> memref<10000xf32, #tpu.memory_space<vmem>>
        %get3A_337 = arith.index_cast %mul3A_334 : i32 to index
        %get3A_338 = tpu.vector_load %get3A_336[%get3A_337] {strides = array<i32>} : memref<10000xf32, #tpu.memory_space<vmem>>, vector<16xf32>,
        %get3A_339 = vector.shape_cast %get3A_338 : vector<16xf32> to vector<16xf32>
        %ge3A_340 = arith.constant 1.000000e+00 : f32
        %ge3A_341 = vector.broadcast %ge3A_340 : f32 to vector<16xf32>
        %ge3A_342 = arith.cmpf oge, %get3A_339, %ge3A_341 : vector<16xf32>
        %sub3A_343 = arith.constant 1.000000e+00 : f32
        %sub3A_344 = vector.broadcast %sub3A_343 : f32 to vector<16xf32>
        %sub3A_345 = arith.subf %get3A_339, %sub3A_344 : vector<16xf32>
        %exp3A_346 = math.exp %sub3A_345 : vector<16xf32>
        %select_n3A_347 = arith.select %ge3A_342, %get3A_339, %exp3A_346 : vector<16xi1>, vector<16xf32>
        %mul3A_348 = arith.constant 16 : i32
        %mul3A_349 = arith.muli %scan3A_331, %mul3A_348 : i32
        %swap3A_350 = arith.constant 0 : i32
        %swap3A_351 = tpu.memref_slice %arg8[%swap3A_350] : memref<12800xf32, #tpu.memory_space<vmem>> -> memref<10000xf32, #tpu.memory_space<vmem>>
        %swap3A_352 = arith.index_cast %mul3A_349 : i32 to index
        %swap3A_353 = tpu.vector_load %swap3A_351[%swap3A_352] {strides = array<i32>} : memref<10000xf32, #tpu.memory_space<vmem>>, vector<16xf32>,
        %swap3A_354 = vector.shape_cast %swap3A_353 : vector<16xf32> to vector<16xf32>
        %swap3A_355 = vector.shape_cast %select_n3A_347 : vector<16xf32> to vector<16xf32>
        tpu.vector_store %swap3A_351[%swap3A_352], %swap3A_355 {strides = array<i32>} : memref<10000xf32, #tpu.memory_space<vmem>>, vector<16xf32>,
        %scan3A_356 = arith.constant 0 : i32
        %scan3A_357 = arith.constant 1 : i32
        %scan3A_358 = arith.addi %scan3A_331, %scan3A_357 : i32
        %mul3A_359 = arith.constant 16 : i32
        %mul3A_360 = arith.muli %scan3A_358, %mul3A_359 : i32
        %get3A_361 = arith.constant 0 : i32
        %get3A_362 = tpu.memref_slice %arg8[%get3A_361] : memref<12800xf32, #tpu.memory_space<vmem>> -> memref<10000xf32, #tpu.memory_space<vmem>>
        %get3A_363 = arith.index_cast %mul3A_360 : i32 to index
        %get3A_364 = tpu.vector_load %get3A_362[%get3A_363] {strides = array<i32>} : memref<10000xf32, #tpu.memory_space<vmem>>, vector<16xf32>,
        %get3A_365 = vector.shape_cast %get3A_364 : vector<16xf32> to vector<16xf32>
        %ge3A_366 = arith.constant 1.000000e+00 : f32
        %ge3A_367 = vector.broadcast %ge3A_366 : f32 to vector<16xf32>
        %ge3A_368 = arith.cmpf oge, %get3A_365, %ge3A_367 : vector<16xf32>
        %sub3A_369 = arith.constant 1.000000e+00 : f32
        %sub3A_370 = vector.broadcast %sub3A_369 : f32 to vector<16xf32>
        %sub3A_371 = arith.subf %get3A_365, %sub3A_370 : vector<16xf32>
        %exp3A_372 = math.exp %sub3A_371 : vector<16xf32>
        %select_n3A_373 = arith.select %ge3A_368, %get3A_365, %exp3A_372 : vector<16xi1>, vector<16xf32>
        %mul3A_374 = arith.constant 16 : i32
        %mul3A_375 = arith.muli %scan3A_358, %mul3A_374 : i32
        %swap3A_376 = arith.constant 0 : i32
        %swap3A_377 = tpu.memref_slice %arg8[%swap3A_376] : memref<12800xf32, #tpu.memory_space<vmem>> -> memref<10000xf32, #tpu.memory_space<vmem>>
        %swap3A_378 = arith.index_cast %mul3A_375 : i32 to index
        %swap3A_379 = tpu.vector_load %swap3A_377[%swap3A_378] {strides = array<i32>} : memref<10000xf32, #tpu.memory_space<vmem>>, vector<16xf32>,
        %swap3A_380 = vector.shape_cast %swap3A_379 : vector<16xf32> to vector<16xf32>
        %swap3A_381 = vector.shape_cast %select_n3A_373 : vector<16xf32> to vector<16xf32>
        tpu.vector_store %swap3A_377[%swap3A_378], %swap3A_381 {strides = array<i32>} : memref<10000xf32, #tpu.memory_space<vmem>>, vector<16xf32>,
        %scan3A_382 = arith.constant 0 : i32
        %scan3A_383 = arith.constant 2 : i32
        %scan3A_384 = arith.addi %scan3A_331, %scan3A_383 : i32
        %mul3A_385 = arith.constant 16 : i32
        %mul3A_386 = arith.muli %scan3A_384, %mul3A_385 : i32
        %get3A_387 = arith.constant 0 : i32
        %get3A_388 = tpu.memref_slice %arg8[%get3A_387] : memref<12800xf32, #tpu.memory_space<vmem>> -> memref<10000xf32, #tpu.memory_space<vmem>>
        %get3A_389 = arith.index_cast %mul3A_386 : i32 to index
        %get3A_390 = tpu.vector_load %get3A_388[%get3A_389] {strides = array<i32>} : memref<10000xf32, #tpu.memory_space<vmem>>, vector<16xf32>,
        %get3A_391 = vector.shape_cast %get3A_390 : vector<16xf32> to vector<16xf32>
        %ge3A_392 = arith.constant 1.000000e+00 : f32
        %ge3A_393 = vector.broadcast %ge3A_392 : f32 to vector<16xf32>
        %ge3A_394 = arith.cmpf oge, %get3A_391, %ge3A_393 : vector<16xf32>
        %sub3A_395 = arith.constant 1.000000e+00 : f32
        %sub3A_396 = vector.broadcast %sub3A_395 : f32 to vector<16xf32>
        %sub3A_397 = arith.subf %get3A_391, %sub3A_396 : vector<16xf32>
        %exp3A_398 = math.exp %sub3A_397 : vector<16xf32>
        %select_n3A_399 = arith.select %ge3A_394, %get3A_391, %exp3A_398 : vector<16xi1>, vector<16xf32>
        %mul3A_400 = arith.constant 16 : i32
        %mul3A_401 = arith.muli %scan3A_384, %mul3A_400 : i32
        %swap3A_402 = arith.constant 0 : i32
        %swap3A_403 = tpu.memref_slice %arg8[%swap3A_402] : memref<12800xf32, #tpu.memory_space<vmem>> -> memref<10000xf32, #tpu.memory_space<vmem>>
        %swap3A_404 = arith.index_cast %mul3A_401 : i32 to index
        %swap3A_405 = tpu.vector_load %swap3A_403[%swap3A_404] {strides = array<i32>} : memref<10000xf32, #tpu.memory_space<vmem>>, vector<16xf32>,
        %swap3A_406 = vector.shape_cast %swap3A_405 : vector<16xf32> to vector<16xf32>
        %swap3A_407 = vector.shape_cast %select_n3A_399 : vector<16xf32> to vector<16xf32>
        tpu.vector_store %swap3A_403[%swap3A_404], %swap3A_407 {strides = array<i32>} : memref<10000xf32, #tpu.memory_space<vmem>>, vector<16xf32>,
        %scan3A_408 = arith.constant 0 : i32
        %scan3A_409 = arith.constant 3 : i32
        %scan3A_410 = arith.addi %scan3A_331, %scan3A_409 : i32
        %mul3A_411 = arith.constant 16 : i32
        %mul3A_412 = arith.muli %scan3A_410, %mul3A_411 : i32
        %get3A_413 = arith.constant 0 : i32
        %get3A_414 = tpu.memref_slice %arg8[%get3A_413] : memref<12800xf32, #tpu.memory_space<vmem>> -> memref<10000xf32, #tpu.memory_space<vmem>>
        %get3A_415 = arith.index_cast %mul3A_412 : i32 to index
        %get3A_416 = tpu.vector_load %get3A_414[%get3A_415] {strides = array<i32>} : memref<10000xf32, #tpu.memory_space<vmem>>, vector<16xf32>,
        %get3A_417 = vector.shape_cast %get3A_416 : vector<16xf32> to vector<16xf32>
        %ge3A_418 = arith.constant 1.000000e+00 : f32
        %ge3A_419 = vector.broadcast %ge3A_418 : f32 to vector<16xf32>
        %ge3A_420 = arith.cmpf oge, %get3A_417, %ge3A_419 : vector<16xf32>
        %sub3A_421 = arith.constant 1.000000e+00 : f32
        %sub3A_422 = vector.broadcast %sub3A_421 : f32 to vector<16xf32>
        %sub3A_423 = arith.subf %get3A_417, %sub3A_422 : vector<16xf32>
        %exp3A_424 = math.exp %sub3A_423 : vector<16xf32>
        %select_n3A_425 = arith.select %ge3A_420, %get3A_417, %exp3A_424 : vector<16xi1>, vector<16xf32>
        %mul3A_426 = arith.constant 16 : i32
        %mul3A_427 = arith.muli %scan3A_410, %mul3A_426 : i32
        %swap3A_428 = arith.constant 0 : i32
        %swap3A_429 = tpu.memref_slice %arg8[%swap3A_428] : memref<12800xf32, #tpu.memory_space<vmem>> -> memref<10000xf32, #tpu.memory_space<vmem>>
        %swap3A_430 = arith.index_cast %mul3A_427 : i32 to index
        %swap3A_431 = tpu.vector_load %swap3A_429[%swap3A_430] {strides = array<i32>} : memref<10000xf32, #tpu.memory_space<vmem>>, vector<16xf32>,
        %swap3A_432 = vector.shape_cast %swap3A_431 : vector<16xf32> to vector<16xf32>
        %swap3A_433 = vector.shape_cast %select_n3A_425 : vector<16xf32> to vector<16xf32>
        tpu.vector_store %swap3A_429[%swap3A_430], %swap3A_433 {strides = array<i32>} : memref<10000xf32, #tpu.memory_space<vmem>>, vector<16xf32>,
        %scan3A_434 = arith.constant 0 : i32
        %scan3A_435 = arith.constant 4 : i32
        %scan3A_436 = arith.addi %scan3A_331, %scan3A_435 : i32
        %mul3A_437 = arith.constant 16 : i32
        %mul3A_438 = arith.muli %scan3A_436, %mul3A_437 : i32
        %get3A_439 = arith.constant 0 : i32
        %get3A_440 = tpu.memref_slice %arg8[%get3A_439] : memref<12800xf32, #tpu.memory_space<vmem>> -> memref<10000xf32, #tpu.memory_space<vmem>>
        %get3A_441 = arith.index_cast %mul3A_438 : i32 to index
        %get3A_442 = tpu.vector_load %get3A_440[%get3A_441] {strides = array<i32>} : memref<10000xf32, #tpu.memory_space<vmem>>, vector<16xf32>,
        %get3A_443 = vector.shape_cast %get3A_442 : vector<16xf32> to vector<16xf32>
        %ge3A_444 = arith.constant 1.000000e+00 : f32
        %ge3A_445 = vector.broadcast %ge3A_444 : f32 to vector<16xf32>
        %ge3A_446 = arith.cmpf oge, %get3A_443, %ge3A_445 : vector<16xf32>
        %sub3A_447 = arith.constant 1.000000e+00 : f32
        %sub3A_448 = vector.broadcast %sub3A_447 : f32 to vector<16xf32>
        %sub3A_449 = arith.subf %get3A_443, %sub3A_448 : vector<16xf32>
        %exp3A_450 = math.exp %sub3A_449 : vector<16xf32>
        %select_n3A_451 = arith.select %ge3A_446, %get3A_443, %exp3A_450 : vector<16xi1>, vector<16xf32>
        %mul3A_452 = arith.constant 16 : i32
        %mul3A_453 = arith.muli %scan3A_436, %mul3A_452 : i32
        %swap3A_454 = arith.constant 0 : i32
        %swap3A_455 = tpu.memref_slice %arg8[%swap3A_454] : memref<12800xf32, #tpu.memory_space<vmem>> -> memref<10000xf32, #tpu.memory_space<vmem>>
        %swap3A_456 = arith.index_cast %mul3A_453 : i32 to index
        %swap3A_457 = tpu.vector_load %swap3A_455[%swap3A_456] {strides = array<i32>} : memref<10000xf32, #tpu.memory_space<vmem>>, vector<16xf32>,
        %swap3A_458 = vector.shape_cast %swap3A_457 : vector<16xf32> to vector<16xf32>
        %swap3A_459 = vector.shape_cast %select_n3A_451 : vector<16xf32> to vector<16xf32>
        tpu.vector_store %swap3A_455[%swap3A_456], %swap3A_459 {strides = array<i32>} : memref<10000xf32, #tpu.memory_space<vmem>>, vector<16xf32>,
        %scan3A_460 = arith.constant 0 : i32
        %scan3A_461 = arith.constant 5 : i32
        %scan3A_462 = arith.addi %scan3A_331, %scan3A_461 : i32
        %mul3A_463 = arith.constant 16 : i32
        %mul3A_464 = arith.muli %scan3A_462, %mul3A_463 : i32
        %get3A_465 = arith.constant 0 : i32
        %get3A_466 = tpu.memref_slice %arg8[%get3A_465] : memref<12800xf32, #tpu.memory_space<vmem>> -> memref<10000xf32, #tpu.memory_space<vmem>>
        %get3A_467 = arith.index_cast %mul3A_464 : i32 to index
        %get3A_468 = tpu.vector_load %get3A_466[%get3A_467] {strides = array<i32>} : memref<10000xf32, #tpu.memory_space<vmem>>, vector<16xf32>,
        %get3A_469 = vector.shape_cast %get3A_468 : vector<16xf32> to vector<16xf32>
        %ge3A_470 = arith.constant 1.000000e+00 : f32
        %ge3A_471 = vector.broadcast %ge3A_470 : f32 to vector<16xf32>
        %ge3A_472 = arith.cmpf oge, %get3A_469, %ge3A_471 : vector<16xf32>
        %sub3A_473 = arith.constant 1.000000e+00 : f32
        %sub3A_474 = vector.broadcast %sub3A_473 : f32 to vector<16xf32>
        %sub3A_475 = arith.subf %get3A_469, %sub3A_474 : vector<16xf32>
        %exp3A_476 = math.exp %sub3A_475 : vector<16xf32>
        %select_n3A_477 = arith.select %ge3A_472, %get3A_469, %exp3A_476 : vector<16xi1>, vector<16xf32>
        %mul3A_478 = arith.constant 16 : i32
        %mul3A_479 = arith.muli %scan3A_462, %mul3A_478 : i32
        %swap3A_480 = arith.constant 0 : i32
        %swap3A_481 = tpu.memref_slice %arg8[%swap3A_480] : memref<12800xf32, #tpu.memory_space<vmem>> -> memref<10000xf32, #tpu.memory_space<vmem>>
        %swap3A_482 = arith.index_cast %mul3A_479 : i32 to index
        %swap3A_483 = tpu.vector_load %swap3A_481[%swap3A_482] {strides = array<i32>} : memref<10000xf32, #tpu.memory_space<vmem>>, vector<16xf32>,
        %swap3A_484 = vector.shape_cast %swap3A_483 : vector<16xf32> to vector<16xf32>
        %swap3A_485 = vector.shape_cast %select_n3A_477 : vector<16xf32> to vector<16xf32>
        tpu.vector_store %swap3A_481[%swap3A_482], %swap3A_485 {strides = array<i32>} : memref<10000xf32, #tpu.memory_space<vmem>>, vector<16xf32>,
        %scan3A_486 = arith.constant 0 : i32
        %scan3A_487 = arith.constant 6 : i32
        %scan3A_488 = arith.addi %scan3A_331, %scan3A_487 : i32
        %mul3A_489 = arith.constant 16 : i32
        %mul3A_490 = arith.muli %scan3A_488, %mul3A_489 : i32
        %get3A_491 = arith.constant 0 : i32
        %get3A_492 = tpu.memref_slice %arg8[%get3A_491] : memref<12800xf32, #tpu.memory_space<vmem>> -> memref<10000xf32, #tpu.memory_space<vmem>>
        %get3A_493 = arith.index_cast %mul3A_490 : i32 to index
        %get3A_494 = tpu.vector_load %get3A_492[%get3A_493] {strides = array<i32>} : memref<10000xf32, #tpu.memory_space<vmem>>, vector<16xf32>,
        %get3A_495 = vector.shape_cast %get3A_494 : vector<16xf32> to vector<16xf32>
        %ge3A_496 = arith.constant 1.000000e+00 : f32
        %ge3A_497 = vector.broadcast %ge3A_496 : f32 to vector<16xf32>
        %ge3A_498 = arith.cmpf oge, %get3A_495, %ge3A_497 : vector<16xf32>
        %sub3A_499 = arith.constant 1.000000e+00 : f32
        %sub3A_500 = vector.broadcast %sub3A_499 : f32 to vector<16xf32>
        %sub3A_501 = arith.subf %get3A_495, %sub3A_500 : vector<16xf32>
        %exp3A_502 = math.exp %sub3A_501 : vector<16xf32>
        %select_n3A_503 = arith.select %ge3A_498, %get3A_495, %exp3A_502 : vector<16xi1>, vector<16xf32>
        %mul3A_504 = arith.constant 16 : i32
        %mul3A_505 = arith.muli %scan3A_488, %mul3A_504 : i32
        %swap3A_506 = arith.constant 0 : i32
        %swap3A_507 = tpu.memref_slice %arg8[%swap3A_506] : memref<12800xf32, #tpu.memory_space<vmem>> -> memref<10000xf32, #tpu.memory_space<vmem>>
        %swap3A_508 = arith.index_cast %mul3A_505 : i32 to index
        %swap3A_509 = tpu.vector_load %swap3A_507[%swap3A_508] {strides = array<i32>} : memref<10000xf32, #tpu.memory_space<vmem>>, vector<16xf32>,
        %swap3A_510 = vector.shape_cast %swap3A_509 : vector<16xf32> to vector<16xf32>
        %swap3A_511 = vector.shape_cast %select_n3A_503 : vector<16xf32> to vector<16xf32>
        tpu.vector_store %swap3A_507[%swap3A_508], %swap3A_511 {strides = array<i32>} : memref<10000xf32, #tpu.memory_space<vmem>>, vector<16xf32>,
        %scan3A_512 = arith.constant 0 : i32
        %scan3A_513 = arith.constant 7 : i32
        %scan3A_514 = arith.addi %scan3A_331, %scan3A_513 : i32
        %mul3A_515 = arith.constant 16 : i32
        %mul3A_516 = arith.muli %scan3A_514, %mul3A_515 : i32
        %get3A_517 = arith.constant 0 : i32
        %get3A_518 = tpu.memref_slice %arg8[%get3A_517] : memref<12800xf32, #tpu.memory_space<vmem>> -> memref<10000xf32, #tpu.memory_space<vmem>>
        %get3A_519 = arith.index_cast %mul3A_516 : i32 to index
        %get3A_520 = tpu.vector_load %get3A_518[%get3A_519] {strides = array<i32>} : memref<10000xf32, #tpu.memory_space<vmem>>, vector<16xf32>,
        %get3A_521 = vector.shape_cast %get3A_520 : vector<16xf32> to vector<16xf32>
        %ge3A_522 = arith.constant 1.000000e+00 : f32
        %ge3A_523 = vector.broadcast %ge3A_522 : f32 to vector<16xf32>
        %ge3A_524 = arith.cmpf oge, %get3A_521, %ge3A_523 : vector<16xf32>
        %sub3A_525 = arith.constant 1.000000e+00 : f32
        %sub3A_526 = vector.broadcast %sub3A_525 : f32 to vector<16xf32>
        %sub3A_527 = arith.subf %get3A_521, %sub3A_526 : vector<16xf32>
        %exp3A_528 = math.exp %sub3A_527 : vector<16xf32>
        %select_n3A_529 = arith.select %ge3A_524, %get3A_521, %exp3A_528 : vector<16xi1>, vector<16xf32>
        %mul3A_530 = arith.constant 16 : i32
        %mul3A_531 = arith.muli %scan3A_514, %mul3A_530 : i32
        %swap3A_532 = arith.constant 0 : i32
        %swap3A_533 = tpu.memref_slice %arg8[%swap3A_532] : memref<12800xf32, #tpu.memory_space<vmem>> -> memref<10000xf32, #tpu.memory_space<vmem>>
        %swap3A_534 = arith.index_cast %mul3A_531 : i32 to index
        %swap3A_535 = tpu.vector_load %swap3A_533[%swap3A_534] {strides = array<i32>} : memref<10000xf32, #tpu.memory_space<vmem>>, vector<16xf32>,
        %swap3A_536 = vector.shape_cast %swap3A_535 : vector<16xf32> to vector<16xf32>
        %swap3A_537 = vector.shape_cast %select_n3A_529 : vector<16xf32> to vector<16xf32>
        tpu.vector_store %swap3A_533[%swap3A_534], %swap3A_537 {strides = array<i32>} : memref<10000xf32, #tpu.memory_space<vmem>>, vector<16xf32>,
        %scan3A_538 = arith.constant 0 : i32
        scf.yield %scan3A_538 : i32
      }
      %scan3A_306 = arith.constant 624 : i32
      %scan3A_307 = arith.addi %scan3A_301, %scan3A_306 : i32
      %mul3A_308 = arith.constant 16 : i32
      %mul3A_309 = arith.muli %scan3A_307, %mul3A_308 : i32
      %get3A = arith.constant 0 : i32
      %get3A_310 = tpu.memref_slice %arg8[%get3A] : memref<12800xf32, #tpu.memory_space<vmem>> -> memref<10000xf32, #tpu.memory_space<vmem>>
      %get3A_311 = arith.index_cast %mul3A_309 : i32 to index
      %get3A_312 = tpu.vector_load %get3A_310[%get3A_311] {strides = array<i32>} : memref<10000xf32, #tpu.memory_space<vmem>>, vector<16xf32>,
      %get3A_313 = vector.shape_cast %get3A_312 : vector<16xf32> to vector<16xf32>
      %ge3A = arith.constant 1.000000e+00 : f32
      %ge3A_314 = vector.broadcast %ge3A : f32 to vector<16xf32>
      %ge3A_315 = arith.cmpf oge, %get3A_313, %ge3A_314 : vector<16xf32>
      %sub3A = arith.constant 1.000000e+00 : f32
      %sub3A_316 = vector.broadcast %sub3A : f32 to vector<16xf32>
      %sub3A_317 = arith.subf %get3A_313, %sub3A_316 : vector<16xf32>
      %exp3A = math.exp %sub3A_317 : vector<16xf32>
      %select_n3A = arith.select %ge3A_315, %get3A_313, %exp3A : vector<16xi1>, vector<16xf32>
      %mul3A_318 = arith.constant 16 : i32
      %mul3A_319 = arith.muli %scan3A_307, %mul3A_318 : i32
      %swap3A = arith.constant 0 : i32
      %swap3A_320 = tpu.memref_slice %arg8[%swap3A] : memref<12800xf32, #tpu.memory_space<vmem>> -> memref<10000xf32, #tpu.memory_space<vmem>>
      %swap3A_321 = arith.index_cast %mul3A_319 : i32 to index
      %swap3A_322 = tpu.vector_load %swap3A_320[%swap3A_321] {strides = array<i32>} : memref<10000xf32, #tpu.memory_space<vmem>>, vector<16xf32>,
      %swap3A_323 = vector.shape_cast %swap3A_322 : vector<16xf32> to vector<16xf32>
      %swap3A_324 = vector.shape_cast %select_n3A : vector<16xf32> to vector<16xf32>
      tpu.vector_store %swap3A_320[%swap3A_321], %swap3A_324 {strides = array<i32>} : memref<10000xf32, #tpu.memory_space<vmem>>, vector<16xf32>,
      %scan3A_325 = arith.constant 0 : i32
      %scan3A_326 = arith.constant 625 : i32
      %add3A_327 = arith.constant 48 : i32
      %add3A_328 = arith.addi %add3A_327, %arg1 : i32
      %mul3A_329 = arith.constant 10000 : i32
      %mul3A_330 = arith.muli %add3A_328, %mul3A_329 : i32
      "tpu.region"() ({
        %run_scoped3A = tpu.sem_alloc : memref<!tpu.dma_semaphore, #tpu.memory_space<semaphore_mem>>
        %dma_start3A_331 = arith.constant 0 : i32
        %dma_start3A_332 = tpu.memref_slice %arg8[%dma_start3A_331] : memref<12800xf32, #tpu.memory_space<vmem>> -> memref<10000xf32, #tpu.memory_space<vmem>>
        %dma_start3A_333 = tpu.memref_slice %arg9[%mul3A_330] : memref<1000000xf32, #tpu.memory_space<vmem_shared>> -> memref<10000xf32, #tpu.memory_space<vmem_shared>>
        %dma_start3A_334 = tpu.memref_slice %arg9[%mul3A_330] : memref<1000000xf32, #tpu.memory_space<vmem_shared>> -> memref<10000xf32, #tpu.memory_space<vmem_shared>>
        %dma_start3A_335 = arith.constant 0 : i32
        %dma_start3A_336 = tpu.memref_slice %arg8[%dma_start3A_335] : memref<12800xf32, #tpu.memory_space<vmem>> -> memref<10000xf32, #tpu.memory_space<vmem>>
        tpu.enqueue_dma source(%dma_start3A_336 : memref<10000xf32, #tpu.memory_space<vmem>>) target(%dma_start3A_334 : memref<10000xf32, #tpu.memory_space<vmem_shared>>) target_semaphore(%run_scoped3A : memref<!tpu.dma_semaphore, #tpu.memory_space<semaphore_mem>>)
        %dma_wait3A_337 = arith.constant 0 : i32
        %dma_wait3A_338 = tpu.memref_slice %arg8[%dma_wait3A_337] : memref<12800xf32, #tpu.memory_space<vmem>> -> memref<10000xf32, #tpu.memory_space<vmem>>
        %dma_wait3A_339 = tpu.memref_slice %arg9[%mul3A_330] : memref<1000000xf32, #tpu.memory_space<vmem_shared>> -> memref<10000xf32, #tpu.memory_space<vmem_shared>>
        %dma_wait3A_340 = tpu.memref_slice %arg9[%mul3A_330] : memref<1000000xf32, #tpu.memory_space<vmem_shared>> -> memref<10000xf32, #tpu.memory_space<vmem_shared>>
        %dma_wait3A_341 = arith.constant 0 : i32
        %dma_wait3A_342 = tpu.memref_slice %arg8[%dma_wait3A_341] : memref<12800xf32, #tpu.memory_space<vmem>> -> memref<10000xf32, #tpu.memory_space<vmem>>
        tpu.wait_dma2 semaphore(%run_scoped3A : memref<!tpu.dma_semaphore, #tpu.memory_space<semaphore_mem>>) src(%dma_wait3A_342 : memref<10000xf32, #tpu.memory_space<vmem>>) dst(%dma_wait3A_340 : memref<10000xf32, #tpu.memory_space<vmem_shared>>)
        tpu.yield
      }) : () -> ()
    } else {
    }
    %add3A_118 = arith.constant 80 : i32
    %add3A_119 = arith.addi %add3A_118, %arg1 : i32
    %mul3A_120 = arith.constant 10000 : i32
    %mul3A_121 = arith.muli %add3A_119, %mul3A_120 : i32
    %add3A_122 = arith.constant 80 : i32
    %add3A_123 = arith.addi %add3A_122, %arg1 : i32
    %lt3A_124 = arith.constant 100 : i32
    %lt3A_125 = arith.cmpi slt, %add3A_123, %lt3A_124 : i32
    %convert_element_type3A_126 = arith.extui %lt3A_125 : i1 to i32
    %cond3A_127 = arith.constant 0 : i32
    %cond3A_128 = arith.cmpi ne, %convert_element_type3A_126, %cond3A_127 : i32
    scf.if %cond3A_128 {
      %dma_start3A_301 = arith.constant 0 : i32
      %dma_start3A_302 = tpu.memref_slice %arg8[%dma_start3A_301] : memref<12800xf32, #tpu.memory_space<vmem>> -> memref<10000xf32, #tpu.memory_space<vmem>>
      %dma_start3A_303 = tpu.memref_slice %arg3[%mul3A_121] : memref<1000000xf32, #tpu.memory_space<hbm>> -> memref<10000xf32, #tpu.memory_space<hbm>>
      %dma_start3A_304 = arith.constant 0 : i32
      %dma_start3A_305 = tpu.memref_slice %arg8[%dma_start3A_304] : memref<12800xf32, #tpu.memory_space<vmem>> -> memref<10000xf32, #tpu.memory_space<vmem>>
      %dma_start3A_306 = tpu.memref_slice %arg3[%mul3A_121] : memref<1000000xf32, #tpu.memory_space<hbm>> -> memref<10000xf32, #tpu.memory_space<hbm>>
      tpu.enqueue_dma source(%dma_start3A_306 : memref<10000xf32, #tpu.memory_space<hbm>>) target(%dma_start3A_305 : memref<10000xf32, #tpu.memory_space<vmem>>) target_semaphore(%arg13 : memref<!tpu.dma_semaphore, #tpu.memory_space<semaphore_mem>>)
    } else {
    }
    %add3A_129 = arith.constant 64 : i32
    %add3A_130 = arith.addi %add3A_129, %arg1 : i32
    %lt3A_131 = arith.constant 100 : i32
    %lt3A_132 = arith.cmpi slt, %add3A_130, %lt3A_131 : i32
    %convert_element_type3A_133 = arith.extui %lt3A_132 : i1 to i32
    %cond3A_134 = arith.constant 0 : i32
    %cond3A_135 = arith.cmpi ne, %convert_element_type3A_133, %cond3A_134 : i32
    scf.if %cond3A_135 {
      %dma_wait3A_301 = arith.constant 0 : i32
      %dma_wait3A_302 = tpu.memref_slice %arg7[%dma_wait3A_301] : memref<12800xf32, #tpu.memory_space<vmem>> -> memref<10000xf32, #tpu.memory_space<vmem>>
      %dma_wait3A_303 = arith.constant 0 : i32
      %dma_wait3A_304 = tpu.memref_slice %arg3[%dma_wait3A_303] : memref<1000000xf32, #tpu.memory_space<hbm>> -> memref<10000xf32, #tpu.memory_space<hbm>>
      %dma_wait3A_305 = arith.constant 0 : i32
      %dma_wait3A_306 = tpu.memref_slice %arg7[%dma_wait3A_305] : memref<12800xf32, #tpu.memory_space<vmem>> -> memref<10000xf32, #tpu.memory_space<vmem>>
      %dma_wait3A_307 = arith.constant 0 : i32
      %dma_wait3A_308 = tpu.memref_slice %arg3[%dma_wait3A_307] : memref<1000000xf32, #tpu.memory_space<hbm>> -> memref<10000xf32, #tpu.memory_space<hbm>>
      tpu.wait_dma2 semaphore(%arg12 : memref<!tpu.dma_semaphore, #tpu.memory_space<semaphore_mem>>) src(%dma_wait3A_308 : memref<10000xf32, #tpu.memory_space<hbm>>) dst(%dma_wait3A_306 : memref<10000xf32, #tpu.memory_space<vmem>>)
    } else {
    }
    %add3A_136 = arith.constant 64 : i32
    %add3A_137 = arith.addi %add3A_136, %arg1 : i32
    %lt3A_138 = arith.constant 100 : i32
    %lt3A_139 = arith.cmpi slt, %add3A_137, %lt3A_138 : i32
    %convert_element_type3A_140 = arith.extui %lt3A_139 : i1 to i32
    %cond3A_141 = arith.constant 0 : i32
    %cond3A_142 = arith.cmpi ne, %convert_element_type3A_140, %cond3A_141 : i32
    scf.if %cond3A_142 {
      %scan3A = arith.constant 0 : i32
      %scan3A_301 = arith.constant 0 : i32
      %scan3A_302 = arith.constant 624 : i32
      %scan3A_303 = arith.addi %scan3A_301, %scan3A_302 : i32
      %scan3A_304 = arith.constant 8 : i32
      %scan3A_305 = scf.for %scan3A_331 = %scan3A_301 to %scan3A_303 step %scan3A_304 iter_args(%scan3A_332 = %scan3A) -> (i32)  : i32 {
        %mul3A_333 = arith.constant 16 : i32
        %mul3A_334 = arith.muli %scan3A_331, %mul3A_333 : i32
        %get3A_335 = arith.constant 0 : i32
        %get3A_336 = tpu.memref_slice %arg7[%get3A_335] : memref<12800xf32, #tpu.memory_space<vmem>> -> memref<10000xf32, #tpu.memory_space<vmem>>
        %get3A_337 = arith.index_cast %mul3A_334 : i32 to index
        %get3A_338 = tpu.vector_load %get3A_336[%get3A_337] {strides = array<i32>} : memref<10000xf32, #tpu.memory_space<vmem>>, vector<16xf32>,
        %get3A_339 = vector.shape_cast %get3A_338 : vector<16xf32> to vector<16xf32>
        %ge3A_340 = arith.constant 1.000000e+00 : f32
        %ge3A_341 = vector.broadcast %ge3A_340 : f32 to vector<16xf32>
        %ge3A_342 = arith.cmpf oge, %get3A_339, %ge3A_341 : vector<16xf32>
        %sub3A_343 = arith.constant 1.000000e+00 : f32
        %sub3A_344 = vector.broadcast %sub3A_343 : f32 to vector<16xf32>
        %sub3A_345 = arith.subf %get3A_339, %sub3A_344 : vector<16xf32>
        %exp3A_346 = math.exp %sub3A_345 : vector<16xf32>
        %select_n3A_347 = arith.select %ge3A_342, %get3A_339, %exp3A_346 : vector<16xi1>, vector<16xf32>
        %mul3A_348 = arith.constant 16 : i32
        %mul3A_349 = arith.muli %scan3A_331, %mul3A_348 : i32
        %swap3A_350 = arith.constant 0 : i32
        %swap3A_351 = tpu.memref_slice %arg7[%swap3A_350] : memref<12800xf32, #tpu.memory_space<vmem>> -> memref<10000xf32, #tpu.memory_space<vmem>>
        %swap3A_352 = arith.index_cast %mul3A_349 : i32 to index
        %swap3A_353 = tpu.vector_load %swap3A_351[%swap3A_352] {strides = array<i32>} : memref<10000xf32, #tpu.memory_space<vmem>>, vector<16xf32>,
        %swap3A_354 = vector.shape_cast %swap3A_353 : vector<16xf32> to vector<16xf32>
        %swap3A_355 = vector.shape_cast %select_n3A_347 : vector<16xf32> to vector<16xf32>
        tpu.vector_store %swap3A_351[%swap3A_352], %swap3A_355 {strides = array<i32>} : memref<10000xf32, #tpu.memory_space<vmem>>, vector<16xf32>,
        %scan3A_356 = arith.constant 0 : i32
        %scan3A_357 = arith.constant 1 : i32
        %scan3A_358 = arith.addi %scan3A_331, %scan3A_357 : i32
        %mul3A_359 = arith.constant 16 : i32
        %mul3A_360 = arith.muli %scan3A_358, %mul3A_359 : i32
        %get3A_361 = arith.constant 0 : i32
        %get3A_362 = tpu.memref_slice %arg7[%get3A_361] : memref<12800xf32, #tpu.memory_space<vmem>> -> memref<10000xf32, #tpu.memory_space<vmem>>
        %get3A_363 = arith.index_cast %mul3A_360 : i32 to index
        %get3A_364 = tpu.vector_load %get3A_362[%get3A_363] {strides = array<i32>} : memref<10000xf32, #tpu.memory_space<vmem>>, vector<16xf32>,
        %get3A_365 = vector.shape_cast %get3A_364 : vector<16xf32> to vector<16xf32>
        %ge3A_366 = arith.constant 1.000000e+00 : f32
        %ge3A_367 = vector.broadcast %ge3A_366 : f32 to vector<16xf32>
        %ge3A_368 = arith.cmpf oge, %get3A_365, %ge3A_367 : vector<16xf32>
        %sub3A_369 = arith.constant 1.000000e+00 : f32
        %sub3A_370 = vector.broadcast %sub3A_369 : f32 to vector<16xf32>
        %sub3A_371 = arith.subf %get3A_365, %sub3A_370 : vector<16xf32>
        %exp3A_372 = math.exp %sub3A_371 : vector<16xf32>
        %select_n3A_373 = arith.select %ge3A_368, %get3A_365, %exp3A_372 : vector<16xi1>, vector<16xf32>
        %mul3A_374 = arith.constant 16 : i32
        %mul3A_375 = arith.muli %scan3A_358, %mul3A_374 : i32
        %swap3A_376 = arith.constant 0 : i32
        %swap3A_377 = tpu.memref_slice %arg7[%swap3A_376] : memref<12800xf32, #tpu.memory_space<vmem>> -> memref<10000xf32, #tpu.memory_space<vmem>>
        %swap3A_378 = arith.index_cast %mul3A_375 : i32 to index
        %swap3A_379 = tpu.vector_load %swap3A_377[%swap3A_378] {strides = array<i32>} : memref<10000xf32, #tpu.memory_space<vmem>>, vector<16xf32>,
        %swap3A_380 = vector.shape_cast %swap3A_379 : vector<16xf32> to vector<16xf32>
        %swap3A_381 = vector.shape_cast %select_n3A_373 : vector<16xf32> to vector<16xf32>
        tpu.vector_store %swap3A_377[%swap3A_378], %swap3A_381 {strides = array<i32>} : memref<10000xf32, #tpu.memory_space<vmem>>, vector<16xf32>,
        %scan3A_382 = arith.constant 0 : i32
        %scan3A_383 = arith.constant 2 : i32
        %scan3A_384 = arith.addi %scan3A_331, %scan3A_383 : i32
        %mul3A_385 = arith.constant 16 : i32
        %mul3A_386 = arith.muli %scan3A_384, %mul3A_385 : i32
        %get3A_387 = arith.constant 0 : i32
        %get3A_388 = tpu.memref_slice %arg7[%get3A_387] : memref<12800xf32, #tpu.memory_space<vmem>> -> memref<10000xf32, #tpu.memory_space<vmem>>
        %get3A_389 = arith.index_cast %mul3A_386 : i32 to index
        %get3A_390 = tpu.vector_load %get3A_388[%get3A_389] {strides = array<i32>} : memref<10000xf32, #tpu.memory_space<vmem>>, vector<16xf32>,
        %get3A_391 = vector.shape_cast %get3A_390 : vector<16xf32> to vector<16xf32>
        %ge3A_392 = arith.constant 1.000000e+00 : f32
        %ge3A_393 = vector.broadcast %ge3A_392 : f32 to vector<16xf32>
        %ge3A_394 = arith.cmpf oge, %get3A_391, %ge3A_393 : vector<16xf32>
        %sub3A_395 = arith.constant 1.000000e+00 : f32
        %sub3A_396 = vector.broadcast %sub3A_395 : f32 to vector<16xf32>
        %sub3A_397 = arith.subf %get3A_391, %sub3A_396 : vector<16xf32>
        %exp3A_398 = math.exp %sub3A_397 : vector<16xf32>
        %select_n3A_399 = arith.select %ge3A_394, %get3A_391, %exp3A_398 : vector<16xi1>, vector<16xf32>
        %mul3A_400 = arith.constant 16 : i32
        %mul3A_401 = arith.muli %scan3A_384, %mul3A_400 : i32
        %swap3A_402 = arith.constant 0 : i32
        %swap3A_403 = tpu.memref_slice %arg7[%swap3A_402] : memref<12800xf32, #tpu.memory_space<vmem>> -> memref<10000xf32, #tpu.memory_space<vmem>>
        %swap3A_404 = arith.index_cast %mul3A_401 : i32 to index
        %swap3A_405 = tpu.vector_load %swap3A_403[%swap3A_404] {strides = array<i32>} : memref<10000xf32, #tpu.memory_space<vmem>>, vector<16xf32>,
        %swap3A_406 = vector.shape_cast %swap3A_405 : vector<16xf32> to vector<16xf32>
        %swap3A_407 = vector.shape_cast %select_n3A_399 : vector<16xf32> to vector<16xf32>
        tpu.vector_store %swap3A_403[%swap3A_404], %swap3A_407 {strides = array<i32>} : memref<10000xf32, #tpu.memory_space<vmem>>, vector<16xf32>,
        %scan3A_408 = arith.constant 0 : i32
        %scan3A_409 = arith.constant 3 : i32
        %scan3A_410 = arith.addi %scan3A_331, %scan3A_409 : i32
        %mul3A_411 = arith.constant 16 : i32
        %mul3A_412 = arith.muli %scan3A_410, %mul3A_411 : i32
        %get3A_413 = arith.constant 0 : i32
        %get3A_414 = tpu.memref_slice %arg7[%get3A_413] : memref<12800xf32, #tpu.memory_space<vmem>> -> memref<10000xf32, #tpu.memory_space<vmem>>
        %get3A_415 = arith.index_cast %mul3A_412 : i32 to index
        %get3A_416 = tpu.vector_load %get3A_414[%get3A_415] {strides = array<i32>} : memref<10000xf32, #tpu.memory_space<vmem>>, vector<16xf32>,
        %get3A_417 = vector.shape_cast %get3A_416 : vector<16xf32> to vector<16xf32>
        %ge3A_418 = arith.constant 1.000000e+00 : f32
        %ge3A_419 = vector.broadcast %ge3A_418 : f32 to vector<16xf32>
        %ge3A_420 = arith.cmpf oge, %get3A_417, %ge3A_419 : vector<16xf32>
        %sub3A_421 = arith.constant 1.000000e+00 : f32
        %sub3A_422 = vector.broadcast %sub3A_421 : f32 to vector<16xf32>
        %sub3A_423 = arith.subf %get3A_417, %sub3A_422 : vector<16xf32>
        %exp3A_424 = math.exp %sub3A_423 : vector<16xf32>
        %select_n3A_425 = arith.select %ge3A_420, %get3A_417, %exp3A_424 : vector<16xi1>, vector<16xf32>
        %mul3A_426 = arith.constant 16 : i32
        %mul3A_427 = arith.muli %scan3A_410, %mul3A_426 : i32
        %swap3A_428 = arith.constant 0 : i32
        %swap3A_429 = tpu.memref_slice %arg7[%swap3A_428] : memref<12800xf32, #tpu.memory_space<vmem>> -> memref<10000xf32, #tpu.memory_space<vmem>>
        %swap3A_430 = arith.index_cast %mul3A_427 : i32 to index
        %swap3A_431 = tpu.vector_load %swap3A_429[%swap3A_430] {strides = array<i32>} : memref<10000xf32, #tpu.memory_space<vmem>>, vector<16xf32>,
        %swap3A_432 = vector.shape_cast %swap3A_431 : vector<16xf32> to vector<16xf32>
        %swap3A_433 = vector.shape_cast %select_n3A_425 : vector<16xf32> to vector<16xf32>
        tpu.vector_store %swap3A_429[%swap3A_430], %swap3A_433 {strides = array<i32>} : memref<10000xf32, #tpu.memory_space<vmem>>, vector<16xf32>,
        %scan3A_434 = arith.constant 0 : i32
        %scan3A_435 = arith.constant 4 : i32
        %scan3A_436 = arith.addi %scan3A_331, %scan3A_435 : i32
        %mul3A_437 = arith.constant 16 : i32
        %mul3A_438 = arith.muli %scan3A_436, %mul3A_437 : i32
        %get3A_439 = arith.constant 0 : i32
        %get3A_440 = tpu.memref_slice %arg7[%get3A_439] : memref<12800xf32, #tpu.memory_space<vmem>> -> memref<10000xf32, #tpu.memory_space<vmem>>
        %get3A_441 = arith.index_cast %mul3A_438 : i32 to index
        %get3A_442 = tpu.vector_load %get3A_440[%get3A_441] {strides = array<i32>} : memref<10000xf32, #tpu.memory_space<vmem>>, vector<16xf32>,
        %get3A_443 = vector.shape_cast %get3A_442 : vector<16xf32> to vector<16xf32>
        %ge3A_444 = arith.constant 1.000000e+00 : f32
        %ge3A_445 = vector.broadcast %ge3A_444 : f32 to vector<16xf32>
        %ge3A_446 = arith.cmpf oge, %get3A_443, %ge3A_445 : vector<16xf32>
        %sub3A_447 = arith.constant 1.000000e+00 : f32
        %sub3A_448 = vector.broadcast %sub3A_447 : f32 to vector<16xf32>
        %sub3A_449 = arith.subf %get3A_443, %sub3A_448 : vector<16xf32>
        %exp3A_450 = math.exp %sub3A_449 : vector<16xf32>
        %select_n3A_451 = arith.select %ge3A_446, %get3A_443, %exp3A_450 : vector<16xi1>, vector<16xf32>
        %mul3A_452 = arith.constant 16 : i32
        %mul3A_453 = arith.muli %scan3A_436, %mul3A_452 : i32
        %swap3A_454 = arith.constant 0 : i32
        %swap3A_455 = tpu.memref_slice %arg7[%swap3A_454] : memref<12800xf32, #tpu.memory_space<vmem>> -> memref<10000xf32, #tpu.memory_space<vmem>>
        %swap3A_456 = arith.index_cast %mul3A_453 : i32 to index
        %swap3A_457 = tpu.vector_load %swap3A_455[%swap3A_456] {strides = array<i32>} : memref<10000xf32, #tpu.memory_space<vmem>>, vector<16xf32>,
        %swap3A_458 = vector.shape_cast %swap3A_457 : vector<16xf32> to vector<16xf32>
        %swap3A_459 = vector.shape_cast %select_n3A_451 : vector<16xf32> to vector<16xf32>
        tpu.vector_store %swap3A_455[%swap3A_456], %swap3A_459 {strides = array<i32>} : memref<10000xf32, #tpu.memory_space<vmem>>, vector<16xf32>,
        %scan3A_460 = arith.constant 0 : i32
        %scan3A_461 = arith.constant 5 : i32
        %scan3A_462 = arith.addi %scan3A_331, %scan3A_461 : i32
        %mul3A_463 = arith.constant 16 : i32
        %mul3A_464 = arith.muli %scan3A_462, %mul3A_463 : i32
        %get3A_465 = arith.constant 0 : i32
        %get3A_466 = tpu.memref_slice %arg7[%get3A_465] : memref<12800xf32, #tpu.memory_space<vmem>> -> memref<10000xf32, #tpu.memory_space<vmem>>
        %get3A_467 = arith.index_cast %mul3A_464 : i32 to index
        %get3A_468 = tpu.vector_load %get3A_466[%get3A_467] {strides = array<i32>} : memref<10000xf32, #tpu.memory_space<vmem>>, vector<16xf32>,
        %get3A_469 = vector.shape_cast %get3A_468 : vector<16xf32> to vector<16xf32>
        %ge3A_470 = arith.constant 1.000000e+00 : f32
        %ge3A_471 = vector.broadcast %ge3A_470 : f32 to vector<16xf32>
        %ge3A_472 = arith.cmpf oge, %get3A_469, %ge3A_471 : vector<16xf32>
        %sub3A_473 = arith.constant 1.000000e+00 : f32
        %sub3A_474 = vector.broadcast %sub3A_473 : f32 to vector<16xf32>
        %sub3A_475 = arith.subf %get3A_469, %sub3A_474 : vector<16xf32>
        %exp3A_476 = math.exp %sub3A_475 : vector<16xf32>
        %select_n3A_477 = arith.select %ge3A_472, %get3A_469, %exp3A_476 : vector<16xi1>, vector<16xf32>
        %mul3A_478 = arith.constant 16 : i32
        %mul3A_479 = arith.muli %scan3A_462, %mul3A_478 : i32
        %swap3A_480 = arith.constant 0 : i32
        %swap3A_481 = tpu.memref_slice %arg7[%swap3A_480] : memref<12800xf32, #tpu.memory_space<vmem>> -> memref<10000xf32, #tpu.memory_space<vmem>>
        %swap3A_482 = arith.index_cast %mul3A_479 : i32 to index
        %swap3A_483 = tpu.vector_load %swap3A_481[%swap3A_482] {strides = array<i32>} : memref<10000xf32, #tpu.memory_space<vmem>>, vector<16xf32>,
        %swap3A_484 = vector.shape_cast %swap3A_483 : vector<16xf32> to vector<16xf32>
        %swap3A_485 = vector.shape_cast %select_n3A_477 : vector<16xf32> to vector<16xf32>
        tpu.vector_store %swap3A_481[%swap3A_482], %swap3A_485 {strides = array<i32>} : memref<10000xf32, #tpu.memory_space<vmem>>, vector<16xf32>,
        %scan3A_486 = arith.constant 0 : i32
        %scan3A_487 = arith.constant 6 : i32
        %scan3A_488 = arith.addi %scan3A_331, %scan3A_487 : i32
        %mul3A_489 = arith.constant 16 : i32
        %mul3A_490 = arith.muli %scan3A_488, %mul3A_489 : i32
        %get3A_491 = arith.constant 0 : i32
        %get3A_492 = tpu.memref_slice %arg7[%get3A_491] : memref<12800xf32, #tpu.memory_space<vmem>> -> memref<10000xf32, #tpu.memory_space<vmem>>
        %get3A_493 = arith.index_cast %mul3A_490 : i32 to index
        %get3A_494 = tpu.vector_load %get3A_492[%get3A_493] {strides = array<i32>} : memref<10000xf32, #tpu.memory_space<vmem>>, vector<16xf32>,
        %get3A_495 = vector.shape_cast %get3A_494 : vector<16xf32> to vector<16xf32>
        %ge3A_496 = arith.constant 1.000000e+00 : f32
        %ge3A_497 = vector.broadcast %ge3A_496 : f32 to vector<16xf32>
        %ge3A_498 = arith.cmpf oge, %get3A_495, %ge3A_497 : vector<16xf32>
        %sub3A_499 = arith.constant 1.000000e+00 : f32
        %sub3A_500 = vector.broadcast %sub3A_499 : f32 to vector<16xf32>
        %sub3A_501 = arith.subf %get3A_495, %sub3A_500 : vector<16xf32>
        %exp3A_502 = math.exp %sub3A_501 : vector<16xf32>
        %select_n3A_503 = arith.select %ge3A_498, %get3A_495, %exp3A_502 : vector<16xi1>, vector<16xf32>
        %mul3A_504 = arith.constant 16 : i32
        %mul3A_505 = arith.muli %scan3A_488, %mul3A_504 : i32
        %swap3A_506 = arith.constant 0 : i32
        %swap3A_507 = tpu.memref_slice %arg7[%swap3A_506] : memref<12800xf32, #tpu.memory_space<vmem>> -> memref<10000xf32, #tpu.memory_space<vmem>>
        %swap3A_508 = arith.index_cast %mul3A_505 : i32 to index
        %swap3A_509 = tpu.vector_load %swap3A_507[%swap3A_508] {strides = array<i32>} : memref<10000xf32, #tpu.memory_space<vmem>>, vector<16xf32>,
        %swap3A_510 = vector.shape_cast %swap3A_509 : vector<16xf32> to vector<16xf32>
        %swap3A_511 = vector.shape_cast %select_n3A_503 : vector<16xf32> to vector<16xf32>
        tpu.vector_store %swap3A_507[%swap3A_508], %swap3A_511 {strides = array<i32>} : memref<10000xf32, #tpu.memory_space<vmem>>, vector<16xf32>,
        %scan3A_512 = arith.constant 0 : i32
        %scan3A_513 = arith.constant 7 : i32
        %scan3A_514 = arith.addi %scan3A_331, %scan3A_513 : i32
        %mul3A_515 = arith.constant 16 : i32
        %mul3A_516 = arith.muli %scan3A_514, %mul3A_515 : i32
        %get3A_517 = arith.constant 0 : i32
        %get3A_518 = tpu.memref_slice %arg7[%get3A_517] : memref<12800xf32, #tpu.memory_space<vmem>> -> memref<10000xf32, #tpu.memory_space<vmem>>
        %get3A_519 = arith.index_cast %mul3A_516 : i32 to index
        %get3A_520 = tpu.vector_load %get3A_518[%get3A_519] {strides = array<i32>} : memref<10000xf32, #tpu.memory_space<vmem>>, vector<16xf32>,
        %get3A_521 = vector.shape_cast %get3A_520 : vector<16xf32> to vector<16xf32>
        %ge3A_522 = arith.constant 1.000000e+00 : f32
        %ge3A_523 = vector.broadcast %ge3A_522 : f32 to vector<16xf32>
        %ge3A_524 = arith.cmpf oge, %get3A_521, %ge3A_523 : vector<16xf32>
        %sub3A_525 = arith.constant 1.000000e+00 : f32
        %sub3A_526 = vector.broadcast %sub3A_525 : f32 to vector<16xf32>
        %sub3A_527 = arith.subf %get3A_521, %sub3A_526 : vector<16xf32>
        %exp3A_528 = math.exp %sub3A_527 : vector<16xf32>
        %select_n3A_529 = arith.select %ge3A_524, %get3A_521, %exp3A_528 : vector<16xi1>, vector<16xf32>
        %mul3A_530 = arith.constant 16 : i32
        %mul3A_531 = arith.muli %scan3A_514, %mul3A_530 : i32
        %swap3A_532 = arith.constant 0 : i32
        %swap3A_533 = tpu.memref_slice %arg7[%swap3A_532] : memref<12800xf32, #tpu.memory_space<vmem>> -> memref<10000xf32, #tpu.memory_space<vmem>>
        %swap3A_534 = arith.index_cast %mul3A_531 : i32 to index
        %swap3A_535 = tpu.vector_load %swap3A_533[%swap3A_534] {strides = array<i32>} : memref<10000xf32, #tpu.memory_space<vmem>>, vector<16xf32>,
        %swap3A_536 = vector.shape_cast %swap3A_535 : vector<16xf32> to vector<16xf32>
        %swap3A_537 = vector.shape_cast %select_n3A_529 : vector<16xf32> to vector<16xf32>
        tpu.vector_store %swap3A_533[%swap3A_534], %swap3A_537 {strides = array<i32>} : memref<10000xf32, #tpu.memory_space<vmem>>, vector<16xf32>,
        %scan3A_538 = arith.constant 0 : i32
        scf.yield %scan3A_538 : i32
      }
      %scan3A_306 = arith.constant 624 : i32
      %scan3A_307 = arith.addi %scan3A_301, %scan3A_306 : i32
      %mul3A_308 = arith.constant 16 : i32
      %mul3A_309 = arith.muli %scan3A_307, %mul3A_308 : i32
      %get3A = arith.constant 0 : i32
      %get3A_310 = tpu.memref_slice %arg7[%get3A] : memref<12800xf32, #tpu.memory_space<vmem>> -> memref<10000xf32, #tpu.memory_space<vmem>>
      %get3A_311 = arith.index_cast %mul3A_309 : i32 to index
      %get3A_312 = tpu.vector_load %get3A_310[%get3A_311] {strides = array<i32>} : memref<10000xf32, #tpu.memory_space<vmem>>, vector<16xf32>,
      %get3A_313 = vector.shape_cast %get3A_312 : vector<16xf32> to vector<16xf32>
      %ge3A = arith.constant 1.000000e+00 : f32
      %ge3A_314 = vector.broadcast %ge3A : f32 to vector<16xf32>
      %ge3A_315 = arith.cmpf oge, %get3A_313, %ge3A_314 : vector<16xf32>
      %sub3A = arith.constant 1.000000e+00 : f32
      %sub3A_316 = vector.broadcast %sub3A : f32 to vector<16xf32>
      %sub3A_317 = arith.subf %get3A_313, %sub3A_316 : vector<16xf32>
      %exp3A = math.exp %sub3A_317 : vector<16xf32>
      %select_n3A = arith.select %ge3A_315, %get3A_313, %exp3A : vector<16xi1>, vector<16xf32>
      %mul3A_318 = arith.constant 16 : i32
      %mul3A_319 = arith.muli %scan3A_307, %mul3A_318 : i32
      %swap3A = arith.constant 0 : i32
      %swap3A_320 = tpu.memref_slice %arg7[%swap3A] : memref<12800xf32, #tpu.memory_space<vmem>> -> memref<10000xf32, #tpu.memory_space<vmem>>
      %swap3A_321 = arith.index_cast %mul3A_319 : i32 to index
      %swap3A_322 = tpu.vector_load %swap3A_320[%swap3A_321] {strides = array<i32>} : memref<10000xf32, #tpu.memory_space<vmem>>, vector<16xf32>,
      %swap3A_323 = vector.shape_cast %swap3A_322 : vector<16xf32> to vector<16xf32>
      %swap3A_324 = vector.shape_cast %select_n3A : vector<16xf32> to vector<16xf32>
      tpu.vector_store %swap3A_320[%swap3A_321], %swap3A_324 {strides = array<i32>} : memref<10000xf32, #tpu.memory_space<vmem>>, vector<16xf32>,
      %scan3A_325 = arith.constant 0 : i32
      %scan3A_326 = arith.constant 625 : i32
      %add3A_327 = arith.constant 64 : i32
      %add3A_328 = arith.addi %add3A_327, %arg1 : i32
      %mul3A_329 = arith.constant 10000 : i32
      %mul3A_330 = arith.muli %add3A_328, %mul3A_329 : i32
      "tpu.region"() ({
        %run_scoped3A = tpu.sem_alloc : memref<!tpu.dma_semaphore, #tpu.memory_space<semaphore_mem>>
        %dma_start3A_331 = arith.constant 0 : i32
        %dma_start3A_332 = tpu.memref_slice %arg7[%dma_start3A_331] : memref<12800xf32, #tpu.memory_space<vmem>> -> memref<10000xf32, #tpu.memory_space<vmem>>
        %dma_start3A_333 = tpu.memref_slice %arg9[%mul3A_330] : memref<1000000xf32, #tpu.memory_space<vmem_shared>> -> memref<10000xf32, #tpu.memory_space<vmem_shared>>
        %dma_start3A_334 = tpu.memref_slice %arg9[%mul3A_330] : memref<1000000xf32, #tpu.memory_space<vmem_shared>> -> memref<10000xf32, #tpu.memory_space<vmem_shared>>
        %dma_start3A_335 = arith.constant 0 : i32
        %dma_start3A_336 = tpu.memref_slice %arg7[%dma_start3A_335] : memref<12800xf32, #tpu.memory_space<vmem>> -> memref<10000xf32, #tpu.memory_space<vmem>>
        tpu.enqueue_dma source(%dma_start3A_336 : memref<10000xf32, #tpu.memory_space<vmem>>) target(%dma_start3A_334 : memref<10000xf32, #tpu.memory_space<vmem_shared>>) target_semaphore(%run_scoped3A : memref<!tpu.dma_semaphore, #tpu.memory_space<semaphore_mem>>)
        %dma_wait3A_337 = arith.constant 0 : i32
        %dma_wait3A_338 = tpu.memref_slice %arg7[%dma_wait3A_337] : memref<12800xf32, #tpu.memory_space<vmem>> -> memref<10000xf32, #tpu.memory_space<vmem>>
        %dma_wait3A_339 = tpu.memref_slice %arg9[%mul3A_330] : memref<1000000xf32, #tpu.memory_space<vmem_shared>> -> memref<10000xf32, #tpu.memory_space<vmem_shared>>
        %dma_wait3A_340 = tpu.memref_slice %arg9[%mul3A_330] : memref<1000000xf32, #tpu.memory_space<vmem_shared>> -> memref<10000xf32, #tpu.memory_space<vmem_shared>>
        %dma_wait3A_341 = arith.constant 0 : i32
        %dma_wait3A_342 = tpu.memref_slice %arg7[%dma_wait3A_341] : memref<12800xf32, #tpu.memory_space<vmem>> -> memref<10000xf32, #tpu.memory_space<vmem>>
        tpu.wait_dma2 semaphore(%run_scoped3A : memref<!tpu.dma_semaphore, #tpu.memory_space<semaphore_mem>>) src(%dma_wait3A_342 : memref<10000xf32, #tpu.memory_space<vmem>>) dst(%dma_wait3A_340 : memref<10000xf32, #tpu.memory_space<vmem_shared>>)
        tpu.yield
      }) : () -> ()
    } else {
    }
    %add3A_143 = arith.constant 96 : i32
    %add3A_144 = arith.addi %add3A_143, %arg1 : i32
    %mul3A_145 = arith.constant 10000 : i32
    %mul3A_146 = arith.muli %add3A_144, %mul3A_145 : i32
    %add3A_147 = arith.constant 96 : i32
    %add3A_148 = arith.addi %add3A_147, %arg1 : i32
    %lt3A_149 = arith.constant 100 : i32
    %lt3A_150 = arith.cmpi slt, %add3A_148, %lt3A_149 : i32
    %convert_element_type3A_151 = arith.extui %lt3A_150 : i1 to i32
    %cond3A_152 = arith.constant 0 : i32
    %cond3A_153 = arith.cmpi ne, %convert_element_type3A_151, %cond3A_152 : i32
    scf.if %cond3A_153 {
      %dma_start3A_301 = arith.constant 0 : i32
      %dma_start3A_302 = tpu.memref_slice %arg7[%dma_start3A_301] : memref<12800xf32, #tpu.memory_space<vmem>> -> memref<10000xf32, #tpu.memory_space<vmem>>
      %dma_start3A_303 = tpu.memref_slice %arg3[%mul3A_146] : memref<1000000xf32, #tpu.memory_space<hbm>> -> memref<10000xf32, #tpu.memory_space<hbm>>
      %dma_start3A_304 = arith.constant 0 : i32
      %dma_start3A_305 = tpu.memref_slice %arg7[%dma_start3A_304] : memref<12800xf32, #tpu.memory_space<vmem>> -> memref<10000xf32, #tpu.memory_space<vmem>>
      %dma_start3A_306 = tpu.memref_slice %arg3[%mul3A_146] : memref<1000000xf32, #tpu.memory_space<hbm>> -> memref<10000xf32, #tpu.memory_space<hbm>>
      tpu.enqueue_dma source(%dma_start3A_306 : memref<10000xf32, #tpu.memory_space<hbm>>) target(%dma_start3A_305 : memref<10000xf32, #tpu.memory_space<vmem>>) target_semaphore(%arg12 : memref<!tpu.dma_semaphore, #tpu.memory_space<semaphore_mem>>)
    } else {
    }
    %add3A_154 = arith.constant 80 : i32
    %add3A_155 = arith.addi %add3A_154, %arg1 : i32
    %lt3A_156 = arith.constant 100 : i32
    %lt3A_157 = arith.cmpi slt, %add3A_155, %lt3A_156 : i32
    %convert_element_type3A_158 = arith.extui %lt3A_157 : i1 to i32
    %cond3A_159 = arith.constant 0 : i32
    %cond3A_160 = arith.cmpi ne, %convert_element_type3A_158, %cond3A_159 : i32
    scf.if %cond3A_160 {
      %dma_wait3A_301 = arith.constant 0 : i32
      %dma_wait3A_302 = tpu.memref_slice %arg8[%dma_wait3A_301] : memref<12800xf32, #tpu.memory_space<vmem>> -> memref<10000xf32, #tpu.memory_space<vmem>>
      %dma_wait3A_303 = arith.constant 0 : i32
      %dma_wait3A_304 = tpu.memref_slice %arg3[%dma_wait3A_303] : memref<1000000xf32, #tpu.memory_space<hbm>> -> memref<10000xf32, #tpu.memory_space<hbm>>
      %dma_wait3A_305 = arith.constant 0 : i32
      %dma_wait3A_306 = tpu.memref_slice %arg8[%dma_wait3A_305] : memref<12800xf32, #tpu.memory_space<vmem>> -> memref<10000xf32, #tpu.memory_space<vmem>>
      %dma_wait3A_307 = arith.constant 0 : i32
      %dma_wait3A_308 = tpu.memref_slice %arg3[%dma_wait3A_307] : memref<1000000xf32, #tpu.memory_space<hbm>> -> memref<10000xf32, #tpu.memory_space<hbm>>
      tpu.wait_dma2 semaphore(%arg13 : memref<!tpu.dma_semaphore, #tpu.memory_space<semaphore_mem>>) src(%dma_wait3A_308 : memref<10000xf32, #tpu.memory_space<hbm>>) dst(%dma_wait3A_306 : memref<10000xf32, #tpu.memory_space<vmem>>)
    } else {
    }
    %add3A_161 = arith.constant 80 : i32
    %add3A_162 = arith.addi %add3A_161, %arg1 : i32
    %lt3A_163 = arith.constant 100 : i32
    %lt3A_164 = arith.cmpi slt, %add3A_162, %lt3A_163 : i32
    %convert_element_type3A_165 = arith.extui %lt3A_164 : i1 to i32
    %cond3A_166 = arith.constant 0 : i32
    %cond3A_167 = arith.cmpi ne, %convert_element_type3A_165, %cond3A_166 : i32
    scf.if %cond3A_167 {
      %scan3A = arith.constant 0 : i32
      %scan3A_301 = arith.constant 0 : i32
      %scan3A_302 = arith.constant 624 : i32
      %scan3A_303 = arith.addi %scan3A_301, %scan3A_302 : i32
      %scan3A_304 = arith.constant 8 : i32
      %scan3A_305 = scf.for %scan3A_331 = %scan3A_301 to %scan3A_303 step %scan3A_304 iter_args(%scan3A_332 = %scan3A) -> (i32)  : i32 {
        %mul3A_333 = arith.constant 16 : i32
        %mul3A_334 = arith.muli %scan3A_331, %mul3A_333 : i32
        %get3A_335 = arith.constant 0 : i32
        %get3A_336 = tpu.memref_slice %arg8[%get3A_335] : memref<12800xf32, #tpu.memory_space<vmem>> -> memref<10000xf32, #tpu.memory_space<vmem>>
        %get3A_337 = arith.index_cast %mul3A_334 : i32 to index
        %get3A_338 = tpu.vector_load %get3A_336[%get3A_337] {strides = array<i32>} : memref<10000xf32, #tpu.memory_space<vmem>>, vector<16xf32>,
        %get3A_339 = vector.shape_cast %get3A_338 : vector<16xf32> to vector<16xf32>
        %ge3A_340 = arith.constant 1.000000e+00 : f32
        %ge3A_341 = vector.broadcast %ge3A_340 : f32 to vector<16xf32>
        %ge3A_342 = arith.cmpf oge, %get3A_339, %ge3A_341 : vector<16xf32>
        %sub3A_343 = arith.constant 1.000000e+00 : f32
        %sub3A_344 = vector.broadcast %sub3A_343 : f32 to vector<16xf32>
        %sub3A_345 = arith.subf %get3A_339, %sub3A_344 : vector<16xf32>
        %exp3A_346 = math.exp %sub3A_345 : vector<16xf32>
        %select_n3A_347 = arith.select %ge3A_342, %get3A_339, %exp3A_346 : vector<16xi1>, vector<16xf32>
        %mul3A_348 = arith.constant 16 : i32
        %mul3A_349 = arith.muli %scan3A_331, %mul3A_348 : i32
        %swap3A_350 = arith.constant 0 : i32
        %swap3A_351 = tpu.memref_slice %arg8[%swap3A_350] : memref<12800xf32, #tpu.memory_space<vmem>> -> memref<10000xf32, #tpu.memory_space<vmem>>
        %swap3A_352 = arith.index_cast %mul3A_349 : i32 to index
        %swap3A_353 = tpu.vector_load %swap3A_351[%swap3A_352] {strides = array<i32>} : memref<10000xf32, #tpu.memory_space<vmem>>, vector<16xf32>,
        %swap3A_354 = vector.shape_cast %swap3A_353 : vector<16xf32> to vector<16xf32>
        %swap3A_355 = vector.shape_cast %select_n3A_347 : vector<16xf32> to vector<16xf32>
        tpu.vector_store %swap3A_351[%swap3A_352], %swap3A_355 {strides = array<i32>} : memref<10000xf32, #tpu.memory_space<vmem>>, vector<16xf32>,
        %scan3A_356 = arith.constant 0 : i32
        %scan3A_357 = arith.constant 1 : i32
        %scan3A_358 = arith.addi %scan3A_331, %scan3A_357 : i32
        %mul3A_359 = arith.constant 16 : i32
        %mul3A_360 = arith.muli %scan3A_358, %mul3A_359 : i32
        %get3A_361 = arith.constant 0 : i32
        %get3A_362 = tpu.memref_slice %arg8[%get3A_361] : memref<12800xf32, #tpu.memory_space<vmem>> -> memref<10000xf32, #tpu.memory_space<vmem>>
        %get3A_363 = arith.index_cast %mul3A_360 : i32 to index
        %get3A_364 = tpu.vector_load %get3A_362[%get3A_363] {strides = array<i32>} : memref<10000xf32, #tpu.memory_space<vmem>>, vector<16xf32>,
        %get3A_365 = vector.shape_cast %get3A_364 : vector<16xf32> to vector<16xf32>
        %ge3A_366 = arith.constant 1.000000e+00 : f32
        %ge3A_367 = vector.broadcast %ge3A_366 : f32 to vector<16xf32>
        %ge3A_368 = arith.cmpf oge, %get3A_365, %ge3A_367 : vector<16xf32>
        %sub3A_369 = arith.constant 1.000000e+00 : f32
        %sub3A_370 = vector.broadcast %sub3A_369 : f32 to vector<16xf32>
        %sub3A_371 = arith.subf %get3A_365, %sub3A_370 : vector<16xf32>
        %exp3A_372 = math.exp %sub3A_371 : vector<16xf32>
        %select_n3A_373 = arith.select %ge3A_368, %get3A_365, %exp3A_372 : vector<16xi1>, vector<16xf32>
        %mul3A_374 = arith.constant 16 : i32
        %mul3A_375 = arith.muli %scan3A_358, %mul3A_374 : i32
        %swap3A_376 = arith.constant 0 : i32
        %swap3A_377 = tpu.memref_slice %arg8[%swap3A_376] : memref<12800xf32, #tpu.memory_space<vmem>> -> memref<10000xf32, #tpu.memory_space<vmem>>
        %swap3A_378 = arith.index_cast %mul3A_375 : i32 to index
        %swap3A_379 = tpu.vector_load %swap3A_377[%swap3A_378] {strides = array<i32>} : memref<10000xf32, #tpu.memory_space<vmem>>, vector<16xf32>,
        %swap3A_380 = vector.shape_cast %swap3A_379 : vector<16xf32> to vector<16xf32>
        %swap3A_381 = vector.shape_cast %select_n3A_373 : vector<16xf32> to vector<16xf32>
        tpu.vector_store %swap3A_377[%swap3A_378], %swap3A_381 {strides = array<i32>} : memref<10000xf32, #tpu.memory_space<vmem>>, vector<16xf32>,
        %scan3A_382 = arith.constant 0 : i32
        %scan3A_383 = arith.constant 2 : i32
        %scan3A_384 = arith.addi %scan3A_331, %scan3A_383 : i32
        %mul3A_385 = arith.constant 16 : i32
        %mul3A_386 = arith.muli %scan3A_384, %mul3A_385 : i32
        %get3A_387 = arith.constant 0 : i32
        %get3A_388 = tpu.memref_slice %arg8[%get3A_387] : memref<12800xf32, #tpu.memory_space<vmem>> -> memref<10000xf32, #tpu.memory_space<vmem>>
        %get3A_389 = arith.index_cast %mul3A_386 : i32 to index
        %get3A_390 = tpu.vector_load %get3A_388[%get3A_389] {strides = array<i32>} : memref<10000xf32, #tpu.memory_space<vmem>>, vector<16xf32>,
        %get3A_391 = vector.shape_cast %get3A_390 : vector<16xf32> to vector<16xf32>
        %ge3A_392 = arith.constant 1.000000e+00 : f32
        %ge3A_393 = vector.broadcast %ge3A_392 : f32 to vector<16xf32>
        %ge3A_394 = arith.cmpf oge, %get3A_391, %ge3A_393 : vector<16xf32>
        %sub3A_395 = arith.constant 1.000000e+00 : f32
        %sub3A_396 = vector.broadcast %sub3A_395 : f32 to vector<16xf32>
        %sub3A_397 = arith.subf %get3A_391, %sub3A_396 : vector<16xf32>
        %exp3A_398 = math.exp %sub3A_397 : vector<16xf32>
        %select_n3A_399 = arith.select %ge3A_394, %get3A_391, %exp3A_398 : vector<16xi1>, vector<16xf32>
        %mul3A_400 = arith.constant 16 : i32
        %mul3A_401 = arith.muli %scan3A_384, %mul3A_400 : i32
        %swap3A_402 = arith.constant 0 : i32
        %swap3A_403 = tpu.memref_slice %arg8[%swap3A_402] : memref<12800xf32, #tpu.memory_space<vmem>> -> memref<10000xf32, #tpu.memory_space<vmem>>
        %swap3A_404 = arith.index_cast %mul3A_401 : i32 to index
        %swap3A_405 = tpu.vector_load %swap3A_403[%swap3A_404] {strides = array<i32>} : memref<10000xf32, #tpu.memory_space<vmem>>, vector<16xf32>,
        %swap3A_406 = vector.shape_cast %swap3A_405 : vector<16xf32> to vector<16xf32>
        %swap3A_407 = vector.shape_cast %select_n3A_399 : vector<16xf32> to vector<16xf32>
        tpu.vector_store %swap3A_403[%swap3A_404], %swap3A_407 {strides = array<i32>} : memref<10000xf32, #tpu.memory_space<vmem>>, vector<16xf32>,
        %scan3A_408 = arith.constant 0 : i32
        %scan3A_409 = arith.constant 3 : i32
        %scan3A_410 = arith.addi %scan3A_331, %scan3A_409 : i32
        %mul3A_411 = arith.constant 16 : i32
        %mul3A_412 = arith.muli %scan3A_410, %mul3A_411 : i32
        %get3A_413 = arith.constant 0 : i32
        %get3A_414 = tpu.memref_slice %arg8[%get3A_413] : memref<12800xf32, #tpu.memory_space<vmem>> -> memref<10000xf32, #tpu.memory_space<vmem>>
        %get3A_415 = arith.index_cast %mul3A_412 : i32 to index
        %get3A_416 = tpu.vector_load %get3A_414[%get3A_415] {strides = array<i32>} : memref<10000xf32, #tpu.memory_space<vmem>>, vector<16xf32>,
        %get3A_417 = vector.shape_cast %get3A_416 : vector<16xf32> to vector<16xf32>
        %ge3A_418 = arith.constant 1.000000e+00 : f32
        %ge3A_419 = vector.broadcast %ge3A_418 : f32 to vector<16xf32>
        %ge3A_420 = arith.cmpf oge, %get3A_417, %ge3A_419 : vector<16xf32>
        %sub3A_421 = arith.constant 1.000000e+00 : f32
        %sub3A_422 = vector.broadcast %sub3A_421 : f32 to vector<16xf32>
        %sub3A_423 = arith.subf %get3A_417, %sub3A_422 : vector<16xf32>
        %exp3A_424 = math.exp %sub3A_423 : vector<16xf32>
        %select_n3A_425 = arith.select %ge3A_420, %get3A_417, %exp3A_424 : vector<16xi1>, vector<16xf32>
        %mul3A_426 = arith.constant 16 : i32
        %mul3A_427 = arith.muli %scan3A_410, %mul3A_426 : i32
        %swap3A_428 = arith.constant 0 : i32
        %swap3A_429 = tpu.memref_slice %arg8[%swap3A_428] : memref<12800xf32, #tpu.memory_space<vmem>> -> memref<10000xf32, #tpu.memory_space<vmem>>
        %swap3A_430 = arith.index_cast %mul3A_427 : i32 to index
        %swap3A_431 = tpu.vector_load %swap3A_429[%swap3A_430] {strides = array<i32>} : memref<10000xf32, #tpu.memory_space<vmem>>, vector<16xf32>,
        %swap3A_432 = vector.shape_cast %swap3A_431 : vector<16xf32> to vector<16xf32>
        %swap3A_433 = vector.shape_cast %select_n3A_425 : vector<16xf32> to vector<16xf32>
        tpu.vector_store %swap3A_429[%swap3A_430], %swap3A_433 {strides = array<i32>} : memref<10000xf32, #tpu.memory_space<vmem>>, vector<16xf32>,
        %scan3A_434 = arith.constant 0 : i32
        %scan3A_435 = arith.constant 4 : i32
        %scan3A_436 = arith.addi %scan3A_331, %scan3A_435 : i32
        %mul3A_437 = arith.constant 16 : i32
        %mul3A_438 = arith.muli %scan3A_436, %mul3A_437 : i32
        %get3A_439 = arith.constant 0 : i32
        %get3A_440 = tpu.memref_slice %arg8[%get3A_439] : memref<12800xf32, #tpu.memory_space<vmem>> -> memref<10000xf32, #tpu.memory_space<vmem>>
        %get3A_441 = arith.index_cast %mul3A_438 : i32 to index
        %get3A_442 = tpu.vector_load %get3A_440[%get3A_441] {strides = array<i32>} : memref<10000xf32, #tpu.memory_space<vmem>>, vector<16xf32>,
        %get3A_443 = vector.shape_cast %get3A_442 : vector<16xf32> to vector<16xf32>
        %ge3A_444 = arith.constant 1.000000e+00 : f32
        %ge3A_445 = vector.broadcast %ge3A_444 : f32 to vector<16xf32>
        %ge3A_446 = arith.cmpf oge, %get3A_443, %ge3A_445 : vector<16xf32>
        %sub3A_447 = arith.constant 1.000000e+00 : f32
        %sub3A_448 = vector.broadcast %sub3A_447 : f32 to vector<16xf32>
        %sub3A_449 = arith.subf %get3A_443, %sub3A_448 : vector<16xf32>
        %exp3A_450 = math.exp %sub3A_449 : vector<16xf32>
        %select_n3A_451 = arith.select %ge3A_446, %get3A_443, %exp3A_450 : vector<16xi1>, vector<16xf32>
        %mul3A_452 = arith.constant 16 : i32
        %mul3A_453 = arith.muli %scan3A_436, %mul3A_452 : i32
        %swap3A_454 = arith.constant 0 : i32
        %swap3A_455 = tpu.memref_slice %arg8[%swap3A_454] : memref<12800xf32, #tpu.memory_space<vmem>> -> memref<10000xf32, #tpu.memory_space<vmem>>
        %swap3A_456 = arith.index_cast %mul3A_453 : i32 to index
        %swap3A_457 = tpu.vector_load %swap3A_455[%swap3A_456] {strides = array<i32>} : memref<10000xf32, #tpu.memory_space<vmem>>, vector<16xf32>,
        %swap3A_458 = vector.shape_cast %swap3A_457 : vector<16xf32> to vector<16xf32>
        %swap3A_459 = vector.shape_cast %select_n3A_451 : vector<16xf32> to vector<16xf32>
        tpu.vector_store %swap3A_455[%swap3A_456], %swap3A_459 {strides = array<i32>} : memref<10000xf32, #tpu.memory_space<vmem>>, vector<16xf32>,
        %scan3A_460 = arith.constant 0 : i32
        %scan3A_461 = arith.constant 5 : i32
        %scan3A_462 = arith.addi %scan3A_331, %scan3A_461 : i32
        %mul3A_463 = arith.constant 16 : i32
        %mul3A_464 = arith.muli %scan3A_462, %mul3A_463 : i32
        %get3A_465 = arith.constant 0 : i32
        %get3A_466 = tpu.memref_slice %arg8[%get3A_465] : memref<12800xf32, #tpu.memory_space<vmem>> -> memref<10000xf32, #tpu.memory_space<vmem>>
        %get3A_467 = arith.index_cast %mul3A_464 : i32 to index
        %get3A_468 = tpu.vector_load %get3A_466[%get3A_467] {strides = array<i32>} : memref<10000xf32, #tpu.memory_space<vmem>>, vector<16xf32>,
        %get3A_469 = vector.shape_cast %get3A_468 : vector<16xf32> to vector<16xf32>
        %ge3A_470 = arith.constant 1.000000e+00 : f32
        %ge3A_471 = vector.broadcast %ge3A_470 : f32 to vector<16xf32>
        %ge3A_472 = arith.cmpf oge, %get3A_469, %ge3A_471 : vector<16xf32>
        %sub3A_473 = arith.constant 1.000000e+00 : f32
        %sub3A_474 = vector.broadcast %sub3A_473 : f32 to vector<16xf32>
        %sub3A_475 = arith.subf %get3A_469, %sub3A_474 : vector<16xf32>
        %exp3A_476 = math.exp %sub3A_475 : vector<16xf32>
        %select_n3A_477 = arith.select %ge3A_472, %get3A_469, %exp3A_476 : vector<16xi1>, vector<16xf32>
        %mul3A_478 = arith.constant 16 : i32
        %mul3A_479 = arith.muli %scan3A_462, %mul3A_478 : i32
        %swap3A_480 = arith.constant 0 : i32
        %swap3A_481 = tpu.memref_slice %arg8[%swap3A_480] : memref<12800xf32, #tpu.memory_space<vmem>> -> memref<10000xf32, #tpu.memory_space<vmem>>
        %swap3A_482 = arith.index_cast %mul3A_479 : i32 to index
        %swap3A_483 = tpu.vector_load %swap3A_481[%swap3A_482] {strides = array<i32>} : memref<10000xf32, #tpu.memory_space<vmem>>, vector<16xf32>,
        %swap3A_484 = vector.shape_cast %swap3A_483 : vector<16xf32> to vector<16xf32>
        %swap3A_485 = vector.shape_cast %select_n3A_477 : vector<16xf32> to vector<16xf32>
        tpu.vector_store %swap3A_481[%swap3A_482], %swap3A_485 {strides = array<i32>} : memref<10000xf32, #tpu.memory_space<vmem>>, vector<16xf32>,
        %scan3A_486 = arith.constant 0 : i32
        %scan3A_487 = arith.constant 6 : i32
        %scan3A_488 = arith.addi %scan3A_331, %scan3A_487 : i32
        %mul3A_489 = arith.constant 16 : i32
        %mul3A_490 = arith.muli %scan3A_488, %mul3A_489 : i32
        %get3A_491 = arith.constant 0 : i32
        %get3A_492 = tpu.memref_slice %arg8[%get3A_491] : memref<12800xf32, #tpu.memory_space<vmem>> -> memref<10000xf32, #tpu.memory_space<vmem>>
        %get3A_493 = arith.index_cast %mul3A_490 : i32 to index
        %get3A_494 = tpu.vector_load %get3A_492[%get3A_493] {strides = array<i32>} : memref<10000xf32, #tpu.memory_space<vmem>>, vector<16xf32>,
        %get3A_495 = vector.shape_cast %get3A_494 : vector<16xf32> to vector<16xf32>
        %ge3A_496 = arith.constant 1.000000e+00 : f32
        %ge3A_497 = vector.broadcast %ge3A_496 : f32 to vector<16xf32>
        %ge3A_498 = arith.cmpf oge, %get3A_495, %ge3A_497 : vector<16xf32>
        %sub3A_499 = arith.constant 1.000000e+00 : f32
        %sub3A_500 = vector.broadcast %sub3A_499 : f32 to vector<16xf32>
        %sub3A_501 = arith.subf %get3A_495, %sub3A_500 : vector<16xf32>
        %exp3A_502 = math.exp %sub3A_501 : vector<16xf32>
        %select_n3A_503 = arith.select %ge3A_498, %get3A_495, %exp3A_502 : vector<16xi1>, vector<16xf32>
        %mul3A_504 = arith.constant 16 : i32
        %mul3A_505 = arith.muli %scan3A_488, %mul3A_504 : i32
        %swap3A_506 = arith.constant 0 : i32
        %swap3A_507 = tpu.memref_slice %arg8[%swap3A_506] : memref<12800xf32, #tpu.memory_space<vmem>> -> memref<10000xf32, #tpu.memory_space<vmem>>
        %swap3A_508 = arith.index_cast %mul3A_505 : i32 to index
        %swap3A_509 = tpu.vector_load %swap3A_507[%swap3A_508] {strides = array<i32>} : memref<10000xf32, #tpu.memory_space<vmem>>, vector<16xf32>,
        %swap3A_510 = vector.shape_cast %swap3A_509 : vector<16xf32> to vector<16xf32>
        %swap3A_511 = vector.shape_cast %select_n3A_503 : vector<16xf32> to vector<16xf32>
        tpu.vector_store %swap3A_507[%swap3A_508], %swap3A_511 {strides = array<i32>} : memref<10000xf32, #tpu.memory_space<vmem>>, vector<16xf32>,
        %scan3A_512 = arith.constant 0 : i32
        %scan3A_513 = arith.constant 7 : i32
        %scan3A_514 = arith.addi %scan3A_331, %scan3A_513 : i32
        %mul3A_515 = arith.constant 16 : i32
        %mul3A_516 = arith.muli %scan3A_514, %mul3A_515 : i32
        %get3A_517 = arith.constant 0 : i32
        %get3A_518 = tpu.memref_slice %arg8[%get3A_517] : memref<12800xf32, #tpu.memory_space<vmem>> -> memref<10000xf32, #tpu.memory_space<vmem>>
        %get3A_519 = arith.index_cast %mul3A_516 : i32 to index
        %get3A_520 = tpu.vector_load %get3A_518[%get3A_519] {strides = array<i32>} : memref<10000xf32, #tpu.memory_space<vmem>>, vector<16xf32>,
        %get3A_521 = vector.shape_cast %get3A_520 : vector<16xf32> to vector<16xf32>
        %ge3A_522 = arith.constant 1.000000e+00 : f32
        %ge3A_523 = vector.broadcast %ge3A_522 : f32 to vector<16xf32>
        %ge3A_524 = arith.cmpf oge, %get3A_521, %ge3A_523 : vector<16xf32>
        %sub3A_525 = arith.constant 1.000000e+00 : f32
        %sub3A_526 = vector.broadcast %sub3A_525 : f32 to vector<16xf32>
        %sub3A_527 = arith.subf %get3A_521, %sub3A_526 : vector<16xf32>
        %exp3A_528 = math.exp %sub3A_527 : vector<16xf32>
        %select_n3A_529 = arith.select %ge3A_524, %get3A_521, %exp3A_528 : vector<16xi1>, vector<16xf32>
        %mul3A_530 = arith.constant 16 : i32
        %mul3A_531 = arith.muli %scan3A_514, %mul3A_530 : i32
        %swap3A_532 = arith.constant 0 : i32
        %swap3A_533 = tpu.memref_slice %arg8[%swap3A_532] : memref<12800xf32, #tpu.memory_space<vmem>> -> memref<10000xf32, #tpu.memory_space<vmem>>
        %swap3A_534 = arith.index_cast %mul3A_531 : i32 to index
        %swap3A_535 = tpu.vector_load %swap3A_533[%swap3A_534] {strides = array<i32>} : memref<10000xf32, #tpu.memory_space<vmem>>, vector<16xf32>,
        %swap3A_536 = vector.shape_cast %swap3A_535 : vector<16xf32> to vector<16xf32>
        %swap3A_537 = vector.shape_cast %select_n3A_529 : vector<16xf32> to vector<16xf32>
        tpu.vector_store %swap3A_533[%swap3A_534], %swap3A_537 {strides = array<i32>} : memref<10000xf32, #tpu.memory_space<vmem>>, vector<16xf32>,
        %scan3A_538 = arith.constant 0 : i32
        scf.yield %scan3A_538 : i32
      }
      %scan3A_306 = arith.constant 624 : i32
      %scan3A_307 = arith.addi %scan3A_301, %scan3A_306 : i32
      %mul3A_308 = arith.constant 16 : i32
      %mul3A_309 = arith.muli %scan3A_307, %mul3A_308 : i32
      %get3A = arith.constant 0 : i32
      %get3A_310 = tpu.memref_slice %arg8[%get3A] : memref<12800xf32, #tpu.memory_space<vmem>> -> memref<10000xf32, #tpu.memory_space<vmem>>
      %get3A_311 = arith.index_cast %mul3A_309 : i32 to index
      %get3A_312 = tpu.vector_load %get3A_310[%get3A_311] {strides = array<i32>} : memref<10000xf32, #tpu.memory_space<vmem>>, vector<16xf32>,
      %get3A_313 = vector.shape_cast %get3A_312 : vector<16xf32> to vector<16xf32>
      %ge3A = arith.constant 1.000000e+00 : f32
      %ge3A_314 = vector.broadcast %ge3A : f32 to vector<16xf32>
      %ge3A_315 = arith.cmpf oge, %get3A_313, %ge3A_314 : vector<16xf32>
      %sub3A = arith.constant 1.000000e+00 : f32
      %sub3A_316 = vector.broadcast %sub3A : f32 to vector<16xf32>
      %sub3A_317 = arith.subf %get3A_313, %sub3A_316 : vector<16xf32>
      %exp3A = math.exp %sub3A_317 : vector<16xf32>
      %select_n3A = arith.select %ge3A_315, %get3A_313, %exp3A : vector<16xi1>, vector<16xf32>
      %mul3A_318 = arith.constant 16 : i32
      %mul3A_319 = arith.muli %scan3A_307, %mul3A_318 : i32
      %swap3A = arith.constant 0 : i32
      %swap3A_320 = tpu.memref_slice %arg8[%swap3A] : memref<12800xf32, #tpu.memory_space<vmem>> -> memref<10000xf32, #tpu.memory_space<vmem>>
      %swap3A_321 = arith.index_cast %mul3A_319 : i32 to index
      %swap3A_322 = tpu.vector_load %swap3A_320[%swap3A_321] {strides = array<i32>} : memref<10000xf32, #tpu.memory_space<vmem>>, vector<16xf32>,
      %swap3A_323 = vector.shape_cast %swap3A_322 : vector<16xf32> to vector<16xf32>
      %swap3A_324 = vector.shape_cast %select_n3A : vector<16xf32> to vector<16xf32>
      tpu.vector_store %swap3A_320[%swap3A_321], %swap3A_324 {strides = array<i32>} : memref<10000xf32, #tpu.memory_space<vmem>>, vector<16xf32>,
      %scan3A_325 = arith.constant 0 : i32
      %scan3A_326 = arith.constant 625 : i32
      %add3A_327 = arith.constant 80 : i32
      %add3A_328 = arith.addi %add3A_327, %arg1 : i32
      %mul3A_329 = arith.constant 10000 : i32
      %mul3A_330 = arith.muli %add3A_328, %mul3A_329 : i32
      "tpu.region"() ({
        %run_scoped3A = tpu.sem_alloc : memref<!tpu.dma_semaphore, #tpu.memory_space<semaphore_mem>>
        %dma_start3A_331 = arith.constant 0 : i32
        %dma_start3A_332 = tpu.memref_slice %arg8[%dma_start3A_331] : memref<12800xf32, #tpu.memory_space<vmem>> -> memref<10000xf32, #tpu.memory_space<vmem>>
        %dma_start3A_333 = tpu.memref_slice %arg9[%mul3A_330] : memref<1000000xf32, #tpu.memory_space<vmem_shared>> -> memref<10000xf32, #tpu.memory_space<vmem_shared>>
        %dma_start3A_334 = tpu.memref_slice %arg9[%mul3A_330] : memref<1000000xf32, #tpu.memory_space<vmem_shared>> -> memref<10000xf32, #tpu.memory_space<vmem_shared>>
        %dma_start3A_335 = arith.constant 0 : i32
        %dma_start3A_336 = tpu.memref_slice %arg8[%dma_start3A_335] : memref<12800xf32, #tpu.memory_space<vmem>> -> memref<10000xf32, #tpu.memory_space<vmem>>
        tpu.enqueue_dma source(%dma_start3A_336 : memref<10000xf32, #tpu.memory_space<vmem>>) target(%dma_start3A_334 : memref<10000xf32, #tpu.memory_space<vmem_shared>>) target_semaphore(%run_scoped3A : memref<!tpu.dma_semaphore, #tpu.memory_space<semaphore_mem>>)
        %dma_wait3A_337 = arith.constant 0 : i32
        %dma_wait3A_338 = tpu.memref_slice %arg8[%dma_wait3A_337] : memref<12800xf32, #tpu.memory_space<vmem>> -> memref<10000xf32, #tpu.memory_space<vmem>>
        %dma_wait3A_339 = tpu.memref_slice %arg9[%mul3A_330] : memref<1000000xf32, #tpu.memory_space<vmem_shared>> -> memref<10000xf32, #tpu.memory_space<vmem_shared>>
        %dma_wait3A_340 = tpu.memref_slice %arg9[%mul3A_330] : memref<1000000xf32, #tpu.memory_space<vmem_shared>> -> memref<10000xf32, #tpu.memory_space<vmem_shared>>
        %dma_wait3A_341 = arith.constant 0 : i32
        %dma_wait3A_342 = tpu.memref_slice %arg8[%dma_wait3A_341] : memref<12800xf32, #tpu.memory_space<vmem>> -> memref<10000xf32, #tpu.memory_space<vmem>>
        tpu.wait_dma2 semaphore(%run_scoped3A : memref<!tpu.dma_semaphore, #tpu.memory_space<semaphore_mem>>) src(%dma_wait3A_342 : memref<10000xf32, #tpu.memory_space<vmem>>) dst(%dma_wait3A_340 : memref<10000xf32, #tpu.memory_space<vmem_shared>>)
        tpu.yield
      }) : () -> ()
    } else {
    }
    %add3A_168 = arith.constant 96 : i32
    %add3A_169 = arith.addi %add3A_168, %arg1 : i32
    %lt3A_170 = arith.constant 100 : i32
    %lt3A_171 = arith.cmpi slt, %add3A_169, %lt3A_170 : i32
    %convert_element_type3A_172 = arith.extui %lt3A_171 : i1 to i32
    %cond3A_173 = arith.constant 0 : i32
    %cond3A_174 = arith.cmpi ne, %convert_element_type3A_172, %cond3A_173 : i32
    scf.if %cond3A_174 {
      %dma_wait3A_301 = arith.constant 0 : i32
      %dma_wait3A_302 = tpu.memref_slice %arg7[%dma_wait3A_301] : memref<12800xf32, #tpu.memory_space<vmem>> -> memref<10000xf32, #tpu.memory_space<vmem>>
      %dma_wait3A_303 = arith.constant 0 : i32
      %dma_wait3A_304 = tpu.memref_slice %arg3[%dma_wait3A_303] : memref<1000000xf32, #tpu.memory_space<hbm>> -> memref<10000xf32, #tpu.memory_space<hbm>>
      %dma_wait3A_305 = arith.constant 0 : i32
      %dma_wait3A_306 = tpu.memref_slice %arg7[%dma_wait3A_305] : memref<12800xf32, #tpu.memory_space<vmem>> -> memref<10000xf32, #tpu.memory_space<vmem>>
      %dma_wait3A_307 = arith.constant 0 : i32
      %dma_wait3A_308 = tpu.memref_slice %arg3[%dma_wait3A_307] : memref<1000000xf32, #tpu.memory_space<hbm>> -> memref<10000xf32, #tpu.memory_space<hbm>>
      tpu.wait_dma2 semaphore(%arg12 : memref<!tpu.dma_semaphore, #tpu.memory_space<semaphore_mem>>) src(%dma_wait3A_308 : memref<10000xf32, #tpu.memory_space<hbm>>) dst(%dma_wait3A_306 : memref<10000xf32, #tpu.memory_space<vmem>>)
    } else {
    }
    %add3A_175 = arith.constant 96 : i32
    %add3A_176 = arith.addi %add3A_175, %arg1 : i32
    %lt3A_177 = arith.constant 100 : i32
    %lt3A_178 = arith.cmpi slt, %add3A_176, %lt3A_177 : i32
    %convert_element_type3A_179 = arith.extui %lt3A_178 : i1 to i32
    %cond3A_180 = arith.constant 0 : i32
    %cond3A_181 = arith.cmpi ne, %convert_element_type3A_179, %cond3A_180 : i32
    scf.if %cond3A_181 {
      %scan3A = arith.constant 0 : i32
      %scan3A_301 = arith.constant 0 : i32
      %scan3A_302 = arith.constant 624 : i32
      %scan3A_303 = arith.addi %scan3A_301, %scan3A_302 : i32
      %scan3A_304 = arith.constant 8 : i32
      %scan3A_305 = scf.for %scan3A_331 = %scan3A_301 to %scan3A_303 step %scan3A_304 iter_args(%scan3A_332 = %scan3A) -> (i32)  : i32 {
        %mul3A_333 = arith.constant 16 : i32
        %mul3A_334 = arith.muli %scan3A_331, %mul3A_333 : i32
        %get3A_335 = arith.constant 0 : i32
        %get3A_336 = tpu.memref_slice %arg7[%get3A_335] : memref<12800xf32, #tpu.memory_space<vmem>> -> memref<10000xf32, #tpu.memory_space<vmem>>
        %get3A_337 = arith.index_cast %mul3A_334 : i32 to index
        %get3A_338 = tpu.vector_load %get3A_336[%get3A_337] {strides = array<i32>} : memref<10000xf32, #tpu.memory_space<vmem>>, vector<16xf32>,
        %get3A_339 = vector.shape_cast %get3A_338 : vector<16xf32> to vector<16xf32>
        %ge3A_340 = arith.constant 1.000000e+00 : f32
        %ge3A_341 = vector.broadcast %ge3A_340 : f32 to vector<16xf32>
        %ge3A_342 = arith.cmpf oge, %get3A_339, %ge3A_341 : vector<16xf32>
        %sub3A_343 = arith.constant 1.000000e+00 : f32
        %sub3A_344 = vector.broadcast %sub3A_343 : f32 to vector<16xf32>
        %sub3A_345 = arith.subf %get3A_339, %sub3A_344 : vector<16xf32>
        %exp3A_346 = math.exp %sub3A_345 : vector<16xf32>
        %select_n3A_347 = arith.select %ge3A_342, %get3A_339, %exp3A_346 : vector<16xi1>, vector<16xf32>
        %mul3A_348 = arith.constant 16 : i32
        %mul3A_349 = arith.muli %scan3A_331, %mul3A_348 : i32
        %swap3A_350 = arith.constant 0 : i32
        %swap3A_351 = tpu.memref_slice %arg7[%swap3A_350] : memref<12800xf32, #tpu.memory_space<vmem>> -> memref<10000xf32, #tpu.memory_space<vmem>>
        %swap3A_352 = arith.index_cast %mul3A_349 : i32 to index
        %swap3A_353 = tpu.vector_load %swap3A_351[%swap3A_352] {strides = array<i32>} : memref<10000xf32, #tpu.memory_space<vmem>>, vector<16xf32>,
        %swap3A_354 = vector.shape_cast %swap3A_353 : vector<16xf32> to vector<16xf32>
        %swap3A_355 = vector.shape_cast %select_n3A_347 : vector<16xf32> to vector<16xf32>
        tpu.vector_store %swap3A_351[%swap3A_352], %swap3A_355 {strides = array<i32>} : memref<10000xf32, #tpu.memory_space<vmem>>, vector<16xf32>,
        %scan3A_356 = arith.constant 0 : i32
        %scan3A_357 = arith.constant 1 : i32
        %scan3A_358 = arith.addi %scan3A_331, %scan3A_357 : i32
        %mul3A_359 = arith.constant 16 : i32
        %mul3A_360 = arith.muli %scan3A_358, %mul3A_359 : i32
        %get3A_361 = arith.constant 0 : i32
        %get3A_362 = tpu.memref_slice %arg7[%get3A_361] : memref<12800xf32, #tpu.memory_space<vmem>> -> memref<10000xf32, #tpu.memory_space<vmem>>
        %get3A_363 = arith.index_cast %mul3A_360 : i32 to index
        %get3A_364 = tpu.vector_load %get3A_362[%get3A_363] {strides = array<i32>} : memref<10000xf32, #tpu.memory_space<vmem>>, vector<16xf32>,
        %get3A_365 = vector.shape_cast %get3A_364 : vector<16xf32> to vector<16xf32>
        %ge3A_366 = arith.constant 1.000000e+00 : f32
        %ge3A_367 = vector.broadcast %ge3A_366 : f32 to vector<16xf32>
        %ge3A_368 = arith.cmpf oge, %get3A_365, %ge3A_367 : vector<16xf32>
        %sub3A_369 = arith.constant 1.000000e+00 : f32
        %sub3A_370 = vector.broadcast %sub3A_369 : f32 to vector<16xf32>
        %sub3A_371 = arith.subf %get3A_365, %sub3A_370 : vector<16xf32>
        %exp3A_372 = math.exp %sub3A_371 : vector<16xf32>
        %select_n3A_373 = arith.select %ge3A_368, %get3A_365, %exp3A_372 : vector<16xi1>, vector<16xf32>
        %mul3A_374 = arith.constant 16 : i32
        %mul3A_375 = arith.muli %scan3A_358, %mul3A_374 : i32
        %swap3A_376 = arith.constant 0 : i32
        %swap3A_377 = tpu.memref_slice %arg7[%swap3A_376] : memref<12800xf32, #tpu.memory_space<vmem>> -> memref<10000xf32, #tpu.memory_space<vmem>>
        %swap3A_378 = arith.index_cast %mul3A_375 : i32 to index
        %swap3A_379 = tpu.vector_load %swap3A_377[%swap3A_378] {strides = array<i32>} : memref<10000xf32, #tpu.memory_space<vmem>>, vector<16xf32>,
        %swap3A_380 = vector.shape_cast %swap3A_379 : vector<16xf32> to vector<16xf32>
        %swap3A_381 = vector.shape_cast %select_n3A_373 : vector<16xf32> to vector<16xf32>
        tpu.vector_store %swap3A_377[%swap3A_378], %swap3A_381 {strides = array<i32>} : memref<10000xf32, #tpu.memory_space<vmem>>, vector<16xf32>,
        %scan3A_382 = arith.constant 0 : i32
        %scan3A_383 = arith.constant 2 : i32
        %scan3A_384 = arith.addi %scan3A_331, %scan3A_383 : i32
        %mul3A_385 = arith.constant 16 : i32
        %mul3A_386 = arith.muli %scan3A_384, %mul3A_385 : i32
        %get3A_387 = arith.constant 0 : i32
        %get3A_388 = tpu.memref_slice %arg7[%get3A_387] : memref<12800xf32, #tpu.memory_space<vmem>> -> memref<10000xf32, #tpu.memory_space<vmem>>
        %get3A_389 = arith.index_cast %mul3A_386 : i32 to index
        %get3A_390 = tpu.vector_load %get3A_388[%get3A_389] {strides = array<i32>} : memref<10000xf32, #tpu.memory_space<vmem>>, vector<16xf32>,
        %get3A_391 = vector.shape_cast %get3A_390 : vector<16xf32> to vector<16xf32>
        %ge3A_392 = arith.constant 1.000000e+00 : f32
        %ge3A_393 = vector.broadcast %ge3A_392 : f32 to vector<16xf32>
        %ge3A_394 = arith.cmpf oge, %get3A_391, %ge3A_393 : vector<16xf32>
        %sub3A_395 = arith.constant 1.000000e+00 : f32
        %sub3A_396 = vector.broadcast %sub3A_395 : f32 to vector<16xf32>
        %sub3A_397 = arith.subf %get3A_391, %sub3A_396 : vector<16xf32>
        %exp3A_398 = math.exp %sub3A_397 : vector<16xf32>
        %select_n3A_399 = arith.select %ge3A_394, %get3A_391, %exp3A_398 : vector<16xi1>, vector<16xf32>
        %mul3A_400 = arith.constant 16 : i32
        %mul3A_401 = arith.muli %scan3A_384, %mul3A_400 : i32
        %swap3A_402 = arith.constant 0 : i32
        %swap3A_403 = tpu.memref_slice %arg7[%swap3A_402] : memref<12800xf32, #tpu.memory_space<vmem>> -> memref<10000xf32, #tpu.memory_space<vmem>>
        %swap3A_404 = arith.index_cast %mul3A_401 : i32 to index
        %swap3A_405 = tpu.vector_load %swap3A_403[%swap3A_404] {strides = array<i32>} : memref<10000xf32, #tpu.memory_space<vmem>>, vector<16xf32>,
        %swap3A_406 = vector.shape_cast %swap3A_405 : vector<16xf32> to vector<16xf32>
        %swap3A_407 = vector.shape_cast %select_n3A_399 : vector<16xf32> to vector<16xf32>
        tpu.vector_store %swap3A_403[%swap3A_404], %swap3A_407 {strides = array<i32>} : memref<10000xf32, #tpu.memory_space<vmem>>, vector<16xf32>,
        %scan3A_408 = arith.constant 0 : i32
        %scan3A_409 = arith.constant 3 : i32
        %scan3A_410 = arith.addi %scan3A_331, %scan3A_409 : i32
        %mul3A_411 = arith.constant 16 : i32
        %mul3A_412 = arith.muli %scan3A_410, %mul3A_411 : i32
        %get3A_413 = arith.constant 0 : i32
        %get3A_414 = tpu.memref_slice %arg7[%get3A_413] : memref<12800xf32, #tpu.memory_space<vmem>> -> memref<10000xf32, #tpu.memory_space<vmem>>
        %get3A_415 = arith.index_cast %mul3A_412 : i32 to index
        %get3A_416 = tpu.vector_load %get3A_414[%get3A_415] {strides = array<i32>} : memref<10000xf32, #tpu.memory_space<vmem>>, vector<16xf32>,
        %get3A_417 = vector.shape_cast %get3A_416 : vector<16xf32> to vector<16xf32>
        %ge3A_418 = arith.constant 1.000000e+00 : f32
        %ge3A_419 = vector.broadcast %ge3A_418 : f32 to vector<16xf32>
        %ge3A_420 = arith.cmpf oge, %get3A_417, %ge3A_419 : vector<16xf32>
        %sub3A_421 = arith.constant 1.000000e+00 : f32
        %sub3A_422 = vector.broadcast %sub3A_421 : f32 to vector<16xf32>
        %sub3A_423 = arith.subf %get3A_417, %sub3A_422 : vector<16xf32>
        %exp3A_424 = math.exp %sub3A_423 : vector<16xf32>
        %select_n3A_425 = arith.select %ge3A_420, %get3A_417, %exp3A_424 : vector<16xi1>, vector<16xf32>
        %mul3A_426 = arith.constant 16 : i32
        %mul3A_427 = arith.muli %scan3A_410, %mul3A_426 : i32
        %swap3A_428 = arith.constant 0 : i32
        %swap3A_429 = tpu.memref_slice %arg7[%swap3A_428] : memref<12800xf32, #tpu.memory_space<vmem>> -> memref<10000xf32, #tpu.memory_space<vmem>>
        %swap3A_430 = arith.index_cast %mul3A_427 : i32 to index
        %swap3A_431 = tpu.vector_load %swap3A_429[%swap3A_430] {strides = array<i32>} : memref<10000xf32, #tpu.memory_space<vmem>>, vector<16xf32>,
        %swap3A_432 = vector.shape_cast %swap3A_431 : vector<16xf32> to vector<16xf32>
        %swap3A_433 = vector.shape_cast %select_n3A_425 : vector<16xf32> to vector<16xf32>
        tpu.vector_store %swap3A_429[%swap3A_430], %swap3A_433 {strides = array<i32>} : memref<10000xf32, #tpu.memory_space<vmem>>, vector<16xf32>,
        %scan3A_434 = arith.constant 0 : i32
        %scan3A_435 = arith.constant 4 : i32
        %scan3A_436 = arith.addi %scan3A_331, %scan3A_435 : i32
        %mul3A_437 = arith.constant 16 : i32
        %mul3A_438 = arith.muli %scan3A_436, %mul3A_437 : i32
        %get3A_439 = arith.constant 0 : i32
        %get3A_440 = tpu.memref_slice %arg7[%get3A_439] : memref<12800xf32, #tpu.memory_space<vmem>> -> memref<10000xf32, #tpu.memory_space<vmem>>
        %get3A_441 = arith.index_cast %mul3A_438 : i32 to index
        %get3A_442 = tpu.vector_load %get3A_440[%get3A_441] {strides = array<i32>} : memref<10000xf32, #tpu.memory_space<vmem>>, vector<16xf32>,
        %get3A_443 = vector.shape_cast %get3A_442 : vector<16xf32> to vector<16xf32>
        %ge3A_444 = arith.constant 1.000000e+00 : f32
        %ge3A_445 = vector.broadcast %ge3A_444 : f32 to vector<16xf32>
        %ge3A_446 = arith.cmpf oge, %get3A_443, %ge3A_445 : vector<16xf32>
        %sub3A_447 = arith.constant 1.000000e+00 : f32
        %sub3A_448 = vector.broadcast %sub3A_447 : f32 to vector<16xf32>
        %sub3A_449 = arith.subf %get3A_443, %sub3A_448 : vector<16xf32>
        %exp3A_450 = math.exp %sub3A_449 : vector<16xf32>
        %select_n3A_451 = arith.select %ge3A_446, %get3A_443, %exp3A_450 : vector<16xi1>, vector<16xf32>
        %mul3A_452 = arith.constant 16 : i32
        %mul3A_453 = arith.muli %scan3A_436, %mul3A_452 : i32
        %swap3A_454 = arith.constant 0 : i32
        %swap3A_455 = tpu.memref_slice %arg7[%swap3A_454] : memref<12800xf32, #tpu.memory_space<vmem>> -> memref<10000xf32, #tpu.memory_space<vmem>>
        %swap3A_456 = arith.index_cast %mul3A_453 : i32 to index
        %swap3A_457 = tpu.vector_load %swap3A_455[%swap3A_456] {strides = array<i32>} : memref<10000xf32, #tpu.memory_space<vmem>>, vector<16xf32>,
        %swap3A_458 = vector.shape_cast %swap3A_457 : vector<16xf32> to vector<16xf32>
        %swap3A_459 = vector.shape_cast %select_n3A_451 : vector<16xf32> to vector<16xf32>
        tpu.vector_store %swap3A_455[%swap3A_456], %swap3A_459 {strides = array<i32>} : memref<10000xf32, #tpu.memory_space<vmem>>, vector<16xf32>,
        %scan3A_460 = arith.constant 0 : i32
        %scan3A_461 = arith.constant 5 : i32
        %scan3A_462 = arith.addi %scan3A_331, %scan3A_461 : i32
        %mul3A_463 = arith.constant 16 : i32
        %mul3A_464 = arith.muli %scan3A_462, %mul3A_463 : i32
        %get3A_465 = arith.constant 0 : i32
        %get3A_466 = tpu.memref_slice %arg7[%get3A_465] : memref<12800xf32, #tpu.memory_space<vmem>> -> memref<10000xf32, #tpu.memory_space<vmem>>
        %get3A_467 = arith.index_cast %mul3A_464 : i32 to index
        %get3A_468 = tpu.vector_load %get3A_466[%get3A_467] {strides = array<i32>} : memref<10000xf32, #tpu.memory_space<vmem>>, vector<16xf32>,
        %get3A_469 = vector.shape_cast %get3A_468 : vector<16xf32> to vector<16xf32>
        %ge3A_470 = arith.constant 1.000000e+00 : f32
        %ge3A_471 = vector.broadcast %ge3A_470 : f32 to vector<16xf32>
        %ge3A_472 = arith.cmpf oge, %get3A_469, %ge3A_471 : vector<16xf32>
        %sub3A_473 = arith.constant 1.000000e+00 : f32
        %sub3A_474 = vector.broadcast %sub3A_473 : f32 to vector<16xf32>
        %sub3A_475 = arith.subf %get3A_469, %sub3A_474 : vector<16xf32>
        %exp3A_476 = math.exp %sub3A_475 : vector<16xf32>
        %select_n3A_477 = arith.select %ge3A_472, %get3A_469, %exp3A_476 : vector<16xi1>, vector<16xf32>
        %mul3A_478 = arith.constant 16 : i32
        %mul3A_479 = arith.muli %scan3A_462, %mul3A_478 : i32
        %swap3A_480 = arith.constant 0 : i32
        %swap3A_481 = tpu.memref_slice %arg7[%swap3A_480] : memref<12800xf32, #tpu.memory_space<vmem>> -> memref<10000xf32, #tpu.memory_space<vmem>>
        %swap3A_482 = arith.index_cast %mul3A_479 : i32 to index
        %swap3A_483 = tpu.vector_load %swap3A_481[%swap3A_482] {strides = array<i32>} : memref<10000xf32, #tpu.memory_space<vmem>>, vector<16xf32>,
        %swap3A_484 = vector.shape_cast %swap3A_483 : vector<16xf32> to vector<16xf32>
        %swap3A_485 = vector.shape_cast %select_n3A_477 : vector<16xf32> to vector<16xf32>
        tpu.vector_store %swap3A_481[%swap3A_482], %swap3A_485 {strides = array<i32>} : memref<10000xf32, #tpu.memory_space<vmem>>, vector<16xf32>,
        %scan3A_486 = arith.constant 0 : i32
        %scan3A_487 = arith.constant 6 : i32
        %scan3A_488 = arith.addi %scan3A_331, %scan3A_487 : i32
        %mul3A_489 = arith.constant 16 : i32
        %mul3A_490 = arith.muli %scan3A_488, %mul3A_489 : i32
        %get3A_491 = arith.constant 0 : i32
        %get3A_492 = tpu.memref_slice %arg7[%get3A_491] : memref<12800xf32, #tpu.memory_space<vmem>> -> memref<10000xf32, #tpu.memory_space<vmem>>
        %get3A_493 = arith.index_cast %mul3A_490 : i32 to index
        %get3A_494 = tpu.vector_load %get3A_492[%get3A_493] {strides = array<i32>} : memref<10000xf32, #tpu.memory_space<vmem>>, vector<16xf32>,
        %get3A_495 = vector.shape_cast %get3A_494 : vector<16xf32> to vector<16xf32>
        %ge3A_496 = arith.constant 1.000000e+00 : f32
        %ge3A_497 = vector.broadcast %ge3A_496 : f32 to vector<16xf32>
        %ge3A_498 = arith.cmpf oge, %get3A_495, %ge3A_497 : vector<16xf32>
        %sub3A_499 = arith.constant 1.000000e+00 : f32
        %sub3A_500 = vector.broadcast %sub3A_499 : f32 to vector<16xf32>
        %sub3A_501 = arith.subf %get3A_495, %sub3A_500 : vector<16xf32>
        %exp3A_502 = math.exp %sub3A_501 : vector<16xf32>
        %select_n3A_503 = arith.select %ge3A_498, %get3A_495, %exp3A_502 : vector<16xi1>, vector<16xf32>
        %mul3A_504 = arith.constant 16 : i32
        %mul3A_505 = arith.muli %scan3A_488, %mul3A_504 : i32
        %swap3A_506 = arith.constant 0 : i32
        %swap3A_507 = tpu.memref_slice %arg7[%swap3A_506] : memref<12800xf32, #tpu.memory_space<vmem>> -> memref<10000xf32, #tpu.memory_space<vmem>>
        %swap3A_508 = arith.index_cast %mul3A_505 : i32 to index
        %swap3A_509 = tpu.vector_load %swap3A_507[%swap3A_508] {strides = array<i32>} : memref<10000xf32, #tpu.memory_space<vmem>>, vector<16xf32>,
        %swap3A_510 = vector.shape_cast %swap3A_509 : vector<16xf32> to vector<16xf32>
        %swap3A_511 = vector.shape_cast %select_n3A_503 : vector<16xf32> to vector<16xf32>
        tpu.vector_store %swap3A_507[%swap3A_508], %swap3A_511 {strides = array<i32>} : memref<10000xf32, #tpu.memory_space<vmem>>, vector<16xf32>,
        %scan3A_512 = arith.constant 0 : i32
        %scan3A_513 = arith.constant 7 : i32
        %scan3A_514 = arith.addi %scan3A_331, %scan3A_513 : i32
        %mul3A_515 = arith.constant 16 : i32
        %mul3A_516 = arith.muli %scan3A_514, %mul3A_515 : i32
        %get3A_517 = arith.constant 0 : i32
        %get3A_518 = tpu.memref_slice %arg7[%get3A_517] : memref<12800xf32, #tpu.memory_space<vmem>> -> memref<10000xf32, #tpu.memory_space<vmem>>
        %get3A_519 = arith.index_cast %mul3A_516 : i32 to index
        %get3A_520 = tpu.vector_load %get3A_518[%get3A_519] {strides = array<i32>} : memref<10000xf32, #tpu.memory_space<vmem>>, vector<16xf32>,
        %get3A_521 = vector.shape_cast %get3A_520 : vector<16xf32> to vector<16xf32>
        %ge3A_522 = arith.constant 1.000000e+00 : f32
        %ge3A_523 = vector.broadcast %ge3A_522 : f32 to vector<16xf32>
        %ge3A_524 = arith.cmpf oge, %get3A_521, %ge3A_523 : vector<16xf32>
        %sub3A_525 = arith.constant 1.000000e+00 : f32
        %sub3A_526 = vector.broadcast %sub3A_525 : f32 to vector<16xf32>
        %sub3A_527 = arith.subf %get3A_521, %sub3A_526 : vector<16xf32>
        %exp3A_528 = math.exp %sub3A_527 : vector<16xf32>
        %select_n3A_529 = arith.select %ge3A_524, %get3A_521, %exp3A_528 : vector<16xi1>, vector<16xf32>
        %mul3A_530 = arith.constant 16 : i32
        %mul3A_531 = arith.muli %scan3A_514, %mul3A_530 : i32
        %swap3A_532 = arith.constant 0 : i32
        %swap3A_533 = tpu.memref_slice %arg7[%swap3A_532] : memref<12800xf32, #tpu.memory_space<vmem>> -> memref<10000xf32, #tpu.memory_space<vmem>>
        %swap3A_534 = arith.index_cast %mul3A_531 : i32 to index
        %swap3A_535 = tpu.vector_load %swap3A_533[%swap3A_534] {strides = array<i32>} : memref<10000xf32, #tpu.memory_space<vmem>>, vector<16xf32>,
        %swap3A_536 = vector.shape_cast %swap3A_535 : vector<16xf32> to vector<16xf32>
        %swap3A_537 = vector.shape_cast %select_n3A_529 : vector<16xf32> to vector<16xf32>
        tpu.vector_store %swap3A_533[%swap3A_534], %swap3A_537 {strides = array<i32>} : memref<10000xf32, #tpu.memory_space<vmem>>, vector<16xf32>,
        %scan3A_538 = arith.constant 0 : i32
        scf.yield %scan3A_538 : i32
      }
      %scan3A_306 = arith.constant 624 : i32
      %scan3A_307 = arith.addi %scan3A_301, %scan3A_306 : i32
      %mul3A_308 = arith.constant 16 : i32
      %mul3A_309 = arith.muli %scan3A_307, %mul3A_308 : i32
      %get3A = arith.constant 0 : i32
      %get3A_310 = tpu.memref_slice %arg7[%get3A] : memref<12800xf32, #tpu.memory_space<vmem>> -> memref<10000xf32, #tpu.memory_space<vmem>>
      %get3A_311 = arith.index_cast %mul3A_309 : i32 to index
      %get3A_312 = tpu.vector_load %get3A_310[%get3A_311] {strides = array<i32>} : memref<10000xf32, #tpu.memory_space<vmem>>, vector<16xf32>,
      %get3A_313 = vector.shape_cast %get3A_312 : vector<16xf32> to vector<16xf32>
      %ge3A = arith.constant 1.000000e+00 : f32
      %ge3A_314 = vector.broadcast %ge3A : f32 to vector<16xf32>
      %ge3A_315 = arith.cmpf oge, %get3A_313, %ge3A_314 : vector<16xf32>
      %sub3A = arith.constant 1.000000e+00 : f32
      %sub3A_316 = vector.broadcast %sub3A : f32 to vector<16xf32>
      %sub3A_317 = arith.subf %get3A_313, %sub3A_316 : vector<16xf32>
      %exp3A = math.exp %sub3A_317 : vector<16xf32>
      %select_n3A = arith.select %ge3A_315, %get3A_313, %exp3A : vector<16xi1>, vector<16xf32>
      %mul3A_318 = arith.constant 16 : i32
      %mul3A_319 = arith.muli %scan3A_307, %mul3A_318 : i32
      %swap3A = arith.constant 0 : i32
      %swap3A_320 = tpu.memref_slice %arg7[%swap3A] : memref<12800xf32, #tpu.memory_space<vmem>> -> memref<10000xf32, #tpu.memory_space<vmem>>
      %swap3A_321 = arith.index_cast %mul3A_319 : i32 to index
      %swap3A_322 = tpu.vector_load %swap3A_320[%swap3A_321] {strides = array<i32>} : memref<10000xf32, #tpu.memory_space<vmem>>, vector<16xf32>,
      %swap3A_323 = vector.shape_cast %swap3A_322 : vector<16xf32> to vector<16xf32>
      %swap3A_324 = vector.shape_cast %select_n3A : vector<16xf32> to vector<16xf32>
      tpu.vector_store %swap3A_320[%swap3A_321], %swap3A_324 {strides = array<i32>} : memref<10000xf32, #tpu.memory_space<vmem>>, vector<16xf32>,
      %scan3A_325 = arith.constant 0 : i32
      %scan3A_326 = arith.constant 625 : i32
      %add3A_327 = arith.constant 96 : i32
      %add3A_328 = arith.addi %add3A_327, %arg1 : i32
      %mul3A_329 = arith.constant 10000 : i32
      %mul3A_330 = arith.muli %add3A_328, %mul3A_329 : i32
      "tpu.region"() ({
        %run_scoped3A = tpu.sem_alloc : memref<!tpu.dma_semaphore, #tpu.memory_space<semaphore_mem>>
        %dma_start3A_331 = arith.constant 0 : i32
        %dma_start3A_332 = tpu.memref_slice %arg7[%dma_start3A_331] : memref<12800xf32, #tpu.memory_space<vmem>> -> memref<10000xf32, #tpu.memory_space<vmem>>
        %dma_start3A_333 = tpu.memref_slice %arg9[%mul3A_330] : memref<1000000xf32, #tpu.memory_space<vmem_shared>> -> memref<10000xf32, #tpu.memory_space<vmem_shared>>
        %dma_start3A_334 = tpu.memref_slice %arg9[%mul3A_330] : memref<1000000xf32, #tpu.memory_space<vmem_shared>> -> memref<10000xf32, #tpu.memory_space<vmem_shared>>
        %dma_start3A_335 = arith.constant 0 : i32
        %dma_start3A_336 = tpu.memref_slice %arg7[%dma_start3A_335] : memref<12800xf32, #tpu.memory_space<vmem>> -> memref<10000xf32, #tpu.memory_space<vmem>>
        tpu.enqueue_dma source(%dma_start3A_336 : memref<10000xf32, #tpu.memory_space<vmem>>) target(%dma_start3A_334 : memref<10000xf32, #tpu.memory_space<vmem_shared>>) target_semaphore(%run_scoped3A : memref<!tpu.dma_semaphore, #tpu.memory_space<semaphore_mem>>)
        %dma_wait3A_337 = arith.constant 0 : i32
        %dma_wait3A_338 = tpu.memref_slice %arg7[%dma_wait3A_337] : memref<12800xf32, #tpu.memory_space<vmem>> -> memref<10000xf32, #tpu.memory_space<vmem>>
        %dma_wait3A_339 = tpu.memref_slice %arg9[%mul3A_330] : memref<1000000xf32, #tpu.memory_space<vmem_shared>> -> memref<10000xf32, #tpu.memory_space<vmem_shared>>
        %dma_wait3A_340 = tpu.memref_slice %arg9[%mul3A_330] : memref<1000000xf32, #tpu.memory_space<vmem_shared>> -> memref<10000xf32, #tpu.memory_space<vmem_shared>>
        %dma_wait3A_341 = arith.constant 0 : i32
        %dma_wait3A_342 = tpu.memref_slice %arg7[%dma_wait3A_341] : memref<12800xf32, #tpu.memory_space<vmem>> -> memref<10000xf32, #tpu.memory_space<vmem>>
        tpu.wait_dma2 semaphore(%run_scoped3A : memref<!tpu.dma_semaphore, #tpu.memory_space<semaphore_mem>>) src(%dma_wait3A_342 : memref<10000xf32, #tpu.memory_space<vmem>>) dst(%dma_wait3A_340 : memref<10000xf32, #tpu.memory_space<vmem_shared>>)
        tpu.yield
      }) : () -> ()
    } else {
    }
    %barrier3A = arith.constant 0 : index
    tpu.barrier barrier_id(%barrier3A)
    %dma_wait3A = tpu.memref_slice %arg2[%mul3A_2] : memref<3276800xi32, #tpu.memory_space<hbm>> -> memref<12800xi32, #tpu.memory_space<hbm>>
    %dma_wait3A_182 = tpu.memref_slice %arg2[%mul3A_2] : memref<3276800xi32, #tpu.memory_space<hbm>> -> memref<12800xi32, #tpu.memory_space<hbm>>
    tpu.wait_dma2 semaphore(%arg10 : memref<!tpu.dma_semaphore, #tpu.memory_space<semaphore_mem>>) src(%dma_wait3A_182 : memref<12800xi32, #tpu.memory_space<hbm>>) dst(%arg5 : memref<12800xi32, #tpu.memory_space<vmem>>)
    %dma_start3A_183 = arith.constant 0 : i32
    %dma_start3A_184 = tpu.memref_slice %arg9[%dma_start3A_183] : memref<1000000xf32, #tpu.memory_space<vmem_shared>> -> memref<1000000xf32, #tpu.memory_space<vmem_shared>>
    tpu.enqueue_indirect_dma source(%dma_start3A_184 : memref<1000000xf32, #tpu.memory_space<vmem_shared>>) target(%arg7 : memref<12800xf32, #tpu.memory_space<vmem>>) offsets(%arg5 : memref<12800xi32, #tpu.memory_space<vmem>>) semaphore(%arg12 : memref<!tpu.dma_semaphore, #tpu.memory_space<semaphore_mem>>)
    %dma_wait3A_185 = tpu.memref_slice %arg2[%mul3A_2] : memref<3276800xi32, #tpu.memory_space<hbm>> -> memref<12800xi32, #tpu.memory_space<hbm>>
    %dma_wait3A_186 = tpu.memref_slice %arg2[%mul3A_2] : memref<3276800xi32, #tpu.memory_space<hbm>> -> memref<12800xi32, #tpu.memory_space<hbm>>
    tpu.wait_dma2 semaphore(%arg11 : memref<!tpu.dma_semaphore, #tpu.memory_space<semaphore_mem>>) src(%dma_wait3A_186 : memref<12800xi32, #tpu.memory_space<hbm>>) dst(%arg6 : memref<12800xi32, #tpu.memory_space<vmem>>)
    %dma_start3A_187 = arith.constant 0 : i32
    %dma_start3A_188 = tpu.memref_slice %arg9[%dma_start3A_187] : memref<1000000xf32, #tpu.memory_space<vmem_shared>> -> memref<1000000xf32, #tpu.memory_space<vmem_shared>>
    tpu.enqueue_indirect_dma source(%dma_start3A_188 : memref<1000000xf32, #tpu.memory_space<vmem_shared>>) target(%arg8 : memref<12800xf32, #tpu.memory_space<vmem>>) offsets(%arg6 : memref<12800xi32, #tpu.memory_space<vmem>>) semaphore(%arg13 : memref<!tpu.dma_semaphore, #tpu.memory_space<semaphore_mem>>)
    %dma_wait3A_189 = arith.constant 0 : i32
    %dma_wait3A_190 = tpu.memref_slice %arg9[%dma_wait3A_189] : memref<1000000xf32, #tpu.memory_space<vmem_shared>> -> memref<1000000xf32, #tpu.memory_space<vmem_shared>>
    tpu.wait_indirect_dma semaphore(%arg12 : memref<!tpu.dma_semaphore, #tpu.memory_space<semaphore_mem>>) src(%dma_wait3A_190 : memref<1000000xf32, #tpu.memory_space<vmem_shared>>) dst(%arg7 : memref<12800xf32, #tpu.memory_space<vmem>>)
    %add3A_191 = arith.constant 0 : i32
    %add3A_192 = arith.addi %mul3A_2, %add3A_191 : i32
    %dma_start3A_193 = tpu.memref_slice %arg4[%add3A_192] : memref<3276800xf32, #tpu.memory_space<hbm>> -> memref<12800xf32, #tpu.memory_space<hbm>>
    %dma_start3A_194 = tpu.memref_slice %arg4[%add3A_192] : memref<3276800xf32, #tpu.memory_space<hbm>> -> memref<12800xf32, #tpu.memory_space<hbm>>
    tpu.enqueue_dma source(%arg7 : memref<12800xf32, #tpu.memory_space<vmem>>) target(%dma_start3A_194 : memref<12800xf32, #tpu.memory_space<hbm>>) target_semaphore(%arg14 : memref<!tpu.dma_semaphore, #tpu.memory_space<semaphore_mem>>)
    %add3A_195 = arith.constant 25600 : i32
    %add3A_196 = arith.addi %mul3A_2, %add3A_195 : i32
    %dma_start3A_197 = tpu.memref_slice %arg2[%add3A_196] : memref<3276800xi32, #tpu.memory_space<hbm>> -> memref<12800xi32, #tpu.memory_space<hbm>>
    %dma_start3A_198 = tpu.memref_slice %arg2[%add3A_196] : memref<3276800xi32, #tpu.memory_space<hbm>> -> memref<12800xi32, #tpu.memory_space<hbm>>
    tpu.enqueue_dma source(%dma_start3A_198 : memref<12800xi32, #tpu.memory_space<hbm>>) target(%arg5 : memref<12800xi32, #tpu.memory_space<vmem>>) target_semaphore(%arg10 : memref<!tpu.dma_semaphore, #tpu.memory_space<semaphore_mem>>)
    %dma_wait3A_199 = tpu.memref_slice %arg2[%mul3A_2] : memref<3276800xi32, #tpu.memory_space<hbm>> -> memref<12800xi32, #tpu.memory_space<hbm>>
    %dma_wait3A_200 = tpu.memref_slice %arg2[%mul3A_2] : memref<3276800xi32, #tpu.memory_space<hbm>> -> memref<12800xi32, #tpu.memory_space<hbm>>
    tpu.wait_dma2 semaphore(%arg10 : memref<!tpu.dma_semaphore, #tpu.memory_space<semaphore_mem>>) src(%dma_wait3A_200 : memref<12800xi32, #tpu.memory_space<hbm>>) dst(%arg5 : memref<12800xi32, #tpu.memory_space<vmem>>)
    %dma_wait3A_201 = tpu.memref_slice %arg4[%mul3A_2] : memref<3276800xf32, #tpu.memory_space<hbm>> -> memref<12800xf32, #tpu.memory_space<hbm>>
    %dma_wait3A_202 = tpu.memref_slice %arg4[%mul3A_2] : memref<3276800xf32, #tpu.memory_space<hbm>> -> memref<12800xf32, #tpu.memory_space<hbm>>
    tpu.wait_dma2 semaphore(%arg14 : memref<!tpu.dma_semaphore, #tpu.memory_space<semaphore_mem>>) src(%arg7 : memref<12800xf32, #tpu.memory_space<vmem>>) dst(%dma_wait3A_202 : memref<12800xf32, #tpu.memory_space<hbm>>)
    %dma_start3A_203 = arith.constant 0 : i32
    %dma_start3A_204 = tpu.memref_slice %arg9[%dma_start3A_203] : memref<1000000xf32, #tpu.memory_space<vmem_shared>> -> memref<1000000xf32, #tpu.memory_space<vmem_shared>>
    tpu.enqueue_indirect_dma source(%dma_start3A_204 : memref<1000000xf32, #tpu.memory_space<vmem_shared>>) target(%arg7 : memref<12800xf32, #tpu.memory_space<vmem>>) offsets(%arg5 : memref<12800xi32, #tpu.memory_space<vmem>>) semaphore(%arg12 : memref<!tpu.dma_semaphore, #tpu.memory_space<semaphore_mem>>)
    %dma_wait3A_205 = arith.constant 0 : i32
    %dma_wait3A_206 = tpu.memref_slice %arg9[%dma_wait3A_205] : memref<1000000xf32, #tpu.memory_space<vmem_shared>> -> memref<1000000xf32, #tpu.memory_space<vmem_shared>>
    tpu.wait_indirect_dma semaphore(%arg13 : memref<!tpu.dma_semaphore, #tpu.memory_space<semaphore_mem>>) src(%dma_wait3A_206 : memref<1000000xf32, #tpu.memory_space<vmem_shared>>) dst(%arg8 : memref<12800xf32, #tpu.memory_space<vmem>>)
    %add3A_207 = arith.constant 12800 : i32
    %add3A_208 = arith.addi %mul3A_2, %add3A_207 : i32
    %dma_start3A_209 = tpu.memref_slice %arg4[%add3A_208] : memref<3276800xf32, #tpu.memory_space<hbm>> -> memref<12800xf32, #tpu.memory_space<hbm>>
    %dma_start3A_210 = tpu.memref_slice %arg4[%add3A_208] : memref<3276800xf32, #tpu.memory_space<hbm>> -> memref<12800xf32, #tpu.memory_space<hbm>>
    tpu.enqueue_dma source(%arg8 : memref<12800xf32, #tpu.memory_space<vmem>>) target(%dma_start3A_210 : memref<12800xf32, #tpu.memory_space<hbm>>) target_semaphore(%arg15 : memref<!tpu.dma_semaphore, #tpu.memory_space<semaphore_mem>>)
    %add3A_211 = arith.constant 38400 : i32
    %add3A_212 = arith.addi %mul3A_2, %add3A_211 : i32
    %dma_start3A_213 = tpu.memref_slice %arg2[%add3A_212] : memref<3276800xi32, #tpu.memory_space<hbm>> -> memref<12800xi32, #tpu.memory_space<hbm>>
    %dma_start3A_214 = tpu.memref_slice %arg2[%add3A_212] : memref<3276800xi32, #tpu.memory_space<hbm>> -> memref<12800xi32, #tpu.memory_space<hbm>>
    tpu.enqueue_dma source(%dma_start3A_214 : memref<12800xi32, #tpu.memory_space<hbm>>) target(%arg6 : memref<12800xi32, #tpu.memory_space<vmem>>) target_semaphore(%arg11 : memref<!tpu.dma_semaphore, #tpu.memory_space<semaphore_mem>>)
    %dma_wait3A_215 = tpu.memref_slice %arg2[%mul3A_2] : memref<3276800xi32, #tpu.memory_space<hbm>> -> memref<12800xi32, #tpu.memory_space<hbm>>
    %dma_wait3A_216 = tpu.memref_slice %arg2[%mul3A_2] : memref<3276800xi32, #tpu.memory_space<hbm>> -> memref<12800xi32, #tpu.memory_space<hbm>>
    tpu.wait_dma2 semaphore(%arg11 : memref<!tpu.dma_semaphore, #tpu.memory_space<semaphore_mem>>) src(%dma_wait3A_216 : memref<12800xi32, #tpu.memory_space<hbm>>) dst(%arg6 : memref<12800xi32, #tpu.memory_space<vmem>>)
    %dma_wait3A_217 = tpu.memref_slice %arg4[%mul3A_2] : memref<3276800xf32, #tpu.memory_space<hbm>> -> memref<12800xf32, #tpu.memory_space<hbm>>
    %dma_wait3A_218 = tpu.memref_slice %arg4[%mul3A_2] : memref<3276800xf32, #tpu.memory_space<hbm>> -> memref<12800xf32, #tpu.memory_space<hbm>>
    tpu.wait_dma2 semaphore(%arg15 : memref<!tpu.dma_semaphore, #tpu.memory_space<semaphore_mem>>) src(%arg8 : memref<12800xf32, #tpu.memory_space<vmem>>) dst(%dma_wait3A_218 : memref<12800xf32, #tpu.memory_space<hbm>>)
    %dma_start3A_219 = arith.constant 0 : i32
    %dma_start3A_220 = tpu.memref_slice %arg9[%dma_start3A_219] : memref<1000000xf32, #tpu.memory_space<vmem_shared>> -> memref<1000000xf32, #tpu.memory_space<vmem_shared>>
    tpu.enqueue_indirect_dma source(%dma_start3A_220 : memref<1000000xf32, #tpu.memory_space<vmem_shared>>) target(%arg8 : memref<12800xf32, #tpu.memory_space<vmem>>) offsets(%arg6 : memref<12800xi32, #tpu.memory_space<vmem>>) semaphore(%arg13 : memref<!tpu.dma_semaphore, #tpu.memory_space<semaphore_mem>>)
    %dma_wait3A_221 = arith.constant 0 : i32
    %dma_wait3A_222 = tpu.memref_slice %arg9[%dma_wait3A_221] : memref<1000000xf32, #tpu.memory_space<vmem_shared>> -> memref<1000000xf32, #tpu.memory_space<vmem_shared>>
    tpu.wait_indirect_dma semaphore(%arg12 : memref<!tpu.dma_semaphore, #tpu.memory_space<semaphore_mem>>) src(%dma_wait3A_222 : memref<1000000xf32, #tpu.memory_space<vmem_shared>>) dst(%arg7 : memref<12800xf32, #tpu.memory_space<vmem>>)
    %add3A_223 = arith.constant 25600 : i32
    %add3A_224 = arith.addi %mul3A_2, %add3A_223 : i32
    %dma_start3A_225 = tpu.memref_slice %arg4[%add3A_224] : memref<3276800xf32, #tpu.memory_space<hbm>> -> memref<12800xf32, #tpu.memory_space<hbm>>
    %dma_start3A_226 = tpu.memref_slice %arg4[%add3A_224] : memref<3276800xf32, #tpu.memory_space<hbm>> -> memref<12800xf32, #tpu.memory_space<hbm>>
    tpu.enqueue_dma source(%arg7 : memref<12800xf32, #tpu.memory_space<vmem>>) target(%dma_start3A_226 : memref<12800xf32, #tpu.memory_space<hbm>>) target_semaphore(%arg14 : memref<!tpu.dma_semaphore, #tpu.memory_space<semaphore_mem>>)
    %add3A_227 = arith.constant 51200 : i32
    %add3A_228 = arith.addi %mul3A_2, %add3A_227 : i32
    %dma_start3A_229 = tpu.memref_slice %arg2[%add3A_228] : memref<3276800xi32, #tpu.memory_space<hbm>> -> memref<12800xi32, #tpu.memory_space<hbm>>
    %dma_start3A_230 = tpu.memref_slice %arg2[%add3A_228] : memref<3276800xi32, #tpu.memory_space<hbm>> -> memref<12800xi32, #tpu.memory_space<hbm>>
    tpu.enqueue_dma source(%dma_start3A_230 : memref<12800xi32, #tpu.memory_space<hbm>>) target(%arg5 : memref<12800xi32, #tpu.memory_space<vmem>>) target_semaphore(%arg10 : memref<!tpu.dma_semaphore, #tpu.memory_space<semaphore_mem>>)
    %dma_wait3A_231 = tpu.memref_slice %arg2[%mul3A_2] : memref<3276800xi32, #tpu.memory_space<hbm>> -> memref<12800xi32, #tpu.memory_space<hbm>>
    %dma_wait3A_232 = tpu.memref_slice %arg2[%mul3A_2] : memref<3276800xi32, #tpu.memory_space<hbm>> -> memref<12800xi32, #tpu.memory_space<hbm>>
    tpu.wait_dma2 semaphore(%arg10 : memref<!tpu.dma_semaphore, #tpu.memory_space<semaphore_mem>>) src(%dma_wait3A_232 : memref<12800xi32, #tpu.memory_space<hbm>>) dst(%arg5 : memref<12800xi32, #tpu.memory_space<vmem>>)
    %dma_wait3A_233 = tpu.memref_slice %arg4[%mul3A_2] : memref<3276800xf32, #tpu.memory_space<hbm>> -> memref<12800xf32, #tpu.memory_space<hbm>>
    %dma_wait3A_234 = tpu.memref_slice %arg4[%mul3A_2] : memref<3276800xf32, #tpu.memory_space<hbm>> -> memref<12800xf32, #tpu.memory_space<hbm>>
    tpu.wait_dma2 semaphore(%arg14 : memref<!tpu.dma_semaphore, #tpu.memory_space<semaphore_mem>>) src(%arg7 : memref<12800xf32, #tpu.memory_space<vmem>>) dst(%dma_wait3A_234 : memref<12800xf32, #tpu.memory_space<hbm>>)
    %dma_start3A_235 = arith.constant 0 : i32
    %dma_start3A_236 = tpu.memref_slice %arg9[%dma_start3A_235] : memref<1000000xf32, #tpu.memory_space<vmem_shared>> -> memref<1000000xf32, #tpu.memory_space<vmem_shared>>
    tpu.enqueue_indirect_dma source(%dma_start3A_236 : memref<1000000xf32, #tpu.memory_space<vmem_shared>>) target(%arg7 : memref<12800xf32, #tpu.memory_space<vmem>>) offsets(%arg5 : memref<12800xi32, #tpu.memory_space<vmem>>) semaphore(%arg12 : memref<!tpu.dma_semaphore, #tpu.memory_space<semaphore_mem>>)
    %dma_wait3A_237 = arith.constant 0 : i32
    %dma_wait3A_238 = tpu.memref_slice %arg9[%dma_wait3A_237] : memref<1000000xf32, #tpu.memory_space<vmem_shared>> -> memref<1000000xf32, #tpu.memory_space<vmem_shared>>
    tpu.wait_indirect_dma semaphore(%arg13 : memref<!tpu.dma_semaphore, #tpu.memory_space<semaphore_mem>>) src(%dma_wait3A_238 : memref<1000000xf32, #tpu.memory_space<vmem_shared>>) dst(%arg8 : memref<12800xf32, #tpu.memory_space<vmem>>)
    %add3A_239 = arith.constant 38400 : i32
    %add3A_240 = arith.addi %mul3A_2, %add3A_239 : i32
    %dma_start3A_241 = tpu.memref_slice %arg4[%add3A_240] : memref<3276800xf32, #tpu.memory_space<hbm>> -> memref<12800xf32, #tpu.memory_space<hbm>>
    %dma_start3A_242 = tpu.memref_slice %arg4[%add3A_240] : memref<3276800xf32, #tpu.memory_space<hbm>> -> memref<12800xf32, #tpu.memory_space<hbm>>
    tpu.enqueue_dma source(%arg8 : memref<12800xf32, #tpu.memory_space<vmem>>) target(%dma_start3A_242 : memref<12800xf32, #tpu.memory_space<hbm>>) target_semaphore(%arg15 : memref<!tpu.dma_semaphore, #tpu.memory_space<semaphore_mem>>)
    %add3A_243 = arith.constant 64000 : i32
    %add3A_244 = arith.addi %mul3A_2, %add3A_243 : i32
    %dma_start3A_245 = tpu.memref_slice %arg2[%add3A_244] : memref<3276800xi32, #tpu.memory_space<hbm>> -> memref<12800xi32, #tpu.memory_space<hbm>>
    %dma_start3A_246 = tpu.memref_slice %arg2[%add3A_244] : memref<3276800xi32, #tpu.memory_space<hbm>> -> memref<12800xi32, #tpu.memory_space<hbm>>
    tpu.enqueue_dma source(%dma_start3A_246 : memref<12800xi32, #tpu.memory_space<hbm>>) target(%arg6 : memref<12800xi32, #tpu.memory_space<vmem>>) target_semaphore(%arg11 : memref<!tpu.dma_semaphore, #tpu.memory_space<semaphore_mem>>)
    %dma_wait3A_247 = tpu.memref_slice %arg2[%mul3A_2] : memref<3276800xi32, #tpu.memory_space<hbm>> -> memref<12800xi32, #tpu.memory_space<hbm>>
    %dma_wait3A_248 = tpu.memref_slice %arg2[%mul3A_2] : memref<3276800xi32, #tpu.memory_space<hbm>> -> memref<12800xi32, #tpu.memory_space<hbm>>
    tpu.wait_dma2 semaphore(%arg11 : memref<!tpu.dma_semaphore, #tpu.memory_space<semaphore_mem>>) src(%dma_wait3A_248 : memref<12800xi32, #tpu.memory_space<hbm>>) dst(%arg6 : memref<12800xi32, #tpu.memory_space<vmem>>)
    %dma_wait3A_249 = tpu.memref_slice %arg4[%mul3A_2] : memref<3276800xf32, #tpu.memory_space<hbm>> -> memref<12800xf32, #tpu.memory_space<hbm>>
    %dma_wait3A_250 = tpu.memref_slice %arg4[%mul3A_2] : memref<3276800xf32, #tpu.memory_space<hbm>> -> memref<12800xf32, #tpu.memory_space<hbm>>
    tpu.wait_dma2 semaphore(%arg15 : memref<!tpu.dma_semaphore, #tpu.memory_space<semaphore_mem>>) src(%arg8 : memref<12800xf32, #tpu.memory_space<vmem>>) dst(%dma_wait3A_250 : memref<12800xf32, #tpu.memory_space<hbm>>)
    %dma_start3A_251 = arith.constant 0 : i32
    %dma_start3A_252 = tpu.memref_slice %arg9[%dma_start3A_251] : memref<1000000xf32, #tpu.memory_space<vmem_shared>> -> memref<1000000xf32, #tpu.memory_space<vmem_shared>>
    tpu.enqueue_indirect_dma source(%dma_start3A_252 : memref<1000000xf32, #tpu.memory_space<vmem_shared>>) target(%arg8 : memref<12800xf32, #tpu.memory_space<vmem>>) offsets(%arg6 : memref<12800xi32, #tpu.memory_space<vmem>>) semaphore(%arg13 : memref<!tpu.dma_semaphore, #tpu.memory_space<semaphore_mem>>)
    %dma_wait3A_253 = arith.constant 0 : i32
    %dma_wait3A_254 = tpu.memref_slice %arg9[%dma_wait3A_253] : memref<1000000xf32, #tpu.memory_space<vmem_shared>> -> memref<1000000xf32, #tpu.memory_space<vmem_shared>>
    tpu.wait_indirect_dma semaphore(%arg12 : memref<!tpu.dma_semaphore, #tpu.memory_space<semaphore_mem>>) src(%dma_wait3A_254 : memref<1000000xf32, #tpu.memory_space<vmem_shared>>) dst(%arg7 : memref<12800xf32, #tpu.memory_space<vmem>>)
    %add3A_255 = arith.constant 51200 : i32
    %add3A_256 = arith.addi %mul3A_2, %add3A_255 : i32
    %dma_start3A_257 = tpu.memref_slice %arg4[%add3A_256] : memref<3276800xf32, #tpu.memory_space<hbm>> -> memref<12800xf32, #tpu.memory_space<hbm>>
    %dma_start3A_258 = tpu.memref_slice %arg4[%add3A_256] : memref<3276800xf32, #tpu.memory_space<hbm>> -> memref<12800xf32, #tpu.memory_space<hbm>>
    tpu.enqueue_dma source(%arg7 : memref<12800xf32, #tpu.memory_space<vmem>>) target(%dma_start3A_258 : memref<12800xf32, #tpu.memory_space<hbm>>) target_semaphore(%arg14 : memref<!tpu.dma_semaphore, #tpu.memory_space<semaphore_mem>>)
    %add3A_259 = arith.constant 76800 : i32
    %add3A_260 = arith.addi %mul3A_2, %add3A_259 : i32
    %dma_start3A_261 = tpu.memref_slice %arg2[%add3A_260] : memref<3276800xi32, #tpu.memory_space<hbm>> -> memref<12800xi32, #tpu.memory_space<hbm>>
    %dma_start3A_262 = tpu.memref_slice %arg2[%add3A_260] : memref<3276800xi32, #tpu.memory_space<hbm>> -> memref<12800xi32, #tpu.memory_space<hbm>>
    tpu.enqueue_dma source(%dma_start3A_262 : memref<12800xi32, #tpu.memory_space<hbm>>) target(%arg5 : memref<12800xi32, #tpu.memory_space<vmem>>) target_semaphore(%arg10 : memref<!tpu.dma_semaphore, #tpu.memory_space<semaphore_mem>>)
    %dma_wait3A_263 = tpu.memref_slice %arg2[%mul3A_2] : memref<3276800xi32, #tpu.memory_space<hbm>> -> memref<12800xi32, #tpu.memory_space<hbm>>
    %dma_wait3A_264 = tpu.memref_slice %arg2[%mul3A_2] : memref<3276800xi32, #tpu.memory_space<hbm>> -> memref<12800xi32, #tpu.memory_space<hbm>>
    tpu.wait_dma2 semaphore(%arg10 : memref<!tpu.dma_semaphore, #tpu.memory_space<semaphore_mem>>) src(%dma_wait3A_264 : memref<12800xi32, #tpu.memory_space<hbm>>) dst(%arg5 : memref<12800xi32, #tpu.memory_space<vmem>>)
    %dma_wait3A_265 = tpu.memref_slice %arg4[%mul3A_2] : memref<3276800xf32, #tpu.memory_space<hbm>> -> memref<12800xf32, #tpu.memory_space<hbm>>
    %dma_wait3A_266 = tpu.memref_slice %arg4[%mul3A_2] : memref<3276800xf32, #tpu.memory_space<hbm>> -> memref<12800xf32, #tpu.memory_space<hbm>>
    tpu.wait_dma2 semaphore(%arg14 : memref<!tpu.dma_semaphore, #tpu.memory_space<semaphore_mem>>) src(%arg7 : memref<12800xf32, #tpu.memory_space<vmem>>) dst(%dma_wait3A_266 : memref<12800xf32, #tpu.memory_space<hbm>>)
    %dma_start3A_267 = arith.constant 0 : i32
    %dma_start3A_268 = tpu.memref_slice %arg9[%dma_start3A_267] : memref<1000000xf32, #tpu.memory_space<vmem_shared>> -> memref<1000000xf32, #tpu.memory_space<vmem_shared>>
    tpu.enqueue_indirect_dma source(%dma_start3A_268 : memref<1000000xf32, #tpu.memory_space<vmem_shared>>) target(%arg7 : memref<12800xf32, #tpu.memory_space<vmem>>) offsets(%arg5 : memref<12800xi32, #tpu.memory_space<vmem>>) semaphore(%arg12 : memref<!tpu.dma_semaphore, #tpu.memory_space<semaphore_mem>>)
    %dma_wait3A_269 = arith.constant 0 : i32
    %dma_wait3A_270 = tpu.memref_slice %arg9[%dma_wait3A_269] : memref<1000000xf32, #tpu.memory_space<vmem_shared>> -> memref<1000000xf32, #tpu.memory_space<vmem_shared>>
    tpu.wait_indirect_dma semaphore(%arg13 : memref<!tpu.dma_semaphore, #tpu.memory_space<semaphore_mem>>) src(%dma_wait3A_270 : memref<1000000xf32, #tpu.memory_space<vmem_shared>>) dst(%arg8 : memref<12800xf32, #tpu.memory_space<vmem>>)
    %add3A_271 = arith.constant 64000 : i32
    %add3A_272 = arith.addi %mul3A_2, %add3A_271 : i32
    %dma_start3A_273 = tpu.memref_slice %arg4[%add3A_272] : memref<3276800xf32, #tpu.memory_space<hbm>> -> memref<12800xf32, #tpu.memory_space<hbm>>
    %dma_start3A_274 = tpu.memref_slice %arg4[%add3A_272] : memref<3276800xf32, #tpu.memory_space<hbm>> -> memref<12800xf32, #tpu.memory_space<hbm>>
    tpu.enqueue_dma source(%arg8 : memref<12800xf32, #tpu.memory_space<vmem>>) target(%dma_start3A_274 : memref<12800xf32, #tpu.memory_space<hbm>>) target_semaphore(%arg15 : memref<!tpu.dma_semaphore, #tpu.memory_space<semaphore_mem>>)
    %add3A_275 = arith.constant 89600 : i32
    %add3A_276 = arith.addi %mul3A_2, %add3A_275 : i32
    %dma_start3A_277 = tpu.memref_slice %arg2[%add3A_276] : memref<3276800xi32, #tpu.memory_space<hbm>> -> memref<12800xi32, #tpu.memory_space<hbm>>
    %dma_start3A_278 = tpu.memref_slice %arg2[%add3A_276] : memref<3276800xi32, #tpu.memory_space<hbm>> -> memref<12800xi32, #tpu.memory_space<hbm>>
    tpu.enqueue_dma source(%dma_start3A_278 : memref<12800xi32, #tpu.memory_space<hbm>>) target(%arg6 : memref<12800xi32, #tpu.memory_space<vmem>>) target_semaphore(%arg11 : memref<!tpu.dma_semaphore, #tpu.memory_space<semaphore_mem>>)
    %dma_wait3A_279 = tpu.memref_slice %arg2[%mul3A_2] : memref<3276800xi32, #tpu.memory_space<hbm>> -> memref<12800xi32, #tpu.memory_space<hbm>>
    %dma_wait3A_280 = tpu.memref_slice %arg2[%mul3A_2] : memref<3276800xi32, #tpu.memory_space<hbm>> -> memref<12800xi32, #tpu.memory_space<hbm>>
    tpu.wait_dma2 semaphore(%arg11 : memref<!tpu.dma_semaphore, #tpu.memory_space<semaphore_mem>>) src(%dma_wait3A_280 : memref<12800xi32, #tpu.memory_space<hbm>>) dst(%arg6 : memref<12800xi32, #tpu.memory_space<vmem>>)
    %dma_wait3A_281 = tpu.memref_slice %arg4[%mul3A_2] : memref<3276800xf32, #tpu.memory_space<hbm>> -> memref<12800xf32, #tpu.memory_space<hbm>>
    %dma_wait3A_282 = tpu.memref_slice %arg4[%mul3A_2] : memref<3276800xf32, #tpu.memory_space<hbm>> -> memref<12800xf32, #tpu.memory_space<hbm>>
    tpu.wait_dma2 semaphore(%arg15 : memref<!tpu.dma_semaphore, #tpu.memory_space<semaphore_mem>>) src(%arg8 : memref<12800xf32, #tpu.memory_space<vmem>>) dst(%dma_wait3A_282 : memref<12800xf32, #tpu.memory_space<hbm>>)
    %dma_start3A_283 = arith.constant 0 : i32
    %dma_start3A_284 = tpu.memref_slice %arg9[%dma_start3A_283] : memref<1000000xf32, #tpu.memory_space<vmem_shared>> -> memref<1000000xf32, #tpu.memory_space<vmem_shared>>
    tpu.enqueue_indirect_dma source(%dma_start3A_284 : memref<1000000xf32, #tpu.memory_space<vmem_shared>>) target(%arg8 : memref<12800xf32, #tpu.memory_space<vmem>>) offsets(%arg6 : memref<12800xi32, #tpu.memory_space<vmem>>) semaphore(%arg13 : memref<!tpu.dma_semaphore, #tpu.memory_space<semaphore_mem>>)
    %dma_wait3A_285 = arith.constant 0 : i32
    %dma_wait3A_286 = tpu.memref_slice %arg9[%dma_wait3A_285] : memref<1000000xf32, #tpu.memory_space<vmem_shared>> -> memref<1000000xf32, #tpu.memory_space<vmem_shared>>
    tpu.wait_indirect_dma semaphore(%arg12 : memref<!tpu.dma_semaphore, #tpu.memory_space<semaphore_mem>>) src(%dma_wait3A_286 : memref<1000000xf32, #tpu.memory_space<vmem_shared>>) dst(%arg7 : memref<12800xf32, #tpu.memory_space<vmem>>)
    %add3A_287 = arith.constant 76800 : i32
    %add3A_288 = arith.addi %mul3A_2, %add3A_287 : i32
    %dma_start3A_289 = tpu.memref_slice %arg4[%add3A_288] : memref<3276800xf32, #tpu.memory_space<hbm>> -> memref<12800xf32, #tpu.memory_space<hbm>>
    %dma_start3A_290 = tpu.memref_slice %arg4[%add3A_288] : memref<3276800xf32, #tpu.memory_space<hbm>> -> memref<12800xf32, #tpu.memory_space<hbm>>
    tpu.enqueue_dma source(%arg7 : memref<12800xf32, #tpu.memory_space<vmem>>) target(%dma_start3A_290 : memref<12800xf32, #tpu.memory_space<hbm>>) target_semaphore(%arg14 : memref<!tpu.dma_semaphore, #tpu.memory_space<semaphore_mem>>)
    %dma_wait3A_291 = arith.constant 0 : i32
    %dma_wait3A_292 = tpu.memref_slice %arg9[%dma_wait3A_291] : memref<1000000xf32, #tpu.memory_space<vmem_shared>> -> memref<1000000xf32, #tpu.memory_space<vmem_shared>>
    tpu.wait_indirect_dma semaphore(%arg13 : memref<!tpu.dma_semaphore, #tpu.memory_space<semaphore_mem>>) src(%dma_wait3A_292 : memref<1000000xf32, #tpu.memory_space<vmem_shared>>) dst(%arg8 : memref<12800xf32, #tpu.memory_space<vmem>>)
    %add3A_293 = arith.constant 89600 : i32
    %add3A_294 = arith.addi %mul3A_2, %add3A_293 : i32
    %dma_start3A_295 = tpu.memref_slice %arg4[%add3A_294] : memref<3276800xf32, #tpu.memory_space<hbm>> -> memref<12800xf32, #tpu.memory_space<hbm>>
    %dma_start3A_296 = tpu.memref_slice %arg4[%add3A_294] : memref<3276800xf32, #tpu.memory_space<hbm>> -> memref<12800xf32, #tpu.memory_space<hbm>>
    tpu.enqueue_dma source(%arg8 : memref<12800xf32, #tpu.memory_space<vmem>>) target(%dma_start3A_296 : memref<12800xf32, #tpu.memory_space<hbm>>) target_semaphore(%arg15 : memref<!tpu.dma_semaphore, #tpu.memory_space<semaphore_mem>>)
    %dma_wait3A_297 = tpu.memref_slice %arg4[%mul3A_2] : memref<3276800xf32, #tpu.memory_space<hbm>> -> memref<12800xf32, #tpu.memory_space<hbm>>
    %dma_wait3A_298 = tpu.memref_slice %arg4[%mul3A_2] : memref<3276800xf32, #tpu.memory_space<hbm>> -> memref<12800xf32, #tpu.memory_space<hbm>>
    tpu.wait_dma2 semaphore(%arg14 : memref<!tpu.dma_semaphore, #tpu.memory_space<semaphore_mem>>) src(%arg7 : memref<12800xf32, #tpu.memory_space<vmem>>) dst(%dma_wait3A_298 : memref<12800xf32, #tpu.memory_space<hbm>>)
    %dma_wait3A_299 = tpu.memref_slice %arg4[%mul3A_2] : memref<3276800xf32, #tpu.memory_space<hbm>> -> memref<12800xf32, #tpu.memory_space<hbm>>
    %dma_wait3A_300 = tpu.memref_slice %arg4[%mul3A_2] : memref<3276800xf32, #tpu.memory_space<hbm>> -> memref<12800xf32, #tpu.memory_space<hbm>>
    tpu.wait_dma2 semaphore(%arg15 : memref<!tpu.dma_semaphore, #tpu.memory_space<semaphore_mem>>) src(%arg8 : memref<12800xf32, #tpu.memory_space<vmem>>) dst(%dma_wait3A_300 : memref<12800xf32, #tpu.memory_space<hbm>>)
    return
  }
}

</mosaic_0001>

<sc_bundles>
// kernel: kernel.3.cloned.1.call-start
scs
__scs_entry_jumppad:
0x0: {  	(pc) =	sbr.rel $0x88, $3  }
0x1: {  	(tag) =	ssettag $0x0;
	lr =	simm.s32 $0x1  }
0x2: {  	[smem:$0x3F9F] =	sst lr;
	_ =	strace $0xD0000000  }
0x3: {  	_ = 	snop  }
0x4: {  	_ = 	snop  }
0x5: {  	_ = 	snop  }
0x6: {  	_ = 	snop  }
0x7: {  	_ = 	snop  }
__scs_overlays_trampoline_lowered:
0x8: {  	[smem:$0x3FAE] =	sst s0  }
0x9: {  	[smem:$0x3FAF] =	sst s1  }
0xa: {  	[smem:$0x3FB0] =	sst s2  }
0xb: {  	[smem:$0x3FB1] =	sst s3  }
0xc: {  	[smem:$0x3FB2] =	sst s4  }
0xd: {  	[smem:$0x3FB3] =	sst s5  }
0xe: {  	[smem:$0x3FB4] =	sst s6  }
0xf: {  	[smem:$0x3FB5] =	sst s7  }
0x10: {  	[smem:$0x3FB6] =	sst s8  }
0x11: {  	[smem:$0x3FB7] =	sst s9;
	s0 =	simm.s32 @!p0 $0x0  }
0x12: {  	s1 =	sld [smem:$0x3F9D];
	s0 =	simm.s32 @p0 $0x1  }
0x13: {  	[smem:$0x3FB8] =	sst s0;
	s0 =	simm.s32 @!p1 $0x0  }
0x14: {  	s2 =	sld [smem:$0x3F9C];
	s0 =	simm.s32 @p1 $0x1  }
0x15: {  	[smem:$0x3FB9] =	sst s0;
	s0 =	simm.s32 @!p2 $0x0  }
0x16: {  	s3 =	sld [smem:$0x3FDB];
	s0 =	simm.s32 @p2 $0x1  }
0x17: {  	s4 =	simm.s32 $0x1BF5;
	[smem:$0x3FBB] =	sst s0  }
0x18: {  	s0 =	sld [smem:$0x3F9E];
	_ =	swait.ge [sflag:s4], $0x0  }
0x19: {  	s7 =	sld [smem:$0x3F9F]  }
0x1a: {  	s8 =	sadd.s32 $0xFFFFE003, lr  }
0x1b: {  	s9 =	sadd.s32 $0xFFFFFEF7, lr;
	s5 =	simm.s32 $0xFFFFFFFF;
	p2 =	slt.u32 s8, $0xFFFFF086  }
0x1c: {  	p1 =	slt.u32 s9, $0xF7A;
	s5 =	simm.s32 @!p2 $0x0  }
0x1d: {  	s5 =	simm.s32 @p1 $0x1;
	p0 =	seq.s32 s7, s2  }
0x1e: {  	s7 =	smul.u32 @!p0 $0xF7A, s2;
	p2 =	seq.s32 @!p0 s5, $0x0  }
0x1f: {  	s9 =	smul.u32 $0xF7A, s1;
	s8 =	simm.s32 @!p0 $0x1BF5;
	p2 =	por !p2, p0  }
0x20: {  	[sflag:s8] =	ssyncset.s32 @!p0 $0xFFFFF086;
	s6 =	sadd.s32 @!p0 s3, s7;
	s7 =	simm.s32 @!p0 $0x108  }
0x21: {  	s3 =	sadd.s32 s3, s9;
	s6 =	sadd.s32 @!p0 $0x88, s6;
	s7 =	simm.s32 @p2 $0x1082  }
0x22: {  	[simem:s7], [sflag:s8] =	dma.local @!p0 [hbm:s6], $0xF7A  }
0x23: {  	s9 =	sor.u32 $0xD0000000, s2;
	s6 =	simm.s32 $0x108;
	_ =	swait.ge @!p0 [sflag:s8], $0x0  }
0x24: {  	s3 =	sadd.s32 $0x88, s3;
	s6 =	simm.s32 @!p1 $0x1082;
	[sflag:s4] =	ssyncset.s32 $0xFFFFF086  }
0x25: {  	[simem:s6], [sflag:s4] =	dma.local [hbm:s3], $0xF7A  }
0x26: {  	[smem:$0x3F9F] =	sst s1;
	(tag) =	ssettag s2;
	_ =	strace s9  }
0x27: {  	s1 =	sld [smem:$0x3FAF]  }
0x28: {  	s2 =	sld [smem:$0x3FB0]  }
0x29: {  	s4 =	sld [smem:$0x3FB2]  }
0x2a: {  	p0 =	seq.s32 s5, $0x0;
	s5 =	sld [smem:$0x3FB3]  }
0x2b: {  	s6 =	sld [smem:$0x3FB4]  }
0x2c: {  	s7 =	sld [smem:$0x3FB5]  }
0x2d: {  	s3 =	simm.s32 $0x108;
	s8 =	sld [smem:$0x3FB6]  }
0x2e: {  	s3 =	simm.s32 @!p0 $0x1082;
	s9 =	sld [smem:$0x3FB7]  }
0x2f: {  	lr =	sadd.s32 s0, s3;
	s0 =	sld [smem:$0x3FAE]  }
0x30: {  	s3 =	sld [smem:$0x3FB1]  }
0x31: {  	[smem:$0x3FBA] =	sst s10  }
0x32: {  	s10 =	sld [smem:$0x3FB8];
	_ =	sdelay $0x3  }
0x33: {  	p0 =	seq.s32 s10, $0x1;
	s10 =	sld [smem:$0x3FBA];
	_ =	sdelay $0x3  }
0x34: {  	[smem:$0x3FBA] =	sst s10  }
0x35: {  	s10 =	sld [smem:$0x3FB9];
	_ =	sdelay $0x3  }
0x36: {  	p1 =	seq.s32 s10, $0x1;
	s10 =	sld [smem:$0x3FBA];
	_ =	sdelay $0x3  }
0x37: {  	[smem:$0x3FBA] =	sst s10  }
0x38: {  	s10 =	sld [smem:$0x3FBB]  }
0x39: {  	_ = 	snop;
	(pc) =	sbr.ind lr, $3  }
0x3a: {  	_ = 	snop  }
0x3b: {  	_ = 	snop  }
0x3c: {  	p2 =	seq.s32 s10, $0x1;
	s10 =	sld [smem:$0x3FBA]  }
0x3d: {  	_ =	shalt  }
0x3e: {  	_ =	shalt  }
0x3f: {  	_ =	shalt  }
0x40: {  	_ =	shalt  }
0x41: {  	_ =	shalt  }
0x42: {  	_ =	shalt  }
0x43: {  	_ =	shalt  }
0x44: {  	_ =	shalt  }
0x45: {  	_ =	shalt  }
0x46: {  	_ =	shalt  }
0x47: {  	_ =	shalt  }
0x48: {  	_ =	shalt  }
0x49: {  	_ =	shalt  }
0x4a: {  	_ =	shalt  }
0x4b: {  	_ =	shalt  }
0x4c: {  	_ =	shalt  }
0x4d: {  	_ =	shalt  }
0x4e: {  	_ =	shalt  }
0x4f: {  	_ =	shalt  }
0x50: {  	_ =	shalt  }
0x51: {  	_ =	shalt  }
0x52: {  	_ =	shalt  }
0x53: {  	_ =	shalt  }
0x54: {  	_ =	shalt  }
0x55: {  	_ =	shalt  }
0x56: {  	_ =	shalt  }
0x57: {  	_ =	shalt  }
0x58: {  	_ =	shalt  }
0x59: {  	_ =	shalt  }
0x5a: {  	_ =	shalt  }
0x5b: {  	_ =	shalt  }
0x5c: {  	_ =	shalt  }
0x5d: {  	_ =	shalt  }
0x5e: {  	_ =	shalt  }
0x5f: {  	_ =	shalt  }
0x60: {  	_ =	shalt  }
0x61: {  	_ =	shalt  }
0x62: {  	_ =	shalt  }
0x63: {  	_ =	shalt  }
0x64: {  	_ =	shalt  }
0x65: {  	_ =	shalt  }
0x66: {  	_ =	shalt  }
0x67: {  	_ =	shalt  }
0x68: {  	_ =	shalt  }
0x69: {  	_ =	shalt  }
0x6a: {  	_ =	shalt  }
0x6b: {  	_ =	shalt  }
0x6c: {  	_ =	shalt  }
0x6d: {  	_ =	shalt  }
0x6e: {  	_ =	shalt  }
0x6f: {  	_ =	shalt  }
0x70: {  	_ =	shalt  }
0x71: {  	_ =	shalt  }
0x72: {  	_ =	shalt  }
0x73: {  	_ =	shalt  }
0x74: {  	_ =	shalt  }
0x75: {  	_ =	shalt  }
0x76: {  	_ =	shalt  }
0x77: {  	_ =	shalt  }
0x78: {  	_ =	shalt  }
0x79: {  	_ =	shalt  }
0x7a: {  	_ =	shalt  }
0x7b: {  	_ =	shalt  }
0x7c: {  	_ =	shalt  }
0x7d: {  	_ =	shalt  }
0x7e: {  	_ =	shalt  }
0x7f: {  	_ =	shalt  }
0x80: {  	_ =	shalt  }
0x81: {  	_ =	shalt  }
0x82: {  	_ =	shalt  }
0x83: {  	_ =	shalt  }
0x84: {  	_ =	shalt  }
0x85: {  	_ =	shalt  }
0x86: {  	_ =	shalt  }
0x87: {  	_ =	shalt  }
.Lfunc_end0:
.L_simem_size_0:
called_computation_lowered:
.L_overlay_start_0:
0x88: {  	s2 =	sld [smem:$0x3FD9]  }
0x89: {  	s3 =	sld [smem:$0x3FFE];
	_ =	sdelay $0x1  }
0x8a: {  	s1 =	srdreg.scid  }
0x8b: {  	s0 =	sand.u32 $0x1, s1  }
0x8c: {  	s17 =	sshll.u32 s0, $0xA;
	s2 =	sadd.s32 s3, s2  }
0x8d: {  	s2 =	sadd.s32 s2, s17  }
0x8e: {  	[smem:$0x3FC6] =	sst s2  }
0x8f: {  	_ = 	snop  }
0x90: {  	s2 =	sld [smem:$0x3FC8]  }
0x91: {  	s18 =	sld [smem:$0x3FD0];
	(tm) =	ssettm $0x1  }
0x92: {  	s4 =	sld [smem:$0x3FFB];
	_ =	sdelay $0x3  }
0x93: {  	_ =	strace s4  }
0x94: {  	s4 =	sld [smem:$0x3FFC];
	_ =	sdelay $0x3  }
0x95: {  	_ =	strace s4  }
0x96: {  	s4 =	sld [smem:$0x3FFD];
	_ =	sdelay $0x3  }
0x97: {  	_ =	strace s4  }
0x98: {  	_ =	strace $0x8FFFFFFF  }
0x99: {  	s19 =	sld [smem:$0x3FDB];
	_ =	sdelay $0x1  }
0x9a: {  	s5 =	simm.s32 $_scs_section_size  }
0x9b: {  	s6 =	simm.s32 $_size__tile_overlayer_lowered;
	s7 =	simm.s32 $_tile_overlayer_lowered  }
0x9c: {  	s22 =	simm.s32 $0x1BFF;
	s21 =	sshll.u32 s7, $0x1;
	s4 =	sadd.s32 s5, s19  }
0x9d: {  	s8 =	simm.s32 $0x0;
	s20 =	sshll.u32 s6, $0x1;
	s6 =	sadd.s32 s21, s4  }
0x9e: {  	[timem:s8], [sflag:s22] =	dma.local [hbm:s6], s20  }
0x9f: {  	_ =	swait.ge [sflag:s22], s20  }
0xa0: {  	s5 =	ssub.s32 $0x0, s20;
	[sflag:s22] =	ssyncset.done $0x0  }
0xa1: {  	[sflag:s22] =	ssyncadd.s32 s5;
	_ =	sdelay $0x1  }
0xa2: {  	s23 =	simm.s32 $0x1B8B  }
0xa3: {  	_ =	swait.ge [sflag:s23], $0x1  }
0xa4: {  	[sflag:s23] =	ssyncset.done $0x0  }
0xa5: {  	s25 =	simm.s32 $0x1B8E;
	s24 =	sld [smem:$0x3FFE];
	[sflag:s23] =	ssyncadd.s32 $0xFFFFFFFF  }
0xa6: {  	s26 =	simm.s32 $execute0_lowered;
	[smem:$0x3FD2] =	sst s25  }
0xa7: {  	s6 =	sshll.u32 s26, $0x1;
	_ =	strace $0x80000046;
	[dreg:$0x1] =	wrdreg $0xFFFFFFFF  }
0xa8: {  	s28 =	simm.s32 $_size_execute0_lowered;
	s4 =	sadd.s32 s4, s6;
	[dreg:$0x0] =	wrdreg $0x0  }
0xa9: {  	s6 =	sshll.u32 s28, $0x1;
	[dreg:$0x2] =	wrdreg s4  }
0xaa: {  	[dreg:$0x3] =	wrdreg s6  }
0xab: {  	[dreg:$0x4] =	wrdreg $0xC0  }
0xac: {  	_ =	task [dreg:s8], $0x5FFFF  }
0xad: {  	[dreg:$0x1] =	wrdreg $0xFFFFFFFF  }
0xae: {  	[dreg:$0x0] =	wrdreg $0x60  }
0xaf: {  	[dreg:$0x2] =	wrdreg s18  }
0xb0: {  	[dreg:$0x3] =	wrdreg s2  }
0xb1: {  	[dreg:$0x4] =	wrdreg s24  }
0xb2: {  	[dreg:$0x5] =	wrdreg $0xC8000  }
0xb3: {  	[dreg:$0x6] =	wrdreg $0x9  }
0xb4: {  	_ =	task.clear_ibuf [dreg:s8], $0x7FFFF;
	_ =	strace $0x90000046  }
0xb5: {  	s29 =	simm.s32 $0x9;
	_ =	strace $0x80000048  }
0xb6: {  	_ =	swait.ge [sflag:s29], $0x1  }
0xb7: {  	[sflag:s29] =	ssyncadd.s32 $0xFFFFFFFF  }
0xb8: {  	_ =	strace $0x90000048  }
0xb9: {  	_ =	sfence  }
0xba: {  	s30 =	sld [smem:$0x0];
	_ =	sdelay $0x2  }
0xbb: {  	s31 =	sshll.u32 s1, $0xD;
	s1 =	sshrl.u32 s1, $0x2  }
0xbc: {  	s3 =	sand.u32 $0x4000, s31;
	s1 =	sadd.s32 s1, s30  }
0xbd: {  	s0 =	sor.u32 s3, s0;
	s1 =	sshll.u32 s1, $0x11  }
0xbe: {  	s0 =	sor.u32 s1, s0  }
0xbf: {  	s0 =	sadd.s32 $0x8F2B, s0  }
0xc0: {  	[sflag:s0] =	ssyncadd.remote.s32 $0x1  }
0xc1: {  	_ =	sfence.sel $0xFFFF  }
0xc2: {  	[dreg:$0x0] =	wrdreg $0xFFFFFFFF;
	(pc) =	sbr.abs _section_cstart, $3  }
0xc3: {  	[dreg:$0x1] =	wrdreg $0xFFFFFFFF  }
0xc4: {  	_ =	task.clear_ibuf [dreg:s8], $0x2FFFF;
	_ =	strace $0x9FFFFFFF  }
0xc5: {  	(tm) =	ssettm $0x7FFFFFFF  }
tec
execute0_lowered:
.L_overlay_start_1:
0x0: {  	(tag) =	ssettag $0x1  }
0x1: {  	s2 =	rddreg [dreg:$0x0]  }
0x2: {  	s0 =	srdreg.scid;
	s3 =	rddreg [dreg:$0x1]  }
0x3: {  	s16 =	stileid.u32;
	s5 =	rddreg [dreg:$0x2];
	s0 =	sand.u32 $0x1, s0  }
0x4: {  	s1 =	sshll.u32 s16, $0x1;
	s6 =	smul.u32 $0x2710, s16;
	s5 =	sadd.s32 $0x400, s5  }
0x5: {  	p0 =	sgt.u32 s16, $0x3;
	s4 =	sor.u32 s0, s1;
	s1 =	simm.s32 $0x0  }
0x6: {  	s0 =	ssub.s32 $0x2, s0;
	s4 =	smul.u32 $0x19000, s4;
	[smem:$0x7FF] =	sst s1  }
0x7: {  	s7 =	sshrl.u32 s0, $0x1;
	s14 =	sshrl.u32 s6, $0x3;
	s9 =	sadd.s32 $0x4E200, s6  }
0x8: {  	s7 =	ssub.s32 s0, s7;
	s0 =	sadd.s32 s3, s14;
	s11 =	sshrl.u32 s9, $0x3  }
0x9: {  	s4 =	sshrl.u32 s4, $0x3;
	[dreg:$0x6] =	wrdreg s0;
	s0 =	sadd.s32 $0x27100, s6  }
0xa: {  	s15 =	sadd.s32 s3, s11;
	s11 =	sadd.s32 $0xC3500, s6;
	s8 =	sadd.s32 $0x640, s4  }
0xb: {  	s10 =	sshrl.u32 s0, $0x3;
	[dreg:$0x8] =	wrdreg s15;
	s13 =	sadd.s32 s2, s8  }
0xc: {  	s14 =	sshrl.u32 s11, $0x3;
	s10 =	sadd.s32 s3, s10;
	[dreg:$0x5] =	wrdreg s13  }
0xd: {  	s20 =	sadd.s32 $0xC80, s4;
	s18 =	sadd.s32 s3, s14;
	[dreg:$0x7] =	wrdreg s10  }
0xe: {  	s12 =	sadd.s32 $0x75300, s6;
	s22 =	sadd.s32 s2, s20;
	[dreg:$0xb] =	wrdreg s18  }
0xf: {  	s21 =	sadd.s32 $0x12C0, s4;
	s8 =	sadd.s32 s5, s8;
	[dreg:$0xd] =	wrdreg s22  }
0x10: {  	s17 =	sshrl.u32 s12, $0x3;
	s23 =	sadd.s32 s2, s21;
	[dreg:$0xe] =	wrdreg s8  }
0x11: {  	s25 =	sadd.s32 $0x1900, s4;
	s24 =	sadd.s32 s5, s21;
	[dreg:$0xf] =	wrdreg s23  }
0x12: {  	s15 =	sadd.s32 $0xEA600, s6;
	s26 =	sadd.s32 s2, s25;
	[dreg:$0x11] =	wrdreg s24  }
0x13: {  	s19 =	sshrl.u32 s15, $0x3;
	s14 =	sadd.s32 $0x2580, s4;
	[dreg:$0x12] =	wrdreg s26  }
0x14: {  	s10 =	sadd.s32 s3, s17;
	s22 =	sadd.s32 s2, s14;
	s24 =	rddreg [dreg:$0x3]  }
0x15: {  	s8 =	simm.s32 $0x4;
	[dreg:$0x9] =	wrdreg s10;
	s10 =	sadd.s32 $0x9C400, s6  }
0x16: {  	s28 =	sadd.s32 s6, s24;
	s29 =	sadd.s32 s0, s24;
	s30 =	sadd.s32 s9, s24  }
0x17: {  	s31 =	sadd.s32 s12, s24;
	s0 =	sadd.s32 s11, s24;
	s15 =	sadd.s32 s15, s24  }
0x18: {  	s6 =	simm.s32 $0x3;
	s9 =	simm.s32 $0x1;
	s13 =	sshrl.u32 s10, $0x3  }
0x19: {  	s11 =	simm.s32 $0x5;
	s12 =	simm.s32 $0x6;
	s13 =	sadd.s32 s3, s13  }
0x1a: {  	s21 =	sadd.s32 s10, s24;
	s3 =	sadd.s32 s3, s19;
	[dreg:$0xa] =	wrdreg s13  }
0x1b: {  	s10 =	simm.s32 $0x2;
	s19 =	sadd.s32 s2, s4;
	[dreg:$0xc] =	wrdreg s3  }
0x1c: {  	s3 =	sadd.s32 s5, s20;
	s13 =	sadd.s32 $0x1F40, s4;
	s20 =	sadd.s32 s5, s4  }
0x1d: {  	s4 =	sadd.s32 $0x2BC0, s4;
	[dreg:$0x10] =	wrdreg s3;
	s3 =	sadd.s32 s5, s25  }
.Ltmp0:
0x1e: {  	s17 =	sadd.s32 s2, s13;
	s18 =	sadd.s32 s5, s13;
	(pc) =	sbr.rel .LBB2_1-.Ltmp0, $4  }
0x1f: {  	s23 =	sadd.s32 s2, s4;
	s25 =	sadd.s32 s5, s14;
	s26 =	sadd.s32 s5, s4  }
0x20: {  	s2 =	smax.u32 s7, $0x1;
	s4 =	simm.s32 $0x6400;
	s5 =	simm.s32 $0x9600  }
0x21: {  	s7 =	simm.s32 $0x7;
	s13 =	simm.s32 $0x0;
	[dreg:$0x13] =	wrdreg s3  }
0x22: {  	s3 =	simm.s32 $0x3200;
	_ =	strace $0x80000047;
	[dreg:$0x14] =	wrdreg s15  }
.LBB2_16:
0x23: {  	[tilespmem:s14+$0xFFFFFFD0] =	vst v6;
	v5 =	vsel vm1, v5, v7;
	vm11 =	vge.f32 v4, $1.000000000e+00;
	v58 =	vpop (erf)  }
0x24: {  	vm12 =	vge.f32 v3, $1.000000000e+00;
	[tilespmem:s14+$0xFFFFFFE0] =	vst v5;
	v4 =	vsel vm11, v4, v58;
	v59 =	vpop (erf)  }
0x25: {  	vm13 =	vge.f32 v1, $1.000000000e+00;
	[tilespmem:s14+$0x0] =	vst v4;
	v3 =	vsel vm12, v3, v59;
	v60 =	vpop (erf)  }
0x26: {  	vm14 =	vge.f32 v0, $1.000000000e+00;
	[tilespmem:s14+$0x10] =	vst v3;
	v1 =	vsel vm13, v1, v60;
	v61 =	vpop (erf)  }
0x27: {  	[tilespmem:s14+$0x20] =	vst v1;
	v0 =	vsel vm14, v0, v61;
	v62 =	vpop (erf)  }
0x28: {  	v1 =	vsel vm0, v2, v62;
	[tilespmem:s14+$0x30] =	vst v0  }
0x29: {  	[tilespmem:s14+$0xFFFFFFF0] =	vst v1  }
0x2a: {  	v0 =	vld [tilespmem:$0x8B00];
	_ =	sdelay $0x4  }
0x2b: {  	v63 =	vadd.f32 $-1.000000000e+00, v0;
	_ =	sdelay $0x1  }
0x2c: {  	v1 =	vmul.f32 $1.442695020e+00, v63;
	_ =	sdelay $0x1  }
0x2d: {  	(erf) = vpow2.f32 v1;
	_ =	sdelay $0x8  }
0x2e: {  	vm15 =	vge.f32 v0, $1.000000000e+00;
	v1 =	vpop (erf)  }
0x2f: {  	v0 =	vsel vm15, v0, v1  }
0x30: {  	s16 =	rddreg [dreg:$0x14];
	[tilespmem:$0x8B00] =	vst v0  }
0x31: {  	[spmem:s16] =	stream.linear.scatter [tilespmem:s4], [sflag:$0x7], $0x2710, $0x38;
	[tilespmem:$0x1BC28] =	vst v63  }
0x32: {  	_ =	swait.ge [sflag:s7], $0x2710  }
0x33: {  	[sflag:s7] =	ssyncset.done $0x0  }
0x34: {  	[sflag:s7] =	ssyncadd.s32 $0xFFFFD8F0  }
.LBB2_17:
0x35: {  	[bflag:$0x0] =	sbarrier.arrive $0xFFFF  }
0x36: {  	_ =	swait.ge [sflag:s9], $0x3200  }
0x37: {  	[sflag:s9] =	ssyncset.done $0x0  }
0x38: {  	[sflag:s9] =	ssyncadd.s32 $0xFFFFCE00  }
0x39: {  	[tilespmem:s4], [sflag:$0x3] =	stream.indirect.gather [spmem:s24], $0x1, s1, s3, $0xb8;
	[tilespmem:$0x1BC28] =	vst v63  }
0x3a: {  	_ =	swait.ge [sflag:s10], $0x3200  }
0x3b: {  	[sflag:s10] =	ssyncset.done $0x0  }
0x3c: {  	[sflag:s10] =	ssyncadd.s32 $0xFFFFCE00  }
0x3d: {  	[tilespmem:s5], [sflag:$0x4] =	stream.indirect.gather [spmem:s24], $0x1, s3, s3, $0xb8;
	[tilespmem:$0x1BC28] =	vst v63  }
0x3e: {  	_ =	swait.ge [sflag:s6], $0x3200  }
0x3f: {  	[sflag:s6] =	ssyncset.done $0x0  }
0x40: {  	[sflag:s6] =	ssyncadd.s32 $0xFFFFCE00  }
0x41: {  	[hbm4b:s20+s1] =	stream.linear.scatter [tilespmem:s4], [sflag:$0x5], $0x3200, $0x38;
	[tilespmem:$0x1BC28] =	vst v63  }
0x42: {  	s14 =	rddreg [dreg:$0xd]  }
0x43: {  	[tilespmem:s1], [sflag:$0x1] =	stream.linear.gather [hbm4b:s14+s1], $0x3200, $0x38;
	[tilespmem:$0x1BC28] =	vst v63  }
0x44: {  	_ =	swait.ge [sflag:s9], $0x3200  }
0x45: {  	[sflag:s9] =	ssyncset.done $0x0  }
0x46: {  	[sflag:s9] =	ssyncadd.s32 $0xFFFFCE00  }
0x47: {  	_ =	swait.ge [sflag:s11], $0x3200  }
0x48: {  	[sflag:s11] =	ssyncset.done $0x0  }
0x49: {  	[sflag:s11] =	ssyncadd.s32 $0xFFFFCE00  }
0x4a: {  	[tilespmem:s4], [sflag:$0x3] =	stream.indirect.gather [spmem:s24], $0x1, s1, s3, $0xb8;
	[tilespmem:$0x1BC28] =	vst v63  }
0x4b: {  	_ =	swait.ge [sflag:s8], $0x3200  }
0x4c: {  	[sflag:s8] =	ssyncset.done $0x0  }
0x4d: {  	s15 =	rddreg [dreg:$0xe];
	[sflag:s8] =	ssyncadd.s32 $0xFFFFCE00  }
0x4e: {  	[hbm4b:s15+s1] =	stream.linear.scatter [tilespmem:s5], [sflag:$0x6], $0x3200, $0x38;
	[tilespmem:$0x1BC28] =	vst v63  }
0x4f: {  	s16 =	rddreg [dreg:$0xf]  }
0x50: {  	[tilespmem:s3], [sflag:$0x2] =	stream.linear.gather [hbm4b:s16+s1], $0x3200, $0x38;
	[tilespmem:$0x1BC28] =	vst v63  }
0x51: {  	_ =	swait.ge [sflag:s10], $0x3200  }
0x52: {  	[sflag:s10] =	ssyncset.done $0x0  }
0x53: {  	[sflag:s10] =	ssyncadd.s32 $0xFFFFCE00  }
0x54: {  	_ =	swait.ge [sflag:s12], $0x3200  }
0x55: {  	[sflag:s12] =	ssyncset.done $0x0  }
0x56: {  	[sflag:s12] =	ssyncadd.s32 $0xFFFFCE00  }
0x57: {  	[tilespmem:s5], [sflag:$0x4] =	stream.indirect.gather [spmem:s24], $0x1, s3, s3, $0xb8;
	[tilespmem:$0x1BC28] =	vst v63  }
0x58: {  	_ =	swait.ge [sflag:s6], $0x3200  }
0x59: {  	[sflag:s6] =	ssyncset.done $0x0  }
0x5a: {  	s15 =	rddreg [dreg:$0x10];
	[sflag:s6] =	ssyncadd.s32 $0xFFFFCE00  }
0x5b: {  	[hbm4b:s15+s1] =	stream.linear.scatter [tilespmem:s4], [sflag:$0x5], $0x3200, $0x38;
	[tilespmem:$0x1BC28] =	vst v63  }
0x5c: {  	s16 =	rddreg [dreg:$0x12]  }
0x5d: {  	[tilespmem:s1], [sflag:$0x1] =	stream.linear.gather [hbm4b:s16+s1], $0x3200, $0x38;
	[tilespmem:$0x1BC28] =	vst v63  }
0x5e: {  	_ =	swait.ge [sflag:s9], $0x3200  }
0x5f: {  	[sflag:s9] =	ssyncset.done $0x0  }
0x60: {  	[sflag:s9] =	ssyncadd.s32 $0xFFFFCE00  }
0x61: {  	_ =	swait.ge [sflag:s11], $0x3200  }
0x62: {  	[sflag:s11] =	ssyncset.done $0x0  }
0x63: {  	[sflag:s11] =	ssyncadd.s32 $0xFFFFCE00  }
0x64: {  	[tilespmem:s4], [sflag:$0x3] =	stream.indirect.gather [spmem:s24], $0x1, s1, s3, $0xb8;
	[tilespmem:$0x1BC28] =	vst v63  }
0x65: {  	_ =	swait.ge [sflag:s8], $0x3200  }
0x66: {  	[sflag:s8] =	ssyncset.done $0x0  }
0x67: {  	s15 =	rddreg [dreg:$0x11];
	[sflag:s8] =	ssyncadd.s32 $0xFFFFCE00  }
0x68: {  	[hbm4b:s15+s1] =	stream.linear.scatter [tilespmem:s5], [sflag:$0x6], $0x3200, $0x38;
	[tilespmem:$0x1BC28] =	vst v63  }
0x69: {  	_ = 	snop  }
0x6a: {  	[tilespmem:s3], [sflag:$0x2] =	stream.linear.gather [hbm4b:s17+s1], $0x3200, $0x38;
	[tilespmem:$0x1BC28] =	vst v63  }
0x6b: {  	_ =	swait.ge [sflag:s10], $0x3200  }
0x6c: {  	[sflag:s10] =	ssyncset.done $0x0  }
0x6d: {  	[sflag:s10] =	ssyncadd.s32 $0xFFFFCE00  }
0x6e: {  	_ =	swait.ge [sflag:s12], $0x3200  }
0x6f: {  	[sflag:s12] =	ssyncset.done $0x0  }
0x70: {  	[sflag:s12] =	ssyncadd.s32 $0xFFFFCE00  }
0x71: {  	[tilespmem:s5], [sflag:$0x4] =	stream.indirect.gather [spmem:s24], $0x1, s3, s3, $0xb8;
	[tilespmem:$0x1BC28] =	vst v63  }
0x72: {  	_ =	swait.ge [sflag:s6], $0x3200  }
0x73: {  	[sflag:s6] =	ssyncset.done $0x0  }
0x74: {  	s16 =	rddreg [dreg:$0x13];
	[sflag:s6] =	ssyncadd.s32 $0xFFFFCE00  }
0x75: {  	[hbm4b:s16+s1] =	stream.linear.scatter [tilespmem:s4], [sflag:$0x5], $0x3200, $0x38;
	[tilespmem:$0x1BC28] =	vst v63  }
0x76: {  	_ = 	snop  }
0x77: {  	[tilespmem:s1], [sflag:$0x1] =	stream.linear.gather [hbm4b:s22+s1], $0x3200, $0x38;
	[tilespmem:$0x1BC28] =	vst v63  }
0x78: {  	_ =	swait.ge [sflag:s9], $0x3200  }
0x79: {  	[sflag:s9] =	ssyncset.done $0x0  }
0x7a: {  	[sflag:s9] =	ssyncadd.s32 $0xFFFFCE00  }
0x7b: {  	_ =	swait.ge [sflag:s11], $0x3200  }
0x7c: {  	[sflag:s11] =	ssyncset.done $0x0  }
0x7d: {  	[sflag:s11] =	ssyncadd.s32 $0xFFFFCE00  }
0x7e: {  	[tilespmem:s4], [sflag:$0x3] =	stream.indirect.gather [spmem:s24], $0x1, s1, s3, $0xb8;
	[tilespmem:$0x1BC28] =	vst v63  }
0x7f: {  	_ =	swait.ge [sflag:s8], $0x3200  }
0x80: {  	[sflag:s8] =	ssyncset.done $0x0  }
0x81: {  	[sflag:s8] =	ssyncadd.s32 $0xFFFFCE00  }
0x82: {  	[hbm4b:s18+s1] =	stream.linear.scatter [tilespmem:s5], [sflag:$0x6], $0x3200, $0x38;
	[tilespmem:$0x1BC28] =	vst v63  }
0x83: {  	_ = 	snop  }
0x84: {  	[tilespmem:s3], [sflag:$0x2] =	stream.linear.gather [hbm4b:s23+s1], $0x3200, $0x38;
	[tilespmem:$0x1BC28] =	vst v63  }
0x85: {  	_ =	swait.ge [sflag:s10], $0x3200  }
0x86: {  	[sflag:s10] =	ssyncset.done $0x0  }
0x87: {  	[sflag:s10] =	ssyncadd.s32 $0xFFFFCE00  }
0x88: {  	_ =	swait.ge [sflag:s12], $0x3200  }
0x89: {  	[sflag:s12] =	ssyncset.done $0x0  }
0x8a: {  	[sflag:s12] =	ssyncadd.s32 $0xFFFFCE00  }
0x8b: {  	[tilespmem:s5], [sflag:$0x4] =	stream.indirect.gather [spmem:s24], $0x1, s3, s3, $0xb8;
	[tilespmem:$0x1BC28] =	vst v63  }
0x8c: {  	_ =	swait.ge [sflag:s6], $0x3200  }
0x8d: {  	[sflag:s6] =	ssyncset.done $0x0  }
0x8e: {  	[sflag:s6] =	ssyncadd.s32 $0xFFFFCE00  }
0x8f: {  	[hbm4b:s25+s1] =	stream.linear.scatter [tilespmem:s4], [sflag:$0x5], $0x3200, $0x38;
	[tilespmem:$0x1BC28] =	vst v63  }
0x90: {  	_ =	swait.ge [sflag:s8], $0x3200  }
0x91: {  	[sflag:s8] =	ssyncset.done $0x0  }
0x92: {  	s13 =	sadd.s32 $0x1, s13;
	[sflag:s8] =	ssyncadd.s32 $0xFFFFCE00  }
0x93: {  	[hbm4b:s26+s1] =	stream.linear.scatter [tilespmem:s5], [sflag:$0x6], $0x3200, $0x38;
	[tilespmem:$0x1BC28] =	vst v63  }
0x94: {  	p1 =	sne.s32 s13, s2;
	_ =	swait.ge [sflag:s11], $0x3200  }
.Ltmp1:
0x95: {  	[sflag:s11] =	ssyncset.done $0x0;
	(pc) =	sbr.rel @!p1 .LBB2_18-.Ltmp1, $4  }
0x96: {  	[sflag:s11] =	ssyncadd.s32 $0xFFFFCE00  }
0x97: {  	_ =	swait.ge [sflag:s12], $0x3200  }
0x98: {  	[sflag:s12] =	ssyncset.done $0x0  }
0x99: {  	[sflag:s12] =	ssyncadd.s32 $0xFFFFCE00  }
.LBB2_1:
0x9a: {  	[tilespmem:s1], [sflag:$0x1] =	stream.linear.gather [hbm4b:s19+s1], $0x3200, $0x38;
	[tilespmem:$0x1BC28] =	vst v63  }
0x9b: {  	s14 =	rddreg [dreg:$0x5]  }
0x9c: {  	[tilespmem:s3], [sflag:$0x2] =	stream.linear.gather [hbm4b:s14+s1], $0x3200, $0x38;
	[tilespmem:$0x1BC28] =	vst v63  }
0x9d: {  	s15 =	rddreg [dreg:$0x6]  }
0x9e: {  	[tilespmem:s4], [sflag:$0x3] =	stream.linear.gather [hbm4b:s15+s1], $0x2710, $0x38;
	[tilespmem:$0x1BC28] =	vst v63  }
0x9f: {  	s16 =	rddreg [dreg:$0x7]  }
0xa0: {  	[tilespmem:s5], [sflag:$0x4] =	stream.linear.gather [hbm4b:s16+s1], $0x2710, $0x38;
	[tilespmem:$0x1BC28] =	vst v63  }
0xa1: {  	_ =	swait.ge [sflag:s6], $0x2710  }
0xa2: {  	[sflag:s6] =	ssyncset.done $0x0  }
0xa3: {  	s14 =	simm.s32 $0x6440;
	[sflag:s6] =	ssyncadd.s32 $0xFFFFD8F0  }
0xa4: {  	v6 =	vld [tilespmem:s14+$0xFFFFFFC0]  }
0xa5: {  	v7 =	vld [tilespmem:s14+$0xFFFFFFD0];
	_ =	sdelay $0x1  }
0xa6: {  	v5 =	vld [tilespmem:s14+$0xFFFFFFE0];
	_ =	sdelay $0x1  }
0xa7: {  	v0 =	vadd.f32 $-1.000000000e+00, v6  }
0xa8: {  	v4 =	vld [tilespmem:s14+$0x0];
	v1 =	vadd.f32 $-1.000000000e+00, v7  }
0xa9: {  	v3 =	vld [tilespmem:s14+$0x10];
	v0 =	vmul.f32 $1.442695020e+00, v0  }
0xaa: {  	v2 =	vadd.f32 $-1.000000000e+00, v5;
	v8 =	vmul.f32 $1.442695020e+00, v1;
	v1 =	vld [tilespmem:s14+$0x20]  }
0xab: {  	(erf) = vpow2.f32 v0;
	v0 =	vld [tilespmem:s14+$0x30]  }
0xac: {  	v9 =	vmul.f32 $1.442695020e+00, v2;
	v2 =	vld [tilespmem:s14+$0xFFFFFFF0]  }
0xad: {  	(erf) = vpow2.f32 v8;
	v8 =	vadd.f32 $-1.000000000e+00, v4  }
0xae: {  	v61 =	vadd.f32 $-1.000000000e+00, v3  }
0xaf: {  	v8 =	vmul.f32 $1.442695020e+00, v8;
	v10 =	vadd.f32 $-1.000000000e+00, v1  }
0xb0: {  	(erf) = vpow2.f32 v9;
	v9 =	vmul.f32 $1.442695020e+00, v61;
	v11 =	vadd.f32 $-1.000000000e+00, v0  }
0xb1: {  	v12 =	vadd.f32 $-1.000000000e+00, v2;
	v10 =	vmul.f32 $1.442695020e+00, v10;
	(erf) = vpow2.f32 v8  }
0xb2: {  	(erf) = vpow2.f32 v9;
	v8 =	vmul.f32 $1.442695020e+00, v11  }
0xb3: {  	v62 =	vmul.f32 $1.442695020e+00, v12;
	(erf) = vpow2.f32 v10  }
0xb4: {  	(erf) = vpow2.f32 v8  }
0xb5: {  	v63 =	vpop (erf);
	(erf) = vpow2.f32 v62;
	_ =	sdelay $0x1  }
0xb6: {  	vm1 =	vge.f32 v6, $1.000000000e+00  }
0xb7: {  	v6 =	vsel vm1, v6, v63;
	vm1 =	vge.f32 v7, $1.000000000e+00;
	v8 =	vpop (erf)  }
0xb8: {  	s15 =	simm.s32 $0x0;
	s16 =	simm.s32 $0x64C0;
	vm0 =	vge.f32 v2, $1.000000000e+00;
	[tilespmem:s14+$0xFFFFFFC0] =	vst v6;
	v6 =	vsel vm1, v7, v8;
	vm1 =	vge.f32 v5, $1.000000000e+00;
	v7 =	vpop (erf)  }
.LBB2_2:
0xb9: {  	v8 =	vld [tilespmem:s16+$0xFFFFFFC0];
	[tilespmem:s14+$0xFFFFFFD0] =	vst v6;
	v5 =	vsel vm1, v5, v7;
	vm1 =	vge.f32 v4, $1.000000000e+00;
	v6 =	vpop (erf)  }
0xba: {  	v7 =	vld [tilespmem:s16+$0xFFFFFFD0];
	[tilespmem:s14+$0xFFFFFFE0] =	vst v5;
	v4 =	vsel vm1, v4, v6;
	vm1 =	vge.f32 v3, $1.000000000e+00;
	v6 =	vpop (erf)  }
0xbb: {  	v5 =	vld [tilespmem:s16+$0xFFFFFFE0];
	[tilespmem:s14+$0x0] =	vst v4;
	v3 =	vsel vm1, v3, v6;
	vm1 =	vge.f32 v1, $1.000000000e+00;
	v6 =	vpop (erf)  }
0xbc: {  	v4 =	vld [tilespmem:s16+$0x0];
	[tilespmem:s14+$0x10] =	vst v3;
	v1 =	vsel vm1, v1, v6;
	vm1 =	vge.f32 v0, $1.000000000e+00;
	v6 =	vpop (erf)  }
0xbd: {  	v3 =	vld [tilespmem:s16+$0x10];
	[tilespmem:s14+$0x20] =	vst v1;
	v0 =	vsel vm1, v0, v6;
	v6 =	vpop (erf)  }
0xbe: {  	v9 =	vadd.f32 $-1.000000000e+00, v8;
	v1 =	vld [tilespmem:s16+$0x20];
	v2 =	vsel vm0, v2, v6;
	[tilespmem:s14+$0x30] =	vst v0  }
0xbf: {  	s15 =	sadd.s32 $0x8, s15;
	v6 =	vadd.f32 $-1.000000000e+00, v7;
	v0 =	vld [tilespmem:s16+$0x30];
	[tilespmem:s14+$0xFFFFFFF0] =	vst v2;
	s14 =	smov.u32 s16  }
0xc0: {  	p1 =	slt.u32 s15, $0x268;
	v9 =	vmul.f32 $1.442695020e+00, v9;
	v10 =	vadd.f32 $-1.000000000e+00, v5;
	v2 =	vld [tilespmem:s16+$0xFFFFFFF0]  }
0xc1: {  	v6 =	vmul.f32 $1.442695020e+00, v6;
	v11 =	vadd.f32 $-1.000000000e+00, v4  }
0xc2: {  	v10 =	vmul.f32 $1.442695020e+00, v10;
	v12 =	vadd.f32 $-1.000000000e+00, v3;
	(erf) = vpow2.f32 v9  }
0xc3: {  	v9 =	vmul.f32 $1.442695020e+00, v11;
	v11 =	vadd.f32 $-1.000000000e+00, v1;
	(erf) = vpow2.f32 v6  }
0xc4: {  	v6 =	vmul.f32 $1.442695020e+00, v12;
	v12 =	vadd.f32 $-1.000000000e+00, v0;
	(erf) = vpow2.f32 v10  }
0xc5: {  	v10 =	vadd.f32 $-1.000000000e+00, v2;
	v11 =	vmul.f32 $1.442695020e+00, v11;
	(erf) = vpow2.f32 v9  }
0xc6: {  	vm0 =	vge.f32 v2, $1.000000000e+00;
	v9 =	vmul.f32 $1.442695020e+00, v12;
	(erf) = vpow2.f32 v6  }
0xc7: {  	v6 =	vmul.f32 $1.442695020e+00, v10;
	(erf) = vpow2.f32 v11  }
0xc8: {  	(erf) = vpow2.f32 v9  }
.Ltmp2:
0xc9: {  	(erf) = vpow2.f32 v6;
	(pc) =	sbr.rel @p1 .LBB2_2-.Ltmp2, $4  }
0xca: {  	_ = 	snop  }
0xcb: {  	vm1 =	vge.f32 v8, $1.000000000e+00;
	v6 =	vpop (erf)  }
0xcc: {  	v6 =	vsel vm1, v8, v6;
	vm1 =	vge.f32 v7, $1.000000000e+00;
	v8 =	vpop (erf)  }
0xcd: {  	s16 =	sadd.s32 $0x80, s16;
	[tilespmem:s14+$0xFFFFFFC0] =	vst v6;
	v6 =	vsel vm1, v7, v8;
	vm1 =	vge.f32 v5, $1.000000000e+00;
	v7 =	vpop (erf)  }
0xce: {  	[tilespmem:s14+$0xFFFFFFD0] =	vst v6;
	v5 =	vsel vm1, v5, v7;
	vm1 =	vge.f32 v4, $1.000000000e+00;
	v6 =	vpop (erf)  }
0xcf: {  	v4 =	vsel vm1, v4, v6;
	_ =	sdelay $0x1  }
0xd0: {  	[tilespmem:s14+$0xFFFFFFE0] =	vst v5;
	vm1 =	vge.f32 v3, $1.000000000e+00;
	v5 =	vpop (erf)  }
0xd1: {  	[tilespmem:s14+$0x0] =	vst v4;
	v3 =	vsel vm1, v3, v5;
	vm1 =	vge.f32 v1, $1.000000000e+00;
	v4 =	vpop (erf)  }
0xd2: {  	v1 =	vsel vm1, v1, v4;
	_ =	sdelay $0x1  }
0xd3: {  	[tilespmem:s14+$0x10] =	vst v3;
	vm1 =	vge.f32 v0, $1.000000000e+00;
	v3 =	vpop (erf)  }
0xd4: {  	[tilespmem:s14+$0x20] =	vst v1;
	v0 =	vsel vm1, v0, v3;
	v1 =	vpop (erf)  }
0xd5: {  	v1 =	vsel vm0, v2, v1;
	[tilespmem:s14+$0x30] =	vst v0  }
0xd6: {  	[tilespmem:s14+$0xFFFFFFF0] =	vst v1  }
0xd7: {  	v0 =	vld [tilespmem:$0x8B00];
	_ =	sdelay $0x4  }
0xd8: {  	v1 =	vadd.f32 $-1.000000000e+00, v0;
	_ =	sdelay $0x1  }
0xd9: {  	v1 =	vmul.f32 $1.442695020e+00, v1;
	_ =	sdelay $0x1  }
0xda: {  	(erf) = vpow2.f32 v1;
	_ =	sdelay $0x8  }
0xdb: {  	vm0 =	vge.f32 v0, $1.000000000e+00;
	v1 =	vpop (erf)  }
0xdc: {  	v0 =	vsel vm0, v0, v1  }
0xdd: {  	[tilespmem:$0x8B00] =	vst v0  }
0xde: {  	[spmem:s28] =	stream.linear.scatter [tilespmem:s4], [sflag:$0x7], $0x2710, $0x38;
	[tilespmem:$0x1BC28] =	vst v63  }
0xdf: {  	_ =	swait.ge [sflag:s7], $0x2710  }
0xe0: {  	[sflag:s7] =	ssyncset.done $0x0  }
0xe1: {  	s16 =	rddreg [dreg:$0x8];
	[sflag:s7] =	ssyncadd.s32 $0xFFFFD8F0  }
0xe2: {  	[tilespmem:s4], [sflag:$0x3] =	stream.linear.gather [hbm4b:s16+s1], $0x2710, $0x38;
	[tilespmem:$0x1BC28] =	vst v63  }
0xe3: {  	_ =	swait.ge [sflag:s8], $0x2710  }
0xe4: {  	[sflag:s8] =	ssyncset.done $0x0  }
0xe5: {  	s14 =	simm.s32 $0x9640;
	[sflag:s8] =	ssyncadd.s32 $0xFFFFD8F0  }
0xe6: {  	v6 =	vld [tilespmem:s14+$0xFFFFFFC0]  }
0xe7: {  	v7 =	vld [tilespmem:s14+$0xFFFFFFD0];
	_ =	sdelay $0x1  }
0xe8: {  	v5 =	vld [tilespmem:s14+$0xFFFFFFE0];
	_ =	sdelay $0x1  }
0xe9: {  	v0 =	vadd.f32 $-1.000000000e+00, v6  }
0xea: {  	v4 =	vld [tilespmem:s14+$0x0];
	v1 =	vadd.f32 $-1.000000000e+00, v7  }
0xeb: {  	v3 =	vld [tilespmem:s14+$0x10];
	v0 =	vmul.f32 $1.442695020e+00, v0  }
0xec: {  	v2 =	vadd.f32 $-1.000000000e+00, v5;
	v8 =	vmul.f32 $1.442695020e+00, v1;
	v1 =	vld [tilespmem:s14+$0x20]  }
0xed: {  	(erf) = vpow2.f32 v0;
	v0 =	vld [tilespmem:s14+$0x30]  }
0xee: {  	v9 =	vmul.f32 $1.442695020e+00, v2;
	v2 =	vld [tilespmem:s14+$0xFFFFFFF0]  }
0xef: {  	(erf) = vpow2.f32 v8;
	v8 =	vadd.f32 $-1.000000000e+00, v4  }
0xf0: {  	v61 =	vadd.f32 $-1.000000000e+00, v3  }
0xf1: {  	v8 =	vmul.f32 $1.442695020e+00, v8;
	v10 =	vadd.f32 $-1.000000000e+00, v1  }
0xf2: {  	(erf) = vpow2.f32 v9;
	v9 =	vmul.f32 $1.442695020e+00, v61;
	v11 =	vadd.f32 $-1.000000000e+00, v0  }
0xf3: {  	v12 =	vadd.f32 $-1.000000000e+00, v2;
	v10 =	vmul.f32 $1.442695020e+00, v10;
	(erf) = vpow2.f32 v8  }
0xf4: {  	(erf) = vpow2.f32 v9;
	v8 =	vmul.f32 $1.442695020e+00, v11  }
0xf5: {  	v62 =	vmul.f32 $1.442695020e+00, v12;
	(erf) = vpow2.f32 v10  }
0xf6: {  	v63 =	vpop (erf);
	(erf) = vpow2.f32 v8  }
0xf7: {  	(erf) = vpow2.f32 v62;
	_ =	sdelay $0x1  }
0xf8: {  	vm1 =	vge.f32 v6, $1.000000000e+00  }
0xf9: {  	v6 =	vsel vm1, v6, v63;
	vm1 =	vge.f32 v7, $1.000000000e+00;
	v8 =	vpop (erf)  }
0xfa: {  	s15 =	simm.s32 $0x0;
	s16 =	simm.s32 $0x96C0;
	vm0 =	vge.f32 v2, $1.000000000e+00;
	[tilespmem:s14+$0xFFFFFFC0] =	vst v6;
	v6 =	vsel vm1, v7, v8;
	vm1 =	vge.f32 v5, $1.000000000e+00;
	v7 =	vpop (erf)  }
.LBB2_4:
0xfb: {  	v8 =	vld [tilespmem:s16+$0xFFFFFFC0];
	[tilespmem:s14+$0xFFFFFFD0] =	vst v6;
	v5 =	vsel vm1, v5, v7;
	vm1 =	vge.f32 v4, $1.000000000e+00;
	v6 =	vpop (erf)  }
0xfc: {  	v7 =	vld [tilespmem:s16+$0xFFFFFFD0];
	[tilespmem:s14+$0xFFFFFFE0] =	vst v5;
	v4 =	vsel vm1, v4, v6;
	vm1 =	vge.f32 v3, $1.000000000e+00;
	v6 =	vpop (erf)  }
0xfd: {  	v5 =	vld [tilespmem:s16+$0xFFFFFFE0];
	[tilespmem:s14+$0x0] =	vst v4;
	v3 =	vsel vm1, v3, v6;
	vm1 =	vge.f32 v1, $1.000000000e+00;
	v6 =	vpop (erf)  }
0xfe: {  	v4 =	vld [tilespmem:s16+$0x0];
	[tilespmem:s14+$0x10] =	vst v3;
	v1 =	vsel vm1, v1, v6;
	vm1 =	vge.f32 v0, $1.000000000e+00;
	v6 =	vpop (erf)  }
0xff: {  	v3 =	vld [tilespmem:s16+$0x10];
	[tilespmem:s14+$0x20] =	vst v1;
	v0 =	vsel vm1, v0, v6;
	v6 =	vpop (erf)  }
0x100: {  	v9 =	vadd.f32 $-1.000000000e+00, v8;
	v1 =	vld [tilespmem:s16+$0x20];
	v2 =	vsel vm0, v2, v6;
	[tilespmem:s14+$0x30] =	vst v0  }
0x101: {  	s15 =	sadd.s32 $0x8, s15;
	v6 =	vadd.f32 $-1.000000000e+00, v7;
	v0 =	vld [tilespmem:s16+$0x30];
	[tilespmem:s14+$0xFFFFFFF0] =	vst v2;
	s14 =	smov.u32 s16  }
0x102: {  	p1 =	slt.u32 s15, $0x268;
	v9 =	vmul.f32 $1.442695020e+00, v9;
	v10 =	vadd.f32 $-1.000000000e+00, v5;
	v2 =	vld [tilespmem:s16+$0xFFFFFFF0]  }
0x103: {  	v6 =	vmul.f32 $1.442695020e+00, v6;
	v11 =	vadd.f32 $-1.000000000e+00, v4  }
0x104: {  	v10 =	vmul.f32 $1.442695020e+00, v10;
	v12 =	vadd.f32 $-1.000000000e+00, v3;
	(erf) = vpow2.f32 v9  }
0x105: {  	v9 =	vmul.f32 $1.442695020e+00, v11;
	v11 =	vadd.f32 $-1.000000000e+00, v1;
	(erf) = vpow2.f32 v6  }
0x106: {  	v6 =	vmul.f32 $1.442695020e+00, v12;
	v12 =	vadd.f32 $-1.000000000e+00, v0;
	(erf) = vpow2.f32 v10  }
0x107: {  	v10 =	vadd.f32 $-1.000000000e+00, v2;
	v11 =	vmul.f32 $1.442695020e+00, v11;
	(erf) = vpow2.f32 v9  }
0x108: {  	vm0 =	vge.f32 v2, $1.000000000e+00;
	v9 =	vmul.f32 $1.442695020e+00, v12;
	(erf) = vpow2.f32 v6  }
0x109: {  	v6 =	vmul.f32 $1.442695020e+00, v10;
	(erf) = vpow2.f32 v11  }
0x10a: {  	(erf) = vpow2.f32 v9  }
.Ltmp3:
0x10b: {  	(erf) = vpow2.f32 v6;
	(pc) =	sbr.rel @p1 .LBB2_4-.Ltmp3, $4  }
0x10c: {  	_ = 	snop  }
0x10d: {  	vm1 =	vge.f32 v8, $1.000000000e+00;
	v6 =	vpop (erf)  }
0x10e: {  	v6 =	vsel vm1, v8, v6;
	vm1 =	vge.f32 v7, $1.000000000e+00;
	v8 =	vpop (erf)  }
0x10f: {  	s16 =	sadd.s32 $0x80, s16;
	[tilespmem:s14+$0xFFFFFFC0] =	vst v6;
	v6 =	vsel vm1, v7, v8;
	vm1 =	vge.f32 v5, $1.000000000e+00;
	v7 =	vpop (erf)  }
0x110: {  	[tilespmem:s14+$0xFFFFFFD0] =	vst v6;
	v5 =	vsel vm1, v5, v7;
	vm1 =	vge.f32 v4, $1.000000000e+00;
	v6 =	vpop (erf)  }
0x111: {  	v4 =	vsel vm1, v4, v6;
	_ =	sdelay $0x1  }
0x112: {  	[tilespmem:s14+$0xFFFFFFE0] =	vst v5;
	vm1 =	vge.f32 v3, $1.000000000e+00;
	v5 =	vpop (erf)  }
0x113: {  	[tilespmem:s14+$0x0] =	vst v4;
	v3 =	vsel vm1, v3, v5;
	vm1 =	vge.f32 v1, $1.000000000e+00;
	v4 =	vpop (erf)  }
0x114: {  	v1 =	vsel vm1, v1, v4;
	_ =	sdelay $0x1  }
0x115: {  	[tilespmem:s14+$0x10] =	vst v3;
	vm1 =	vge.f32 v0, $1.000000000e+00;
	v3 =	vpop (erf)  }
0x116: {  	[tilespmem:s14+$0x20] =	vst v1;
	v0 =	vsel vm1, v0, v3;
	v1 =	vpop (erf)  }
0x117: {  	v1 =	vsel vm0, v2, v1;
	[tilespmem:s14+$0x30] =	vst v0  }
0x118: {  	[tilespmem:s14+$0xFFFFFFF0] =	vst v1  }
0x119: {  	v0 =	vld [tilespmem:$0xBD00];
	_ =	sdelay $0x4  }
0x11a: {  	v1 =	vadd.f32 $-1.000000000e+00, v0;
	_ =	sdelay $0x1  }
0x11b: {  	v1 =	vmul.f32 $1.442695020e+00, v1;
	_ =	sdelay $0x1  }
0x11c: {  	(erf) = vpow2.f32 v1;
	_ =	sdelay $0x8  }
0x11d: {  	vm0 =	vge.f32 v0, $1.000000000e+00;
	v1 =	vpop (erf)  }
0x11e: {  	v0 =	vsel vm0, v0, v1  }
0x11f: {  	[tilespmem:$0xBD00] =	vst v0  }
0x120: {  	[spmem:s29] =	stream.linear.scatter [tilespmem:s5], [sflag:$0x7], $0x2710, $0x38;
	[tilespmem:$0x1BC28] =	vst v63  }
0x121: {  	_ =	swait.ge [sflag:s7], $0x2710  }
0x122: {  	[sflag:s7] =	ssyncset.done $0x0  }
0x123: {  	s16 =	rddreg [dreg:$0x9];
	[sflag:s7] =	ssyncadd.s32 $0xFFFFD8F0  }
0x124: {  	[tilespmem:s5], [sflag:$0x4] =	stream.linear.gather [hbm4b:s16+s1], $0x2710, $0x38;
	[tilespmem:$0x1BC28] =	vst v63  }
0x125: {  	_ =	swait.ge [sflag:s6], $0x2710  }
0x126: {  	[sflag:s6] =	ssyncset.done $0x0  }
0x127: {  	s14 =	simm.s32 $0x6440;
	[sflag:s6] =	ssyncadd.s32 $0xFFFFD8F0  }
0x128: {  	v6 =	vld [tilespmem:s14+$0xFFFFFFC0]  }
0x129: {  	v7 =	vld [tilespmem:s14+$0xFFFFFFD0];
	_ =	sdelay $0x1  }
0x12a: {  	v5 =	vld [tilespmem:s14+$0xFFFFFFE0];
	_ =	sdelay $0x1  }
0x12b: {  	v0 =	vadd.f32 $-1.000000000e+00, v6  }
0x12c: {  	v4 =	vld [tilespmem:s14+$0x0];
	v1 =	vadd.f32 $-1.000000000e+00, v7  }
0x12d: {  	v3 =	vld [tilespmem:s14+$0x10];
	v0 =	vmul.f32 $1.442695020e+00, v0  }
0x12e: {  	v2 =	vadd.f32 $-1.000000000e+00, v5;
	v8 =	vmul.f32 $1.442695020e+00, v1;
	v1 =	vld [tilespmem:s14+$0x20]  }
0x12f: {  	(erf) = vpow2.f32 v0;
	v0 =	vld [tilespmem:s14+$0x30]  }
0x130: {  	v9 =	vmul.f32 $1.442695020e+00, v2;
	v2 =	vld [tilespmem:s14+$0xFFFFFFF0]  }
0x131: {  	(erf) = vpow2.f32 v8;
	v8 =	vadd.f32 $-1.000000000e+00, v4  }
0x132: {  	v61 =	vadd.f32 $-1.000000000e+00, v3  }
0x133: {  	v8 =	vmul.f32 $1.442695020e+00, v8;
	v10 =	vadd.f32 $-1.000000000e+00, v1  }
0x134: {  	(erf) = vpow2.f32 v9;
	v9 =	vmul.f32 $1.442695020e+00, v61;
	v11 =	vadd.f32 $-1.000000000e+00, v0  }
0x135: {  	v12 =	vadd.f32 $-1.000000000e+00, v2;
	v10 =	vmul.f32 $1.442695020e+00, v10;
	(erf) = vpow2.f32 v8  }
0x136: {  	(erf) = vpow2.f32 v9;
	v8 =	vmul.f32 $1.442695020e+00, v11  }
0x137: {  	v62 =	vmul.f32 $1.442695020e+00, v12;
	(erf) = vpow2.f32 v10  }
0x138: {  	v63 =	vpop (erf);
	(erf) = vpow2.f32 v8  }
0x139: {  	(erf) = vpow2.f32 v62;
	_ =	sdelay $0x1  }
0x13a: {  	vm1 =	vge.f32 v6, $1.000000000e+00  }
0x13b: {  	v6 =	vsel vm1, v6, v63;
	vm1 =	vge.f32 v7, $1.000000000e+00;
	v8 =	vpop (erf)  }
0x13c: {  	s15 =	simm.s32 $0x0;
	s16 =	simm.s32 $0x64C0;
	vm0 =	vge.f32 v2, $1.000000000e+00;
	[tilespmem:s14+$0xFFFFFFC0] =	vst v6;
	v6 =	vsel vm1, v7, v8;
	vm1 =	vge.f32 v5, $1.000000000e+00;
	v7 =	vpop (erf)  }
.LBB2_6:
0x13d: {  	v8 =	vld [tilespmem:s16+$0xFFFFFFC0];
	[tilespmem:s14+$0xFFFFFFD0] =	vst v6;
	v5 =	vsel vm1, v5, v7;
	vm1 =	vge.f32 v4, $1.000000000e+00;
	v6 =	vpop (erf)  }
0x13e: {  	v7 =	vld [tilespmem:s16+$0xFFFFFFD0];
	[tilespmem:s14+$0xFFFFFFE0] =	vst v5;
	v4 =	vsel vm1, v4, v6;
	vm1 =	vge.f32 v3, $1.000000000e+00;
	v6 =	vpop (erf)  }
0x13f: {  	v5 =	vld [tilespmem:s16+$0xFFFFFFE0];
	[tilespmem:s14+$0x0] =	vst v4;
	v3 =	vsel vm1, v3, v6;
	vm1 =	vge.f32 v1, $1.000000000e+00;
	v6 =	vpop (erf)  }
0x140: {  	v4 =	vld [tilespmem:s16+$0x0];
	[tilespmem:s14+$0x10] =	vst v3;
	v1 =	vsel vm1, v1, v6;
	vm1 =	vge.f32 v0, $1.000000000e+00;
	v6 =	vpop (erf)  }
0x141: {  	v3 =	vld [tilespmem:s16+$0x10];
	[tilespmem:s14+$0x20] =	vst v1;
	v0 =	vsel vm1, v0, v6;
	v6 =	vpop (erf)  }
0x142: {  	v9 =	vadd.f32 $-1.000000000e+00, v8;
	v1 =	vld [tilespmem:s16+$0x20];
	v2 =	vsel vm0, v2, v6;
	[tilespmem:s14+$0x30] =	vst v0  }
0x143: {  	s15 =	sadd.s32 $0x8, s15;
	v6 =	vadd.f32 $-1.000000000e+00, v7;
	v0 =	vld [tilespmem:s16+$0x30];
	[tilespmem:s14+$0xFFFFFFF0] =	vst v2;
	s14 =	smov.u32 s16  }
0x144: {  	p1 =	slt.u32 s15, $0x268;
	v9 =	vmul.f32 $1.442695020e+00, v9;
	v10 =	vadd.f32 $-1.000000000e+00, v5;
	v2 =	vld [tilespmem:s16+$0xFFFFFFF0]  }
0x145: {  	v6 =	vmul.f32 $1.442695020e+00, v6;
	v11 =	vadd.f32 $-1.000000000e+00, v4  }
0x146: {  	v10 =	vmul.f32 $1.442695020e+00, v10;
	v12 =	vadd.f32 $-1.000000000e+00, v3;
	(erf) = vpow2.f32 v9  }
0x147: {  	v9 =	vmul.f32 $1.442695020e+00, v11;
	v11 =	vadd.f32 $-1.000000000e+00, v1;
	(erf) = vpow2.f32 v6  }
0x148: {  	v6 =	vmul.f32 $1.442695020e+00, v12;
	v12 =	vadd.f32 $-1.000000000e+00, v0;
	(erf) = vpow2.f32 v10  }
0x149: {  	v10 =	vadd.f32 $-1.000000000e+00, v2;
	v11 =	vmul.f32 $1.442695020e+00, v11;
	(erf) = vpow2.f32 v9  }
0x14a: {  	vm0 =	vge.f32 v2, $1.000000000e+00;
	v9 =	vmul.f32 $1.442695020e+00, v12;
	(erf) = vpow2.f32 v6  }
0x14b: {  	v6 =	vmul.f32 $1.442695020e+00, v10;
	(erf) = vpow2.f32 v11  }
0x14c: {  	(erf) = vpow2.f32 v9  }
.Ltmp4:
0x14d: {  	(erf) = vpow2.f32 v6;
	(pc) =	sbr.rel @p1 .LBB2_6-.Ltmp4, $4  }
0x14e: {  	_ = 	snop  }
0x14f: {  	vm1 =	vge.f32 v8, $1.000000000e+00;
	v6 =	vpop (erf)  }
0x150: {  	v6 =	vsel vm1, v8, v6;
	vm1 =	vge.f32 v7, $1.000000000e+00;
	v8 =	vpop (erf)  }
0x151: {  	s16 =	sadd.s32 $0x80, s16;
	[tilespmem:s14+$0xFFFFFFC0] =	vst v6;
	v6 =	vsel vm1, v7, v8;
	vm1 =	vge.f32 v5, $1.000000000e+00;
	v7 =	vpop (erf)  }
0x152: {  	[tilespmem:s14+$0xFFFFFFD0] =	vst v6;
	v5 =	vsel vm1, v5, v7;
	vm1 =	vge.f32 v4, $1.000000000e+00;
	v6 =	vpop (erf)  }
0x153: {  	v4 =	vsel vm1, v4, v6;
	_ =	sdelay $0x1  }
0x154: {  	[tilespmem:s14+$0xFFFFFFE0] =	vst v5;
	vm1 =	vge.f32 v3, $1.000000000e+00;
	v5 =	vpop (erf)  }
0x155: {  	[tilespmem:s14+$0x0] =	vst v4;
	v3 =	vsel vm1, v3, v5;
	vm1 =	vge.f32 v1, $1.000000000e+00;
	v4 =	vpop (erf)  }
0x156: {  	v1 =	vsel vm1, v1, v4;
	_ =	sdelay $0x1  }
0x157: {  	[tilespmem:s14+$0x10] =	vst v3;
	vm1 =	vge.f32 v0, $1.000000000e+00;
	v3 =	vpop (erf)  }
0x158: {  	[tilespmem:s14+$0x20] =	vst v1;
	v0 =	vsel vm1, v0, v3;
	v1 =	vpop (erf)  }
0x159: {  	v1 =	vsel vm0, v2, v1;
	[tilespmem:s14+$0x30] =	vst v0  }
0x15a: {  	[tilespmem:s14+$0xFFFFFFF0] =	vst v1  }
0x15b: {  	v0 =	vld [tilespmem:$0x8B00];
	_ =	sdelay $0x4  }
0x15c: {  	v1 =	vadd.f32 $-1.000000000e+00, v0;
	_ =	sdelay $0x1  }
0x15d: {  	v1 =	vmul.f32 $1.442695020e+00, v1;
	_ =	sdelay $0x1  }
0x15e: {  	(erf) = vpow2.f32 v1;
	_ =	sdelay $0x8  }
0x15f: {  	vm0 =	vge.f32 v0, $1.000000000e+00;
	v1 =	vpop (erf)  }
0x160: {  	v0 =	vsel vm0, v0, v1  }
0x161: {  	[tilespmem:$0x8B00] =	vst v0  }
0x162: {  	[spmem:s30] =	stream.linear.scatter [tilespmem:s4], [sflag:$0x7], $0x2710, $0x38;
	[tilespmem:$0x1BC28] =	vst v63  }
0x163: {  	_ =	swait.ge [sflag:s7], $0x2710  }
0x164: {  	[sflag:s7] =	ssyncset.done $0x0  }
0x165: {  	s16 =	rddreg [dreg:$0xa];
	[sflag:s7] =	ssyncadd.s32 $0xFFFFD8F0  }
0x166: {  	[tilespmem:s4], [sflag:$0x3] =	stream.linear.gather [hbm4b:s16+s1], $0x2710, $0x38;
	[tilespmem:$0x1BC28] =	vst v63  }
0x167: {  	_ =	swait.ge [sflag:s8], $0x2710  }
0x168: {  	[sflag:s8] =	ssyncset.done $0x0  }
0x169: {  	s14 =	simm.s32 $0x9640;
	[sflag:s8] =	ssyncadd.s32 $0xFFFFD8F0  }
0x16a: {  	v6 =	vld [tilespmem:s14+$0xFFFFFFC0]  }
0x16b: {  	v7 =	vld [tilespmem:s14+$0xFFFFFFD0];
	_ =	sdelay $0x1  }
0x16c: {  	v5 =	vld [tilespmem:s14+$0xFFFFFFE0];
	_ =	sdelay $0x1  }
0x16d: {  	v0 =	vadd.f32 $-1.000000000e+00, v6  }
0x16e: {  	v4 =	vld [tilespmem:s14+$0x0];
	v1 =	vadd.f32 $-1.000000000e+00, v7  }
0x16f: {  	v3 =	vld [tilespmem:s14+$0x10];
	v0 =	vmul.f32 $1.442695020e+00, v0  }
0x170: {  	v2 =	vadd.f32 $-1.000000000e+00, v5;
	v8 =	vmul.f32 $1.442695020e+00, v1;
	v1 =	vld [tilespmem:s14+$0x20]  }
0x171: {  	(erf) = vpow2.f32 v0;
	v0 =	vld [tilespmem:s14+$0x30]  }
0x172: {  	v9 =	vmul.f32 $1.442695020e+00, v2;
	v2 =	vld [tilespmem:s14+$0xFFFFFFF0]  }
0x173: {  	(erf) = vpow2.f32 v8;
	v8 =	vadd.f32 $-1.000000000e+00, v4  }
0x174: {  	v61 =	vadd.f32 $-1.000000000e+00, v3  }
0x175: {  	v8 =	vmul.f32 $1.442695020e+00, v8;
	v10 =	vadd.f32 $-1.000000000e+00, v1  }
0x176: {  	(erf) = vpow2.f32 v9;
	v9 =	vmul.f32 $1.442695020e+00, v61;
	v11 =	vadd.f32 $-1.000000000e+00, v0  }
0x177: {  	v12 =	vadd.f32 $-1.000000000e+00, v2;
	v10 =	vmul.f32 $1.442695020e+00, v10;
	(erf) = vpow2.f32 v8  }
0x178: {  	(erf) = vpow2.f32 v9;
	v8 =	vmul.f32 $1.442695020e+00, v11  }
0x179: {  	v62 =	vmul.f32 $1.442695020e+00, v12;
	(erf) = vpow2.f32 v10  }
0x17a: {  	v63 =	vpop (erf);
	(erf) = vpow2.f32 v8  }
0x17b: {  	(erf) = vpow2.f32 v62;
	_ =	sdelay $0x1  }
0x17c: {  	vm1 =	vge.f32 v6, $1.000000000e+00  }
0x17d: {  	v6 =	vsel vm1, v6, v63;
	vm1 =	vge.f32 v7, $1.000000000e+00;
	v8 =	vpop (erf)  }
0x17e: {  	s15 =	simm.s32 $0x0;
	s16 =	simm.s32 $0x96C0;
	vm0 =	vge.f32 v2, $1.000000000e+00;
	[tilespmem:s14+$0xFFFFFFC0] =	vst v6;
	v6 =	vsel vm1, v7, v8;
	vm1 =	vge.f32 v5, $1.000000000e+00;
	v7 =	vpop (erf)  }
.LBB2_8:
0x17f: {  	v8 =	vld [tilespmem:s16+$0xFFFFFFC0];
	[tilespmem:s14+$0xFFFFFFD0] =	vst v6;
	v5 =	vsel vm1, v5, v7;
	vm1 =	vge.f32 v4, $1.000000000e+00;
	v6 =	vpop (erf)  }
0x180: {  	v7 =	vld [tilespmem:s16+$0xFFFFFFD0];
	[tilespmem:s14+$0xFFFFFFE0] =	vst v5;
	v4 =	vsel vm1, v4, v6;
	vm1 =	vge.f32 v3, $1.000000000e+00;
	v6 =	vpop (erf)  }
0x181: {  	v5 =	vld [tilespmem:s16+$0xFFFFFFE0];
	[tilespmem:s14+$0x0] =	vst v4;
	v3 =	vsel vm1, v3, v6;
	vm1 =	vge.f32 v1, $1.000000000e+00;
	v6 =	vpop (erf)  }
0x182: {  	v4 =	vld [tilespmem:s16+$0x0];
	[tilespmem:s14+$0x10] =	vst v3;
	v1 =	vsel vm1, v1, v6;
	vm1 =	vge.f32 v0, $1.000000000e+00;
	v6 =	vpop (erf)  }
0x183: {  	v3 =	vld [tilespmem:s16+$0x10];
	[tilespmem:s14+$0x20] =	vst v1;
	v0 =	vsel vm1, v0, v6;
	v6 =	vpop (erf)  }
0x184: {  	v9 =	vadd.f32 $-1.000000000e+00, v8;
	v1 =	vld [tilespmem:s16+$0x20];
	v2 =	vsel vm0, v2, v6;
	[tilespmem:s14+$0x30] =	vst v0  }
0x185: {  	s15 =	sadd.s32 $0x8, s15;
	v6 =	vadd.f32 $-1.000000000e+00, v7;
	v0 =	vld [tilespmem:s16+$0x30];
	[tilespmem:s14+$0xFFFFFFF0] =	vst v2;
	s14 =	smov.u32 s16  }
0x186: {  	p1 =	slt.u32 s15, $0x268;
	v9 =	vmul.f32 $1.442695020e+00, v9;
	v10 =	vadd.f32 $-1.000000000e+00, v5;
	v2 =	vld [tilespmem:s16+$0xFFFFFFF0]  }
0x187: {  	v6 =	vmul.f32 $1.442695020e+00, v6;
	v11 =	vadd.f32 $-1.000000000e+00, v4  }
0x188: {  	v10 =	vmul.f32 $1.442695020e+00, v10;
	v12 =	vadd.f32 $-1.000000000e+00, v3;
	(erf) = vpow2.f32 v9  }
0x189: {  	v9 =	vmul.f32 $1.442695020e+00, v11;
	v11 =	vadd.f32 $-1.000000000e+00, v1;
	(erf) = vpow2.f32 v6  }
0x18a: {  	v6 =	vmul.f32 $1.442695020e+00, v12;
	v12 =	vadd.f32 $-1.000000000e+00, v0;
	(erf) = vpow2.f32 v10  }
0x18b: {  	v10 =	vadd.f32 $-1.000000000e+00, v2;
	v11 =	vmul.f32 $1.442695020e+00, v11;
	(erf) = vpow2.f32 v9  }
0x18c: {  	vm0 =	vge.f32 v2, $1.000000000e+00;
	v9 =	vmul.f32 $1.442695020e+00, v12;
	(erf) = vpow2.f32 v6  }
0x18d: {  	v6 =	vmul.f32 $1.442695020e+00, v10;
	(erf) = vpow2.f32 v11  }
0x18e: {  	(erf) = vpow2.f32 v9  }
.Ltmp5:
0x18f: {  	(erf) = vpow2.f32 v6;
	(pc) =	sbr.rel @p1 .LBB2_8-.Ltmp5, $4  }
0x190: {  	_ = 	snop  }
0x191: {  	vm1 =	vge.f32 v8, $1.000000000e+00;
	v6 =	vpop (erf)  }
0x192: {  	v6 =	vsel vm1, v8, v6;
	vm1 =	vge.f32 v7, $1.000000000e+00;
	v8 =	vpop (erf)  }
0x193: {  	s16 =	sadd.s32 $0x80, s16;
	[tilespmem:s14+$0xFFFFFFC0] =	vst v6;
	v6 =	vsel vm1, v7, v8;
	vm1 =	vge.f32 v5, $1.000000000e+00;
	v7 =	vpop (erf)  }
0x194: {  	[tilespmem:s14+$0xFFFFFFD0] =	vst v6;
	v5 =	vsel vm1, v5, v7;
	vm1 =	vge.f32 v4, $1.000000000e+00;
	v6 =	vpop (erf)  }
0x195: {  	v4 =	vsel vm1, v4, v6;
	_ =	sdelay $0x1  }
0x196: {  	[tilespmem:s14+$0xFFFFFFE0] =	vst v5;
	vm1 =	vge.f32 v3, $1.000000000e+00;
	v5 =	vpop (erf)  }
0x197: {  	[tilespmem:s14+$0x0] =	vst v4;
	v3 =	vsel vm1, v3, v5;
	vm1 =	vge.f32 v1, $1.000000000e+00;
	v4 =	vpop (erf)  }
0x198: {  	v1 =	vsel vm1, v1, v4;
	_ =	sdelay $0x1  }
0x199: {  	[tilespmem:s14+$0x10] =	vst v3;
	vm1 =	vge.f32 v0, $1.000000000e+00;
	v3 =	vpop (erf)  }
0x19a: {  	[tilespmem:s14+$0x20] =	vst v1;
	v0 =	vsel vm1, v0, v3;
	v1 =	vpop (erf)  }
0x19b: {  	v1 =	vsel vm0, v2, v1;
	[tilespmem:s14+$0x30] =	vst v0  }
0x19c: {  	[tilespmem:s14+$0xFFFFFFF0] =	vst v1  }
0x19d: {  	v0 =	vld [tilespmem:$0xBD00];
	_ =	sdelay $0x4  }
0x19e: {  	v1 =	vadd.f32 $-1.000000000e+00, v0;
	_ =	sdelay $0x1  }
0x19f: {  	v1 =	vmul.f32 $1.442695020e+00, v1;
	_ =	sdelay $0x1  }
0x1a0: {  	(erf) = vpow2.f32 v1;
	_ =	sdelay $0x8  }
0x1a1: {  	vm0 =	vge.f32 v0, $1.000000000e+00;
	v1 =	vpop (erf)  }
0x1a2: {  	v0 =	vsel vm0, v0, v1  }
0x1a3: {  	[tilespmem:$0xBD00] =	vst v0  }
0x1a4: {  	[spmem:s31] =	stream.linear.scatter [tilespmem:s5], [sflag:$0x7], $0x2710, $0x38;
	[tilespmem:$0x1BC28] =	vst v63  }
0x1a5: {  	_ =	swait.ge [sflag:s7], $0x2710  }
0x1a6: {  	[sflag:s7] =	ssyncset.done $0x0  }
0x1a7: {  	s16 =	rddreg [dreg:$0xb];
	[sflag:s7] =	ssyncadd.s32 $0xFFFFD8F0  }
0x1a8: {  	[tilespmem:s5], [sflag:$0x4] =	stream.linear.gather [hbm4b:s16+s1], $0x2710, $0x38;
	[tilespmem:$0x1BC28] =	vst v63  }
0x1a9: {  	_ =	swait.ge [sflag:s6], $0x2710  }
0x1aa: {  	[sflag:s6] =	ssyncset.done $0x0  }
0x1ab: {  	s14 =	simm.s32 $0x6440;
	[sflag:s6] =	ssyncadd.s32 $0xFFFFD8F0  }
0x1ac: {  	v6 =	vld [tilespmem:s14+$0xFFFFFFC0]  }
0x1ad: {  	v7 =	vld [tilespmem:s14+$0xFFFFFFD0];
	_ =	sdelay $0x1  }
0x1ae: {  	v5 =	vld [tilespmem:s14+$0xFFFFFFE0];
	_ =	sdelay $0x1  }
0x1af: {  	v0 =	vadd.f32 $-1.000000000e+00, v6  }
0x1b0: {  	v4 =	vld [tilespmem:s14+$0x0];
	v1 =	vadd.f32 $-1.000000000e+00, v7  }
0x1b1: {  	v3 =	vld [tilespmem:s14+$0x10];
	v0 =	vmul.f32 $1.442695020e+00, v0  }
0x1b2: {  	v2 =	vadd.f32 $-1.000000000e+00, v5;
	v8 =	vmul.f32 $1.442695020e+00, v1;
	v1 =	vld [tilespmem:s14+$0x20]  }
0x1b3: {  	(erf) = vpow2.f32 v0;
	v0 =	vld [tilespmem:s14+$0x30]  }
0x1b4: {  	v9 =	vmul.f32 $1.442695020e+00, v2;
	v2 =	vld [tilespmem:s14+$0xFFFFFFF0]  }
0x1b5: {  	(erf) = vpow2.f32 v8;
	v8 =	vadd.f32 $-1.000000000e+00, v4  }
0x1b6: {  	v61 =	vadd.f32 $-1.000000000e+00, v3  }
0x1b7: {  	v8 =	vmul.f32 $1.442695020e+00, v8;
	v10 =	vadd.f32 $-1.000000000e+00, v1  }
0x1b8: {  	(erf) = vpow2.f32 v9;
	v9 =	vmul.f32 $1.442695020e+00, v61;
	v11 =	vadd.f32 $-1.000000000e+00, v0  }
0x1b9: {  	v12 =	vadd.f32 $-1.000000000e+00, v2;
	v10 =	vmul.f32 $1.442695020e+00, v10;
	(erf) = vpow2.f32 v8  }
0x1ba: {  	(erf) = vpow2.f32 v9;
	v8 =	vmul.f32 $1.442695020e+00, v11  }
0x1bb: {  	v62 =	vmul.f32 $1.442695020e+00, v12;
	(erf) = vpow2.f32 v10  }
0x1bc: {  	v63 =	vpop (erf);
	(erf) = vpow2.f32 v8  }
0x1bd: {  	(erf) = vpow2.f32 v62;
	_ =	sdelay $0x1  }
0x1be: {  	vm1 =	vge.f32 v6, $1.000000000e+00  }
0x1bf: {  	v6 =	vsel vm1, v6, v63;
	vm1 =	vge.f32 v7, $1.000000000e+00;
	v8 =	vpop (erf)  }
0x1c0: {  	s15 =	simm.s32 $0x0;
	s16 =	simm.s32 $0x64C0;
	vm0 =	vge.f32 v2, $1.000000000e+00;
	[tilespmem:s14+$0xFFFFFFC0] =	vst v6;
	v6 =	vsel vm1, v7, v8;
	vm1 =	vge.f32 v5, $1.000000000e+00;
	v7 =	vpop (erf)  }
.LBB2_10:
0x1c1: {  	v8 =	vld [tilespmem:s16+$0xFFFFFFC0];
	[tilespmem:s14+$0xFFFFFFD0] =	vst v6;
	v5 =	vsel vm1, v5, v7;
	vm1 =	vge.f32 v4, $1.000000000e+00;
	v6 =	vpop (erf)  }
0x1c2: {  	v7 =	vld [tilespmem:s16+$0xFFFFFFD0];
	[tilespmem:s14+$0xFFFFFFE0] =	vst v5;
	v4 =	vsel vm1, v4, v6;
	vm1 =	vge.f32 v3, $1.000000000e+00;
	v6 =	vpop (erf)  }
0x1c3: {  	v5 =	vld [tilespmem:s16+$0xFFFFFFE0];
	[tilespmem:s14+$0x0] =	vst v4;
	v3 =	vsel vm1, v3, v6;
	vm1 =	vge.f32 v1, $1.000000000e+00;
	v6 =	vpop (erf)  }
0x1c4: {  	v4 =	vld [tilespmem:s16+$0x0];
	[tilespmem:s14+$0x10] =	vst v3;
	v1 =	vsel vm1, v1, v6;
	vm1 =	vge.f32 v0, $1.000000000e+00;
	v6 =	vpop (erf)  }
0x1c5: {  	v3 =	vld [tilespmem:s16+$0x10];
	[tilespmem:s14+$0x20] =	vst v1;
	v0 =	vsel vm1, v0, v6;
	v6 =	vpop (erf)  }
0x1c6: {  	v9 =	vadd.f32 $-1.000000000e+00, v8;
	v1 =	vld [tilespmem:s16+$0x20];
	v2 =	vsel vm0, v2, v6;
	[tilespmem:s14+$0x30] =	vst v0  }
0x1c7: {  	s15 =	sadd.s32 $0x8, s15;
	v6 =	vadd.f32 $-1.000000000e+00, v7;
	v0 =	vld [tilespmem:s16+$0x30];
	[tilespmem:s14+$0xFFFFFFF0] =	vst v2;
	s14 =	smov.u32 s16  }
0x1c8: {  	p1 =	slt.u32 s15, $0x268;
	v9 =	vmul.f32 $1.442695020e+00, v9;
	v10 =	vadd.f32 $-1.000000000e+00, v5;
	v2 =	vld [tilespmem:s16+$0xFFFFFFF0]  }
0x1c9: {  	v6 =	vmul.f32 $1.442695020e+00, v6;
	v11 =	vadd.f32 $-1.000000000e+00, v4  }
0x1ca: {  	v10 =	vmul.f32 $1.442695020e+00, v10;
	v12 =	vadd.f32 $-1.000000000e+00, v3;
	(erf) = vpow2.f32 v9  }
0x1cb: {  	v9 =	vmul.f32 $1.442695020e+00, v11;
	v11 =	vadd.f32 $-1.000000000e+00, v1;
	(erf) = vpow2.f32 v6  }
0x1cc: {  	v6 =	vmul.f32 $1.442695020e+00, v12;
	v12 =	vadd.f32 $-1.000000000e+00, v0;
	(erf) = vpow2.f32 v10  }
0x1cd: {  	v10 =	vadd.f32 $-1.000000000e+00, v2;
	v11 =	vmul.f32 $1.442695020e+00, v11;
	(erf) = vpow2.f32 v9  }
0x1ce: {  	vm0 =	vge.f32 v2, $1.000000000e+00;
	v9 =	vmul.f32 $1.442695020e+00, v12;
	(erf) = vpow2.f32 v6  }
0x1cf: {  	v6 =	vmul.f32 $1.442695020e+00, v10;
	(erf) = vpow2.f32 v11  }
0x1d0: {  	(erf) = vpow2.f32 v9  }
.Ltmp6:
0x1d1: {  	(erf) = vpow2.f32 v6;
	(pc) =	sbr.rel @p1 .LBB2_10-.Ltmp6, $4  }
0x1d2: {  	_ = 	snop  }
0x1d3: {  	vm1 =	vge.f32 v8, $1.000000000e+00;
	v6 =	vpop (erf)  }
0x1d4: {  	v6 =	vsel vm1, v8, v6;
	vm1 =	vge.f32 v7, $1.000000000e+00;
	v8 =	vpop (erf)  }
0x1d5: {  	s16 =	sadd.s32 $0x80, s16;
	[tilespmem:s14+$0xFFFFFFC0] =	vst v6;
	v6 =	vsel vm1, v7, v8;
	vm1 =	vge.f32 v5, $1.000000000e+00;
	v7 =	vpop (erf)  }
0x1d6: {  	[tilespmem:s14+$0xFFFFFFD0] =	vst v6;
	v5 =	vsel vm1, v5, v7;
	vm1 =	vge.f32 v4, $1.000000000e+00;
	v6 =	vpop (erf)  }
0x1d7: {  	v4 =	vsel vm1, v4, v6;
	_ =	sdelay $0x1  }
0x1d8: {  	[tilespmem:s14+$0xFFFFFFE0] =	vst v5;
	vm1 =	vge.f32 v3, $1.000000000e+00;
	v5 =	vpop (erf)  }
0x1d9: {  	[tilespmem:s14+$0x0] =	vst v4;
	v3 =	vsel vm1, v3, v5;
	vm1 =	vge.f32 v1, $1.000000000e+00;
	v4 =	vpop (erf)  }
0x1da: {  	v1 =	vsel vm1, v1, v4;
	_ =	sdelay $0x1  }
0x1db: {  	[tilespmem:s14+$0x10] =	vst v3;
	vm1 =	vge.f32 v0, $1.000000000e+00;
	v3 =	vpop (erf)  }
0x1dc: {  	[tilespmem:s14+$0x20] =	vst v1;
	v0 =	vsel vm1, v0, v3;
	v1 =	vpop (erf)  }
0x1dd: {  	v1 =	vsel vm0, v2, v1;
	[tilespmem:s14+$0x30] =	vst v0  }
0x1de: {  	[tilespmem:s14+$0xFFFFFFF0] =	vst v1  }
0x1df: {  	v0 =	vld [tilespmem:$0x8B00];
	_ =	sdelay $0x4  }
0x1e0: {  	v1 =	vadd.f32 $-1.000000000e+00, v0;
	_ =	sdelay $0x1  }
0x1e1: {  	v1 =	vmul.f32 $1.442695020e+00, v1;
	_ =	sdelay $0x1  }
0x1e2: {  	(erf) = vpow2.f32 v1;
	_ =	sdelay $0x8  }
0x1e3: {  	vm0 =	vge.f32 v0, $1.000000000e+00;
	v1 =	vpop (erf)  }
0x1e4: {  	v0 =	vsel vm0, v0, v1  }
0x1e5: {  	[tilespmem:$0x8B00] =	vst v0  }
0x1e6: {  	[spmem:s21] =	stream.linear.scatter [tilespmem:s4], [sflag:$0x7], $0x2710, $0x38;
	[tilespmem:$0x1BC28] =	vst v63  }
0x1e7: {  	_ =	swait.ge [sflag:s7], $0x2710  }
0x1e8: {  	s15 =	simm.s32 @!p0 $0x6400;
	[sflag:s7] =	ssyncset.done $0x0  }
0x1e9: {  	s14 =	simm.s32 @!p0 $0x0;
	s16 =	rddreg [dreg:$0xc];
	[sflag:s7] =	ssyncadd.s32 $0xFFFFD8F0  }
0x1ea: {  	[tilespmem:s15], [sflag:$0x3] =	stream.linear.gather @!p0 [hbm4b:s16+s14], $0x2710, $0x38;
	[tilespmem:$0x1BC28] =	vst v63  }
0x1eb: {  	_ =	swait.ge [sflag:s8], $0x2710  }
0x1ec: {  	[sflag:s8] =	ssyncset.done $0x0  }
0x1ed: {  	s14 =	simm.s32 $0x9640;
	[sflag:s8] =	ssyncadd.s32 $0xFFFFD8F0  }
0x1ee: {  	v6 =	vld [tilespmem:s14+$0xFFFFFFC0]  }
0x1ef: {  	v7 =	vld [tilespmem:s14+$0xFFFFFFD0];
	_ =	sdelay $0x1  }
0x1f0: {  	v5 =	vld [tilespmem:s14+$0xFFFFFFE0];
	_ =	sdelay $0x1  }
0x1f1: {  	v0 =	vadd.f32 $-1.000000000e+00, v6  }
0x1f2: {  	v4 =	vld [tilespmem:s14+$0x0];
	v1 =	vadd.f32 $-1.000000000e+00, v7  }
0x1f3: {  	v3 =	vld [tilespmem:s14+$0x10];
	v0 =	vmul.f32 $1.442695020e+00, v0  }
0x1f4: {  	v2 =	vadd.f32 $-1.000000000e+00, v5;
	v8 =	vmul.f32 $1.442695020e+00, v1;
	v1 =	vld [tilespmem:s14+$0x20]  }
0x1f5: {  	(erf) = vpow2.f32 v0;
	v0 =	vld [tilespmem:s14+$0x30]  }
0x1f6: {  	v9 =	vmul.f32 $1.442695020e+00, v2;
	v2 =	vld [tilespmem:s14+$0xFFFFFFF0]  }
0x1f7: {  	(erf) = vpow2.f32 v8;
	v8 =	vadd.f32 $-1.000000000e+00, v4  }
0x1f8: {  	v61 =	vadd.f32 $-1.000000000e+00, v3  }
0x1f9: {  	v8 =	vmul.f32 $1.442695020e+00, v8;
	v10 =	vadd.f32 $-1.000000000e+00, v1  }
0x1fa: {  	(erf) = vpow2.f32 v9;
	v9 =	vmul.f32 $1.442695020e+00, v61;
	v11 =	vadd.f32 $-1.000000000e+00, v0  }
0x1fb: {  	v12 =	vadd.f32 $-1.000000000e+00, v2;
	v10 =	vmul.f32 $1.442695020e+00, v10;
	(erf) = vpow2.f32 v8  }
0x1fc: {  	(erf) = vpow2.f32 v9;
	v8 =	vmul.f32 $1.442695020e+00, v11  }
0x1fd: {  	v62 =	vmul.f32 $1.442695020e+00, v12;
	(erf) = vpow2.f32 v10  }
0x1fe: {  	v63 =	vpop (erf);
	(erf) = vpow2.f32 v8  }
0x1ff: {  	(erf) = vpow2.f32 v62;
	_ =	sdelay $0x1  }
0x200: {  	vm1 =	vge.f32 v6, $1.000000000e+00  }
0x201: {  	v6 =	vsel vm1, v6, v63;
	vm1 =	vge.f32 v7, $1.000000000e+00;
	v8 =	vpop (erf)  }
0x202: {  	s15 =	simm.s32 $0x0;
	s16 =	simm.s32 $0x96C0;
	vm0 =	vge.f32 v2, $1.000000000e+00;
	[tilespmem:s14+$0xFFFFFFC0] =	vst v6;
	v6 =	vsel vm1, v7, v8;
	vm1 =	vge.f32 v5, $1.000000000e+00;
	v7 =	vpop (erf)  }
.LBB2_12:
0x203: {  	v8 =	vld [tilespmem:s16+$0xFFFFFFC0];
	[tilespmem:s14+$0xFFFFFFD0] =	vst v6;
	v5 =	vsel vm1, v5, v7;
	vm1 =	vge.f32 v4, $1.000000000e+00;
	v6 =	vpop (erf)  }
0x204: {  	v7 =	vld [tilespmem:s16+$0xFFFFFFD0];
	[tilespmem:s14+$0xFFFFFFE0] =	vst v5;
	v4 =	vsel vm1, v4, v6;
	vm1 =	vge.f32 v3, $1.000000000e+00;
	v6 =	vpop (erf)  }
0x205: {  	v5 =	vld [tilespmem:s16+$0xFFFFFFE0];
	[tilespmem:s14+$0x0] =	vst v4;
	v3 =	vsel vm1, v3, v6;
	vm1 =	vge.f32 v1, $1.000000000e+00;
	v6 =	vpop (erf)  }
0x206: {  	v4 =	vld [tilespmem:s16+$0x0];
	[tilespmem:s14+$0x10] =	vst v3;
	v1 =	vsel vm1, v1, v6;
	vm1 =	vge.f32 v0, $1.000000000e+00;
	v6 =	vpop (erf)  }
0x207: {  	v3 =	vld [tilespmem:s16+$0x10];
	[tilespmem:s14+$0x20] =	vst v1;
	v0 =	vsel vm1, v0, v6;
	v6 =	vpop (erf)  }
0x208: {  	v9 =	vadd.f32 $-1.000000000e+00, v8;
	v1 =	vld [tilespmem:s16+$0x20];
	v2 =	vsel vm0, v2, v6;
	[tilespmem:s14+$0x30] =	vst v0  }
0x209: {  	s15 =	sadd.s32 $0x8, s15;
	v6 =	vadd.f32 $-1.000000000e+00, v7;
	v0 =	vld [tilespmem:s16+$0x30];
	[tilespmem:s14+$0xFFFFFFF0] =	vst v2;
	s14 =	smov.u32 s16  }
0x20a: {  	p1 =	slt.u32 s15, $0x268;
	v9 =	vmul.f32 $1.442695020e+00, v9;
	v10 =	vadd.f32 $-1.000000000e+00, v5;
	v2 =	vld [tilespmem:s16+$0xFFFFFFF0]  }
0x20b: {  	v6 =	vmul.f32 $1.442695020e+00, v6;
	v11 =	vadd.f32 $-1.000000000e+00, v4  }
0x20c: {  	v10 =	vmul.f32 $1.442695020e+00, v10;
	v12 =	vadd.f32 $-1.000000000e+00, v3;
	(erf) = vpow2.f32 v9  }
0x20d: {  	v9 =	vmul.f32 $1.442695020e+00, v11;
	v11 =	vadd.f32 $-1.000000000e+00, v1;
	(erf) = vpow2.f32 v6  }
0x20e: {  	v6 =	vmul.f32 $1.442695020e+00, v12;
	v12 =	vadd.f32 $-1.000000000e+00, v0;
	(erf) = vpow2.f32 v10  }
0x20f: {  	v10 =	vadd.f32 $-1.000000000e+00, v2;
	v11 =	vmul.f32 $1.442695020e+00, v11;
	(erf) = vpow2.f32 v9  }
0x210: {  	vm0 =	vge.f32 v2, $1.000000000e+00;
	v9 =	vmul.f32 $1.442695020e+00, v12;
	(erf) = vpow2.f32 v6  }
0x211: {  	v6 =	vmul.f32 $1.442695020e+00, v10;
	(erf) = vpow2.f32 v11  }
0x212: {  	(erf) = vpow2.f32 v9  }
.Ltmp7:
0x213: {  	(erf) = vpow2.f32 v6;
	(pc) =	sbr.rel @p1 .LBB2_12-.Ltmp7, $4  }
0x214: {  	_ = 	snop  }
0x215: {  	vm1 =	vge.f32 v8, $1.000000000e+00;
	v6 =	vpop (erf)  }
0x216: {  	v6 =	vsel vm1, v8, v6;
	vm1 =	vge.f32 v7, $1.000000000e+00;
	v8 =	vpop (erf)  }
0x217: {  	s16 =	sadd.s32 $0x80, s16;
	[tilespmem:s14+$0xFFFFFFC0] =	vst v6;
	v6 =	vsel vm1, v7, v8;
	vm1 =	vge.f32 v5, $1.000000000e+00;
	v7 =	vpop (erf)  }
0x218: {  	[tilespmem:s14+$0xFFFFFFD0] =	vst v6;
	v5 =	vsel vm1, v5, v7;
	vm11 =	vge.f32 v4, $1.000000000e+00;
	v58 =	vpop (erf)  }
0x219: {  	vm12 =	vge.f32 v3, $1.000000000e+00;
	[tilespmem:s14+$0xFFFFFFE0] =	vst v5;
	v4 =	vsel vm11, v4, v58;
	v59 =	vpop (erf)  }
0x21a: {  	vm13 =	vge.f32 v1, $1.000000000e+00;
	[tilespmem:s14+$0x0] =	vst v4;
	v3 =	vsel vm12, v3, v59;
	v60 =	vpop (erf)  }
0x21b: {  	vm14 =	vge.f32 v0, $1.000000000e+00;
	[tilespmem:s14+$0x10] =	vst v3;
	v1 =	vsel vm13, v1, v60;
	v61 =	vpop (erf)  }
0x21c: {  	[tilespmem:s14+$0x20] =	vst v1;
	v0 =	vsel vm14, v0, v61;
	v62 =	vpop (erf)  }
0x21d: {  	v1 =	vsel vm0, v2, v62;
	[tilespmem:s14+$0x30] =	vst v0  }
0x21e: {  	[tilespmem:s14+$0xFFFFFFF0] =	vst v1  }
0x21f: {  	v0 =	vld [tilespmem:$0xBD00];
	_ =	sdelay $0x4  }
0x220: {  	v63 =	vadd.f32 $-1.000000000e+00, v0;
	_ =	sdelay $0x1  }
0x221: {  	v1 =	vmul.f32 $1.442695020e+00, v63;
	_ =	sdelay $0x1  }
0x222: {  	(erf) = vpow2.f32 v1;
	_ =	sdelay $0x8  }
0x223: {  	vm15 =	vge.f32 v0, $1.000000000e+00;
	v1 =	vpop (erf)  }
0x224: {  	v0 =	vsel vm15, v0, v1  }
.Ltmp8:
0x225: {  	[tilespmem:$0xBD00] =	vst v0;
	(pc) =	sbr.rel @p0 .LBB2_17-.Ltmp8, $4  }
0x226: {  	[spmem:s0] =	stream.linear.scatter [tilespmem:s5], [sflag:$0x7], $0x2710, $0x38;
	[tilespmem:$0x1BC28] =	vst v63  }
0x227: {  	_ =	swait.ge [sflag:s7], $0x2710  }
0x228: {  	[sflag:s7] =	ssyncset.done $0x0  }
0x229: {  	[sflag:s7] =	ssyncadd.s32 $0xFFFFD8F0  }
0x22a: {  	_ =	swait.ge [sflag:s6], $0x2710  }
0x22b: {  	[sflag:s6] =	ssyncset.done $0x0  }
0x22c: {  	s14 =	simm.s32 $0x6440;
	[sflag:s6] =	ssyncadd.s32 $0xFFFFD8F0  }
0x22d: {  	v6 =	vld [tilespmem:s14+$0xFFFFFFC0]  }
0x22e: {  	v7 =	vld [tilespmem:s14+$0xFFFFFFD0];
	_ =	sdelay $0x1  }
0x22f: {  	v5 =	vld [tilespmem:s14+$0xFFFFFFE0];
	_ =	sdelay $0x1  }
0x230: {  	v0 =	vadd.f32 $-1.000000000e+00, v6  }
0x231: {  	v4 =	vld [tilespmem:s14+$0x0];
	v1 =	vadd.f32 $-1.000000000e+00, v7  }
0x232: {  	v3 =	vld [tilespmem:s14+$0x10];
	v0 =	vmul.f32 $1.442695020e+00, v0  }
0x233: {  	v2 =	vadd.f32 $-1.000000000e+00, v5;
	v8 =	vmul.f32 $1.442695020e+00, v1;
	v1 =	vld [tilespmem:s14+$0x20]  }
0x234: {  	(erf) = vpow2.f32 v0;
	v0 =	vld [tilespmem:s14+$0x30]  }
0x235: {  	v9 =	vmul.f32 $1.442695020e+00, v2;
	v2 =	vld [tilespmem:s14+$0xFFFFFFF0]  }
0x236: {  	(erf) = vpow2.f32 v8;
	v8 =	vadd.f32 $-1.000000000e+00, v4  }
0x237: {  	v61 =	vadd.f32 $-1.000000000e+00, v3  }
0x238: {  	v8 =	vmul.f32 $1.442695020e+00, v8;
	v10 =	vadd.f32 $-1.000000000e+00, v1  }
0x239: {  	(erf) = vpow2.f32 v9;
	v9 =	vmul.f32 $1.442695020e+00, v61;
	v11 =	vadd.f32 $-1.000000000e+00, v0  }
0x23a: {  	v12 =	vadd.f32 $-1.000000000e+00, v2;
	v10 =	vmul.f32 $1.442695020e+00, v10;
	(erf) = vpow2.f32 v8  }
0x23b: {  	(erf) = vpow2.f32 v9;
	v8 =	vmul.f32 $1.442695020e+00, v11  }
0x23c: {  	v62 =	vmul.f32 $1.442695020e+00, v12;
	(erf) = vpow2.f32 v10  }
0x23d: {  	(erf) = vpow2.f32 v8  }
0x23e: {  	v63 =	vpop (erf);
	(erf) = vpow2.f32 v62;
	_ =	sdelay $0x1  }
0x23f: {  	vm1 =	vge.f32 v6, $1.000000000e+00  }
0x240: {  	v6 =	vsel vm1, v6, v63;
	vm1 =	vge.f32 v7, $1.000000000e+00;
	v8 =	vpop (erf)  }
0x241: {  	s15 =	simm.s32 $0x0;
	s16 =	simm.s32 $0x64C0;
	vm0 =	vge.f32 v2, $1.000000000e+00;
	[tilespmem:s14+$0xFFFFFFC0] =	vst v6;
	v6 =	vsel vm1, v7, v8;
	vm1 =	vge.f32 v5, $1.000000000e+00;
	v7 =	vpop (erf)  }
.LBB2_15:
0x242: {  	v8 =	vld [tilespmem:s16+$0xFFFFFFC0];
	[tilespmem:s14+$0xFFFFFFD0] =	vst v6;
	v5 =	vsel vm1, v5, v7;
	vm1 =	vge.f32 v4, $1.000000000e+00;
	v6 =	vpop (erf)  }
0x243: {  	v7 =	vld [tilespmem:s16+$0xFFFFFFD0];
	[tilespmem:s14+$0xFFFFFFE0] =	vst v5;
	v4 =	vsel vm1, v4, v6;
	vm1 =	vge.f32 v3, $1.000000000e+00;
	v6 =	vpop (erf)  }
0x244: {  	v5 =	vld [tilespmem:s16+$0xFFFFFFE0];
	[tilespmem:s14+$0x0] =	vst v4;
	v3 =	vsel vm1, v3, v6;
	vm1 =	vge.f32 v1, $1.000000000e+00;
	v6 =	vpop (erf)  }
0x245: {  	v4 =	vld [tilespmem:s16+$0x0];
	[tilespmem:s14+$0x10] =	vst v3;
	v1 =	vsel vm1, v1, v6;
	vm1 =	vge.f32 v0, $1.000000000e+00;
	v6 =	vpop (erf)  }
0x246: {  	v3 =	vld [tilespmem:s16+$0x10];
	[tilespmem:s14+$0x20] =	vst v1;
	v0 =	vsel vm1, v0, v6;
	v6 =	vpop (erf)  }
0x247: {  	v9 =	vadd.f32 $-1.000000000e+00, v8;
	v1 =	vld [tilespmem:s16+$0x20];
	v2 =	vsel vm0, v2, v6;
	[tilespmem:s14+$0x30] =	vst v0  }
0x248: {  	s15 =	sadd.s32 $0x8, s15;
	v6 =	vadd.f32 $-1.000000000e+00, v7;
	v0 =	vld [tilespmem:s16+$0x30];
	[tilespmem:s14+$0xFFFFFFF0] =	vst v2;
	s14 =	smov.u32 s16  }
0x249: {  	p1 =	slt.u32 s15, $0x268;
	v9 =	vmul.f32 $1.442695020e+00, v9;
	v10 =	vadd.f32 $-1.000000000e+00, v5;
	v2 =	vld [tilespmem:s16+$0xFFFFFFF0]  }
0x24a: {  	v6 =	vmul.f32 $1.442695020e+00, v6;
	v11 =	vadd.f32 $-1.000000000e+00, v4  }
0x24b: {  	v10 =	vmul.f32 $1.442695020e+00, v10;
	v12 =	vadd.f32 $-1.000000000e+00, v3;
	(erf) = vpow2.f32 v9  }
0x24c: {  	v9 =	vmul.f32 $1.442695020e+00, v11;
	v11 =	vadd.f32 $-1.000000000e+00, v1;
	(erf) = vpow2.f32 v6  }
0x24d: {  	v6 =	vmul.f32 $1.442695020e+00, v12;
	v12 =	vadd.f32 $-1.000000000e+00, v0;
	(erf) = vpow2.f32 v10  }
0x24e: {  	v10 =	vadd.f32 $-1.000000000e+00, v2;
	v11 =	vmul.f32 $1.442695020e+00, v11;
	(erf) = vpow2.f32 v9  }
0x24f: {  	vm0 =	vge.f32 v2, $1.000000000e+00;
	v9 =	vmul.f32 $1.442695020e+00, v12;
	(erf) = vpow2.f32 v6  }
0x250: {  	v6 =	vmul.f32 $1.442695020e+00, v10;
	(erf) = vpow2.f32 v11  }
0x251: {  	(erf) = vpow2.f32 v9  }
.Ltmp9:
0x252: {  	(erf) = vpow2.f32 v6;
	(pc) =	sbr.rel @p1 .LBB2_15-.Ltmp9, $4  }
0x253: {  	_ = 	snop  }
0x254: {  	vm1 =	vge.f32 v8, $1.000000000e+00;
	v6 =	vpop (erf)  }
0x255: {  	v6 =	vsel vm1, v8, v6;
	vm1 =	vge.f32 v7, $1.000000000e+00;
	v8 =	vpop (erf)  }
0x256: {  	s16 =	sadd.s32 $0x80, s16;
	[tilespmem:s14+$0xFFFFFFC0] =	vst v6;
	v6 =	vsel vm1, v7, v8;
	vm1 =	vge.f32 v5, $1.000000000e+00;
	v7 =	vpop (erf)  }
.Ltmp10:
0x257: {  	_ = 	snop;
	(pc) =	sbr.rel .LBB2_16-.Ltmp10, $1  }
0x258: {  	_ =	sdelay $0x3  }
.LBB2_18:
0x259: {  	_ =	sfence.sel $0x180000  }
0x25a: {  	[bflag:$0x0] =	sbarrier.arrive $0xFFFF  }
0x25b: {  	_ =	strace $0x90000047  }
0x25c: {  	s0 =	stileid.u32;
	[bflag:$0x2] =	sbarrier.arrive $0xFFFF  }
0x25d: {  	p0 =	sne.s32 s0, $0x0;
	s0 =	rddreg [dreg:$0x4]  }
0x25e: {  	s0 =	sadd.s32 @!p0 $0x100000, s0  }
0x25f: {  	[sflag:s0] =	ssyncadd.tile.s32 @!p0 $0x1;
	_ =	shalt  }
.Lfunc_end2:
_tile_overlayer_lowered:
.L_overlay_start_2:
0x260: {  	(tag) =	ssettag $0x2  }
0x261: {  	s0 =	rddreg [dreg:$0x0];
	s2 =	stileid.u32  }
0x262: {  	s1 =	rddreg [dreg:$0x1];
	p0 =	sne.s32 s2, $0x0  }
0x263: {  	s3 =	rddreg [dreg:$0x2];
	[bflag:$0x3] =	sbarrier.arrive $0xFFFF;
	s2 =	simm.s32 @!p0 $0x1C07  }
0x264: {  	[timem:s3], [sflag:s2] =	dma.local @!p0 [hbm:s0], s1  }
0x265: {  	s0 =	simm.s32 @!p0 $0x7  }
0x266: {  	_ =	swait.ge @!p0 [sflag:s0], s1  }
0x267: {  	s1 =	ssub.s32 @!p0 $0x0, s1;
	[sflag:s0] =	ssyncset.done @!p0 $0x0  }
0x268: {  	[sflag:s0] =	ssyncadd.s32 @!p0 s1  }
0x269: {  	[bflag:$0x3] =	sbarrier.arrive $0xFFFF  }
0x26a: {  	_ =	shalt  }

</sc_bundles>
